<compile_context>
chip_gen: v7x
topology: tpu7x:2x2x1
jax: 0.10.2.dev20260603
libtpu: 0.0.44.dev20260713+nightly
codegen_flags: <defaults>
</compile_context>

<pallas_src>
import jax
import jax.numpy as jnp
from jax import lax
from jax.experimental import pallas as pl
from jax.experimental.pallas import tpu as pltpu
from jax.experimental.pallas import tpu_sc as plsc

D = 64
SCALE = 8.0
LANES = 16
CHUNKB = 8
NBUF = 2


def kernel(x, lut):
    b0, hist = x.shape
    nw = 32
    bw = b0 // nw
    rows = CHUNKB * hist
    nchunks = bw // CHUNKB
    x2 = (x.astype(jnp.int32) << 1)
    lut_p = jnp.pad(lut, ((0, 0), (0, 2 * D - lut.shape[1])))
    lut2 = lut_p.reshape(2 * lut.shape[0], D)

    mesh = plsc.VectorSubcoreMesh(core_axis_name="c", subcore_axis_name="s")

    @pl.kernel(
        mesh=mesh,
        compiler_params=pltpu.CompilerParams(
            use_tc_tiling_on_sc=False, needs_layout_passes=False
        ),
        out_type=jax.ShapeDtypeStruct((b0, 56, 128), jnp.float32),
        scratch_types=[
            [pltpu.VMEM((CHUNKB, hist), jnp.int32) for _ in range(NBUF)],
            [pltpu.VMEM((rows, D), jnp.float32) for _ in range(NBUF)],
            [pltpu.VMEM((CHUNKB, hist, D), jnp.float32) for _ in range(NBUF)],
            [pltpu.SemaphoreType.DMA for _ in range(NBUF)],
            [pltpu.SemaphoreType.DMA for _ in range(NBUF)],
        ],
    )
    def emb(idx_hbm, tab_hbm, out_hbm, idx_v, rows_v, out_v, gsem, osem):
        wid = lax.axis_index("s") * 2 + lax.axis_index("c")
        bbase = wid * bw

        def stage_and_gather(c, buf):
            pltpu.sync_copy(
                idx_hbm.at[pl.ds(bbase + c * CHUNKB, CHUNKB)], idx_v[buf]
            )
            for j in range(CHUNKB):
                pltpu.async_copy(
                    tab_hbm.at[idx_v[buf].at[j]],
                    rows_v[buf].at[pl.ds(j * hist, hist)],
                    gsem[buf],
                )

        def drain_rows(sem, buf):
            pltpu.make_async_copy(
                tab_hbm.at[pl.ds(0, rows)], rows_v[buf], sem
            ).wait()

        def drain_out(sem, buf):
            pltpu.make_async_copy(
                out_hbm.at[pl.ds(0, CHUNKB), pl.ds(0, hist), pl.ds(0, D)],
                out_v[buf],
                sem,
            ).wait()

        stage_and_gather(0, 0)

        @pl.loop(0, nchunks, step=NBUF)
        def chunk_body(c0):
            for phase in range(NBUF):
                c = c0 + phase
                cur = phase
                nxt = (phase + 1) % NBUF

                @pl.when(c + 1 < nchunks)
                def _prefetch():
                    stage_and_gather(c + 1, nxt)

                drain_rows(gsem[cur], cur)

                @pl.when(c >= NBUF)
                def _wait_out():
                    drain_out(osem[cur], cur)

                for j in range(CHUNKB):
                    @plsc.parallel_loop(0, hist, unroll=2)
                    def scale_row(i):
                        for g in range(D // LANES):
                            sl = pl.ds(g * LANES, LANES)
                            out_v[cur][j, i, sl] = (
                                rows_v[cur][j * hist + i, sl] * SCALE
                            )

                pltpu.async_copy(
                    out_v[cur],
                    out_hbm.at[pl.ds(bbase + c * CHUNKB, CHUNKB),
                               pl.ds(0, hist), pl.ds(0, D)],
                    osem[cur],
                )

        for buf in range(NBUF):
            drain_out(osem[buf], buf)

    return emb(x2, lut2)[:, :hist, :D]

# --- scband reference (transcript-rebuilt; emitter-appended) ---
"""Pipeline reference for scband-embeddings-12051678232954 (READ-ONLY COPY).

The authoritative reference and input builder live on the scoring server;
editing this copy changes nothing except your own understanding.
"""

import jax, jax.numpy as jnp
import numpy as np

D_MODEL = 64
VOCAB = 1000000
BATCH = 16384
HIST = 50

def setup_inputs(seed: int = 0) -> dict:
    key = jax.random.key(seed)
    k_idx, k_tab = jax.random.split(key)
    x = jax.random.randint(k_idx, (BATCH, HIST), 0, VOCAB, dtype=jnp.int64 if jax.config.jax_enable_x64 else jnp.int32)
    lut = jax.random.normal(k_tab, (VOCAB, D_MODEL), dtype=jnp.float32) * 0.02
    return {"x": x, "lut": lut}

def reference(x, lut):
    # Embeddings.forward: self.lut(x) * sqrt(d_model)
    scale = jnp.float32(np.sqrt(D_MODEL))
    return jnp.take(lut, x, axis=0) * scale

if __name__ == "__main__":
    import jax
    _d = setup_inputs()
    print(jax.jit(kernel)(*tuple(_d.values())))

</pallas_src>

<mosaic_0001>
#map = affine_map<(d0, d1) -> (0, 0)>
#map1 = affine_map<(d0, d1) -> (0, 0, 0)>
module attributes {stable_mosaic.version = 14 : i64} {
  func.func @emb(%arg0: i32, %arg1: i32, %arg2: memref<16384x50xi32, #tpu.memory_space<hbm>>, %arg3: memref<2000000x64xf32, #tpu.memory_space<hbm>>, %arg4: memref<16384x56x128xf32, #tpu.memory_space<hbm>>, %arg5: memref<8x50xi32, #tpu.memory_space<vmem>>, %arg6: memref<8x50xi32, #tpu.memory_space<vmem>>, %arg7: memref<400x64xf32, #tpu.memory_space<vmem>>, %arg8: memref<400x64xf32, #tpu.memory_space<vmem>>, %arg9: memref<8x50x64xf32, #tpu.memory_space<vmem>>, %arg10: memref<8x50x64xf32, #tpu.memory_space<vmem>>, %arg11: memref<!tpu.dma_semaphore, #tpu.memory_space<semaphore_mem>>, %arg12: memref<!tpu.dma_semaphore, #tpu.memory_space<semaphore_mem>>, %arg13: memref<!tpu.dma_semaphore, #tpu.memory_space<semaphore_mem>>, %arg14: memref<!tpu.dma_semaphore, #tpu.memory_space<semaphore_mem>>) attributes {dimension_semantics = [#tpu.dimension_semantics<core_parallel>, #tpu.dimension_semantics<subcore_parallel>], iteration_bounds = array<i64: 2, 16>, scalar_prefetch = 0 : i64, scratch_operands = 10 : i64, tpu.core_type = #tpu.core_type<sc_vector_subcore>, window_params = [{transform_indices = #map}, {transform_indices = #map}, {transform_indices = #map1}]} {
    %mul3A = arith.constant 2 : i32
    %mul3A_0 = arith.muli %arg1, %mul3A : i32
    %add3A = arith.addi %mul3A_0, %arg0 : i32
    %mul3A_1 = arith.constant 512 : i32
    %mul3A_2 = arith.muli %add3A, %mul3A_1 : i32
    %add3A_3 = arith.constant 0 : i32
    %add3A_4 = arith.addi %mul3A_2, %add3A_3 : i32
    "tpu.region"() ({
      %run_scoped3A = tpu.sem_alloc : memref<!tpu.dma_semaphore, #tpu.memory_space<semaphore_mem>>
      %dma_start3A_103 = arith.constant 0 : i32
      %dma_start3A_104 = tpu.memref_slice %arg2[%add3A_4, %dma_start3A_103] : memref<16384x50xi32, #tpu.memory_space<hbm>> -> memref<8x50xi32, #tpu.memory_space<hbm>>
      %dma_start3A_105 = arith.constant 0 : i32
      %dma_start3A_106 = tpu.memref_slice %arg2[%add3A_4, %dma_start3A_105] : memref<16384x50xi32, #tpu.memory_space<hbm>> -> memref<8x50xi32, #tpu.memory_space<hbm>>
      tpu.enqueue_dma source(%dma_start3A_106 : memref<8x50xi32, #tpu.memory_space<hbm>>) target(%arg5 : memref<8x50xi32, #tpu.memory_space<vmem>>) target_semaphore(%run_scoped3A : memref<!tpu.dma_semaphore, #tpu.memory_space<semaphore_mem>>)
      %dma_wait3A_107 = arith.constant 0 : i32
      %dma_wait3A_108 = tpu.memref_slice %arg2[%add3A_4, %dma_wait3A_107] : memref<16384x50xi32, #tpu.memory_space<hbm>> -> memref<8x50xi32, #tpu.memory_space<hbm>>
      %dma_wait3A_109 = arith.constant 0 : i32
      %dma_wait3A_110 = tpu.memref_slice %arg2[%add3A_4, %dma_wait3A_109] : memref<16384x50xi32, #tpu.memory_space<hbm>> -> memref<8x50xi32, #tpu.memory_space<hbm>>
      tpu.wait_dma2 semaphore(%run_scoped3A : memref<!tpu.dma_semaphore, #tpu.memory_space<semaphore_mem>>) src(%dma_wait3A_110 : memref<8x50xi32, #tpu.memory_space<hbm>>) dst(%arg5 : memref<8x50xi32, #tpu.memory_space<vmem>>)
      tpu.yield
    }) : () -> ()
    %dma_start3A = arith.constant 0 : i32
    %dma_start3A_5 = arith.constant 0 : i32
    %dma_start3A_6 = arith.constant 0 : i32
    %dma_start3A_7 = tpu.memref_slice %arg7[%dma_start3A_5, %dma_start3A_6] : memref<400x64xf32, #tpu.memory_space<vmem>> -> memref<50x64xf32, #tpu.memory_space<vmem>>
    %dma_start3A_8 = arith.constant 0 : i32
    %dma_start3A_9 = tpu.memref_slice %arg5[%dma_start3A, %dma_start3A_8] : memref<8x50xi32, #tpu.memory_space<vmem>> -> memref<1x50xi32, #tpu.memory_space<vmem>>
    %dma_start3A_10 = tpu.memref_squeeze %dma_start3A_9 : memref<1x50xi32, #tpu.memory_space<vmem>> -> memref<50xi32, #tpu.memory_space<vmem>>
    %dma_start3A_11 = arith.constant 0 : i32
    %dma_start3A_12 = arith.constant 0 : i32
    %dma_start3A_13 = tpu.memref_slice %arg3[%dma_start3A_11, %dma_start3A_12] : memref<2000000x64xf32, #tpu.memory_space<hbm>> -> memref<2000000x64xf32, #tpu.memory_space<hbm>>
    tpu.enqueue_indirect_dma source(%dma_start3A_13 : memref<2000000x64xf32, #tpu.memory_space<hbm>>) target(%dma_start3A_7 : memref<50x64xf32, #tpu.memory_space<vmem>>) offsets(%dma_start3A_10 : memref<50xi32, #tpu.memory_space<vmem>>) semaphore(%arg11 : memref<!tpu.dma_semaphore, #tpu.memory_space<semaphore_mem>>)
    %dma_start3A_14 = arith.constant 1 : i32
    %dma_start3A_15 = arith.constant 50 : i32
    %dma_start3A_16 = arith.constant 0 : i32
    %dma_start3A_17 = tpu.memref_slice %arg7[%dma_start3A_15, %dma_start3A_16] : memref<400x64xf32, #tpu.memory_space<vmem>> -> memref<50x64xf32, #tpu.memory_space<vmem>>
    %dma_start3A_18 = arith.constant 0 : i32
    %dma_start3A_19 = tpu.memref_slice %arg5[%dma_start3A_14, %dma_start3A_18] : memref<8x50xi32, #tpu.memory_space<vmem>> -> memref<1x50xi32, #tpu.memory_space<vmem>>
    %dma_start3A_20 = tpu.memref_squeeze %dma_start3A_19 : memref<1x50xi32, #tpu.memory_space<vmem>> -> memref<50xi32, #tpu.memory_space<vmem>>
    %dma_start3A_21 = arith.constant 0 : i32
    %dma_start3A_22 = arith.constant 0 : i32
    %dma_start3A_23 = tpu.memref_slice %arg3[%dma_start3A_21, %dma_start3A_22] : memref<2000000x64xf32, #tpu.memory_space<hbm>> -> memref<2000000x64xf32, #tpu.memory_space<hbm>>
    tpu.enqueue_indirect_dma source(%dma_start3A_23 : memref<2000000x64xf32, #tpu.memory_space<hbm>>) target(%dma_start3A_17 : memref<50x64xf32, #tpu.memory_space<vmem>>) offsets(%dma_start3A_20 : memref<50xi32, #tpu.memory_space<vmem>>) semaphore(%arg11 : memref<!tpu.dma_semaphore, #tpu.memory_space<semaphore_mem>>)
    %dma_start3A_24 = arith.constant 2 : i32
    %dma_start3A_25 = arith.constant 100 : i32
    %dma_start3A_26 = arith.constant 0 : i32
    %dma_start3A_27 = tpu.memref_slice %arg7[%dma_start3A_25, %dma_start3A_26] : memref<400x64xf32, #tpu.memory_space<vmem>> -> memref<50x64xf32, #tpu.memory_space<vmem>>
    %dma_start3A_28 = arith.constant 0 : i32
    %dma_start3A_29 = tpu.memref_slice %arg5[%dma_start3A_24, %dma_start3A_28] : memref<8x50xi32, #tpu.memory_space<vmem>> -> memref<1x50xi32, #tpu.memory_space<vmem>>
    %dma_start3A_30 = tpu.memref_squeeze %dma_start3A_29 : memref<1x50xi32, #tpu.memory_space<vmem>> -> memref<50xi32, #tpu.memory_space<vmem>>
    %dma_start3A_31 = arith.constant 0 : i32
    %dma_start3A_32 = arith.constant 0 : i32
    %dma_start3A_33 = tpu.memref_slice %arg3[%dma_start3A_31, %dma_start3A_32] : memref<2000000x64xf32, #tpu.memory_space<hbm>> -> memref<2000000x64xf32, #tpu.memory_space<hbm>>
    tpu.enqueue_indirect_dma source(%dma_start3A_33 : memref<2000000x64xf32, #tpu.memory_space<hbm>>) target(%dma_start3A_27 : memref<50x64xf32, #tpu.memory_space<vmem>>) offsets(%dma_start3A_30 : memref<50xi32, #tpu.memory_space<vmem>>) semaphore(%arg11 : memref<!tpu.dma_semaphore, #tpu.memory_space<semaphore_mem>>)
    %dma_start3A_34 = arith.constant 3 : i32
    %dma_start3A_35 = arith.constant 150 : i32
    %dma_start3A_36 = arith.constant 0 : i32
    %dma_start3A_37 = tpu.memref_slice %arg7[%dma_start3A_35, %dma_start3A_36] : memref<400x64xf32, #tpu.memory_space<vmem>> -> memref<50x64xf32, #tpu.memory_space<vmem>>
    %dma_start3A_38 = arith.constant 0 : i32
    %dma_start3A_39 = tpu.memref_slice %arg5[%dma_start3A_34, %dma_start3A_38] : memref<8x50xi32, #tpu.memory_space<vmem>> -> memref<1x50xi32, #tpu.memory_space<vmem>>
    %dma_start3A_40 = tpu.memref_squeeze %dma_start3A_39 : memref<1x50xi32, #tpu.memory_space<vmem>> -> memref<50xi32, #tpu.memory_space<vmem>>
    %dma_start3A_41 = arith.constant 0 : i32
    %dma_start3A_42 = arith.constant 0 : i32
    %dma_start3A_43 = tpu.memref_slice %arg3[%dma_start3A_41, %dma_start3A_42] : memref<2000000x64xf32, #tpu.memory_space<hbm>> -> memref<2000000x64xf32, #tpu.memory_space<hbm>>
    tpu.enqueue_indirect_dma source(%dma_start3A_43 : memref<2000000x64xf32, #tpu.memory_space<hbm>>) target(%dma_start3A_37 : memref<50x64xf32, #tpu.memory_space<vmem>>) offsets(%dma_start3A_40 : memref<50xi32, #tpu.memory_space<vmem>>) semaphore(%arg11 : memref<!tpu.dma_semaphore, #tpu.memory_space<semaphore_mem>>)
    %dma_start3A_44 = arith.constant 4 : i32
    %dma_start3A_45 = arith.constant 200 : i32
    %dma_start3A_46 = arith.constant 0 : i32
    %dma_start3A_47 = tpu.memref_slice %arg7[%dma_start3A_45, %dma_start3A_46] : memref<400x64xf32, #tpu.memory_space<vmem>> -> memref<50x64xf32, #tpu.memory_space<vmem>>
    %dma_start3A_48 = arith.constant 0 : i32
    %dma_start3A_49 = tpu.memref_slice %arg5[%dma_start3A_44, %dma_start3A_48] : memref<8x50xi32, #tpu.memory_space<vmem>> -> memref<1x50xi32, #tpu.memory_space<vmem>>
    %dma_start3A_50 = tpu.memref_squeeze %dma_start3A_49 : memref<1x50xi32, #tpu.memory_space<vmem>> -> memref<50xi32, #tpu.memory_space<vmem>>
    %dma_start3A_51 = arith.constant 0 : i32
    %dma_start3A_52 = arith.constant 0 : i32
    %dma_start3A_53 = tpu.memref_slice %arg3[%dma_start3A_51, %dma_start3A_52] : memref<2000000x64xf32, #tpu.memory_space<hbm>> -> memref<2000000x64xf32, #tpu.memory_space<hbm>>
    tpu.enqueue_indirect_dma source(%dma_start3A_53 : memref<2000000x64xf32, #tpu.memory_space<hbm>>) target(%dma_start3A_47 : memref<50x64xf32, #tpu.memory_space<vmem>>) offsets(%dma_start3A_50 : memref<50xi32, #tpu.memory_space<vmem>>) semaphore(%arg11 : memref<!tpu.dma_semaphore, #tpu.memory_space<semaphore_mem>>)
    %dma_start3A_54 = arith.constant 5 : i32
    %dma_start3A_55 = arith.constant 250 : i32
    %dma_start3A_56 = arith.constant 0 : i32
    %dma_start3A_57 = tpu.memref_slice %arg7[%dma_start3A_55, %dma_start3A_56] : memref<400x64xf32, #tpu.memory_space<vmem>> -> memref<50x64xf32, #tpu.memory_space<vmem>>
    %dma_start3A_58 = arith.constant 0 : i32
    %dma_start3A_59 = tpu.memref_slice %arg5[%dma_start3A_54, %dma_start3A_58] : memref<8x50xi32, #tpu.memory_space<vmem>> -> memref<1x50xi32, #tpu.memory_space<vmem>>
    %dma_start3A_60 = tpu.memref_squeeze %dma_start3A_59 : memref<1x50xi32, #tpu.memory_space<vmem>> -> memref<50xi32, #tpu.memory_space<vmem>>
    %dma_start3A_61 = arith.constant 0 : i32
    %dma_start3A_62 = arith.constant 0 : i32
    %dma_start3A_63 = tpu.memref_slice %arg3[%dma_start3A_61, %dma_start3A_62] : memref<2000000x64xf32, #tpu.memory_space<hbm>> -> memref<2000000x64xf32, #tpu.memory_space<hbm>>
    tpu.enqueue_indirect_dma source(%dma_start3A_63 : memref<2000000x64xf32, #tpu.memory_space<hbm>>) target(%dma_start3A_57 : memref<50x64xf32, #tpu.memory_space<vmem>>) offsets(%dma_start3A_60 : memref<50xi32, #tpu.memory_space<vmem>>) semaphore(%arg11 : memref<!tpu.dma_semaphore, #tpu.memory_space<semaphore_mem>>)
    %dma_start3A_64 = arith.constant 6 : i32
    %dma_start3A_65 = arith.constant 300 : i32
    %dma_start3A_66 = arith.constant 0 : i32
    %dma_start3A_67 = tpu.memref_slice %arg7[%dma_start3A_65, %dma_start3A_66] : memref<400x64xf32, #tpu.memory_space<vmem>> -> memref<50x64xf32, #tpu.memory_space<vmem>>
    %dma_start3A_68 = arith.constant 0 : i32
    %dma_start3A_69 = tpu.memref_slice %arg5[%dma_start3A_64, %dma_start3A_68] : memref<8x50xi32, #tpu.memory_space<vmem>> -> memref<1x50xi32, #tpu.memory_space<vmem>>
    %dma_start3A_70 = tpu.memref_squeeze %dma_start3A_69 : memref<1x50xi32, #tpu.memory_space<vmem>> -> memref<50xi32, #tpu.memory_space<vmem>>
    %dma_start3A_71 = arith.constant 0 : i32
    %dma_start3A_72 = arith.constant 0 : i32
    %dma_start3A_73 = tpu.memref_slice %arg3[%dma_start3A_71, %dma_start3A_72] : memref<2000000x64xf32, #tpu.memory_space<hbm>> -> memref<2000000x64xf32, #tpu.memory_space<hbm>>
    tpu.enqueue_indirect_dma source(%dma_start3A_73 : memref<2000000x64xf32, #tpu.memory_space<hbm>>) target(%dma_start3A_67 : memref<50x64xf32, #tpu.memory_space<vmem>>) offsets(%dma_start3A_70 : memref<50xi32, #tpu.memory_space<vmem>>) semaphore(%arg11 : memref<!tpu.dma_semaphore, #tpu.memory_space<semaphore_mem>>)
    %dma_start3A_74 = arith.constant 7 : i32
    %dma_start3A_75 = arith.constant 350 : i32
    %dma_start3A_76 = arith.constant 0 : i32
    %dma_start3A_77 = tpu.memref_slice %arg7[%dma_start3A_75, %dma_start3A_76] : memref<400x64xf32, #tpu.memory_space<vmem>> -> memref<50x64xf32, #tpu.memory_space<vmem>>
    %dma_start3A_78 = arith.constant 0 : i32
    %dma_start3A_79 = tpu.memref_slice %arg5[%dma_start3A_74, %dma_start3A_78] : memref<8x50xi32, #tpu.memory_space<vmem>> -> memref<1x50xi32, #tpu.memory_space<vmem>>
    %dma_start3A_80 = tpu.memref_squeeze %dma_start3A_79 : memref<1x50xi32, #tpu.memory_space<vmem>> -> memref<50xi32, #tpu.memory_space<vmem>>
    %dma_start3A_81 = arith.constant 0 : i32
    %dma_start3A_82 = arith.constant 0 : i32
    %dma_start3A_83 = tpu.memref_slice %arg3[%dma_start3A_81, %dma_start3A_82] : memref<2000000x64xf32, #tpu.memory_space<hbm>> -> memref<2000000x64xf32, #tpu.memory_space<hbm>>
    tpu.enqueue_indirect_dma source(%dma_start3A_83 : memref<2000000x64xf32, #tpu.memory_space<hbm>>) target(%dma_start3A_77 : memref<50x64xf32, #tpu.memory_space<vmem>>) offsets(%dma_start3A_80 : memref<50xi32, #tpu.memory_space<vmem>>) semaphore(%arg11 : memref<!tpu.dma_semaphore, #tpu.memory_space<semaphore_mem>>)
    %scan3A = arith.constant 0 : i32
    %scan3A_84 = arith.constant 32 : i32
    %scan3A_85 = arith.addi %scan3A, %scan3A_84 : i32
    %scan3A_86 = arith.constant 1 : i32
    scf.for %scan3A_103 = %scan3A to %scan3A_85 step %scan3A_86  : i32 {
      %mul3A_104 = arith.constant 2 : i32
      %mul3A_105 = arith.muli %scan3A_103, %mul3A_104 : i32
      %add3A_106 = arith.constant 0 : i32
      %add3A_107 = arith.addi %add3A_106, %mul3A_105 : i32
      %add3A_108 = arith.constant 0 : i32
      %add3A_109 = arith.addi %add3A_107, %add3A_108 : i32
      %add3A_110 = arith.constant 1 : i32
      %add3A_111 = arith.addi %add3A_109, %add3A_110 : i32
      %lt3A = arith.constant 64 : i32
      %lt3A_112 = arith.cmpi slt, %add3A_111, %lt3A : i32
      %convert_element_type3A = arith.extui %lt3A_112 : i1 to i32
      %cond3A = arith.constant 0 : i32
      %cond3A_113 = arith.cmpi ne, %convert_element_type3A, %cond3A : i32
      scf.if %cond3A_113 {
        %add3A_209 = arith.constant 1 : i32
        %add3A_210 = arith.addi %add3A_109, %add3A_209 : i32
        %mul3A_211 = arith.constant 8 : i32
        %mul3A_212 = arith.muli %add3A_210, %mul3A_211 : i32
        %add3A_213 = arith.addi %mul3A_2, %mul3A_212 : i32
        "tpu.region"() ({
          %run_scoped3A = tpu.sem_alloc : memref<!tpu.dma_semaphore, #tpu.memory_space<semaphore_mem>>
          %dma_start3A_294 = arith.constant 0 : i32
          %dma_start3A_295 = tpu.memref_slice %arg2[%add3A_213, %dma_start3A_294] : memref<16384x50xi32, #tpu.memory_space<hbm>> -> memref<8x50xi32, #tpu.memory_space<hbm>>
          %dma_start3A_296 = arith.constant 0 : i32
          %dma_start3A_297 = tpu.memref_slice %arg2[%add3A_213, %dma_start3A_296] : memref<16384x50xi32, #tpu.memory_space<hbm>> -> memref<8x50xi32, #tpu.memory_space<hbm>>
          tpu.enqueue_dma source(%dma_start3A_297 : memref<8x50xi32, #tpu.memory_space<hbm>>) target(%arg6 : memref<8x50xi32, #tpu.memory_space<vmem>>) target_semaphore(%run_scoped3A : memref<!tpu.dma_semaphore, #tpu.memory_space<semaphore_mem>>)
          %dma_wait3A_298 = arith.constant 0 : i32
          %dma_wait3A_299 = tpu.memref_slice %arg2[%add3A_213, %dma_wait3A_298] : memref<16384x50xi32, #tpu.memory_space<hbm>> -> memref<8x50xi32, #tpu.memory_space<hbm>>
          %dma_wait3A_300 = arith.constant 0 : i32
          %dma_wait3A_301 = tpu.memref_slice %arg2[%add3A_213, %dma_wait3A_300] : memref<16384x50xi32, #tpu.memory_space<hbm>> -> memref<8x50xi32, #tpu.memory_space<hbm>>
          tpu.wait_dma2 semaphore(%run_scoped3A : memref<!tpu.dma_semaphore, #tpu.memory_space<semaphore_mem>>) src(%dma_wait3A_301 : memref<8x50xi32, #tpu.memory_space<hbm>>) dst(%arg6 : memref<8x50xi32, #tpu.memory_space<vmem>>)
          tpu.yield
        }) : () -> ()
        %dma_start3A_214 = arith.constant 0 : i32
        %dma_start3A_215 = arith.constant 0 : i32
        %dma_start3A_216 = arith.constant 0 : i32
        %dma_start3A_217 = tpu.memref_slice %arg8[%dma_start3A_215, %dma_start3A_216] : memref<400x64xf32, #tpu.memory_space<vmem>> -> memref<50x64xf32, #tpu.memory_space<vmem>>
        %dma_start3A_218 = arith.constant 0 : i32
        %dma_start3A_219 = tpu.memref_slice %arg6[%dma_start3A_214, %dma_start3A_218] : memref<8x50xi32, #tpu.memory_space<vmem>> -> memref<1x50xi32, #tpu.memory_space<vmem>>
        %dma_start3A_220 = tpu.memref_squeeze %dma_start3A_219 : memref<1x50xi32, #tpu.memory_space<vmem>> -> memref<50xi32, #tpu.memory_space<vmem>>
        %dma_start3A_221 = arith.constant 0 : i32
        %dma_start3A_222 = arith.constant 0 : i32
        %dma_start3A_223 = tpu.memref_slice %arg3[%dma_start3A_221, %dma_start3A_222] : memref<2000000x64xf32, #tpu.memory_space<hbm>> -> memref<2000000x64xf32, #tpu.memory_space<hbm>>
        tpu.enqueue_indirect_dma source(%dma_start3A_223 : memref<2000000x64xf32, #tpu.memory_space<hbm>>) target(%dma_start3A_217 : memref<50x64xf32, #tpu.memory_space<vmem>>) offsets(%dma_start3A_220 : memref<50xi32, #tpu.memory_space<vmem>>) semaphore(%arg12 : memref<!tpu.dma_semaphore, #tpu.memory_space<semaphore_mem>>)
        %dma_start3A_224 = arith.constant 1 : i32
        %dma_start3A_225 = arith.constant 50 : i32
        %dma_start3A_226 = arith.constant 0 : i32
        %dma_start3A_227 = tpu.memref_slice %arg8[%dma_start3A_225, %dma_start3A_226] : memref<400x64xf32, #tpu.memory_space<vmem>> -> memref<50x64xf32, #tpu.memory_space<vmem>>
        %dma_start3A_228 = arith.constant 0 : i32
        %dma_start3A_229 = tpu.memref_slice %arg6[%dma_start3A_224, %dma_start3A_228] : memref<8x50xi32, #tpu.memory_space<vmem>> -> memref<1x50xi32, #tpu.memory_space<vmem>>
        %dma_start3A_230 = tpu.memref_squeeze %dma_start3A_229 : memref<1x50xi32, #tpu.memory_space<vmem>> -> memref<50xi32, #tpu.memory_space<vmem>>
        %dma_start3A_231 = arith.constant 0 : i32
        %dma_start3A_232 = arith.constant 0 : i32
        %dma_start3A_233 = tpu.memref_slice %arg3[%dma_start3A_231, %dma_start3A_232] : memref<2000000x64xf32, #tpu.memory_space<hbm>> -> memref<2000000x64xf32, #tpu.memory_space<hbm>>
        tpu.enqueue_indirect_dma source(%dma_start3A_233 : memref<2000000x64xf32, #tpu.memory_space<hbm>>) target(%dma_start3A_227 : memref<50x64xf32, #tpu.memory_space<vmem>>) offsets(%dma_start3A_230 : memref<50xi32, #tpu.memory_space<vmem>>) semaphore(%arg12 : memref<!tpu.dma_semaphore, #tpu.memory_space<semaphore_mem>>)
        %dma_start3A_234 = arith.constant 2 : i32
        %dma_start3A_235 = arith.constant 100 : i32
        %dma_start3A_236 = arith.constant 0 : i32
        %dma_start3A_237 = tpu.memref_slice %arg8[%dma_start3A_235, %dma_start3A_236] : memref<400x64xf32, #tpu.memory_space<vmem>> -> memref<50x64xf32, #tpu.memory_space<vmem>>
        %dma_start3A_238 = arith.constant 0 : i32
        %dma_start3A_239 = tpu.memref_slice %arg6[%dma_start3A_234, %dma_start3A_238] : memref<8x50xi32, #tpu.memory_space<vmem>> -> memref<1x50xi32, #tpu.memory_space<vmem>>
        %dma_start3A_240 = tpu.memref_squeeze %dma_start3A_239 : memref<1x50xi32, #tpu.memory_space<vmem>> -> memref<50xi32, #tpu.memory_space<vmem>>
        %dma_start3A_241 = arith.constant 0 : i32
        %dma_start3A_242 = arith.constant 0 : i32
        %dma_start3A_243 = tpu.memref_slice %arg3[%dma_start3A_241, %dma_start3A_242] : memref<2000000x64xf32, #tpu.memory_space<hbm>> -> memref<2000000x64xf32, #tpu.memory_space<hbm>>
        tpu.enqueue_indirect_dma source(%dma_start3A_243 : memref<2000000x64xf32, #tpu.memory_space<hbm>>) target(%dma_start3A_237 : memref<50x64xf32, #tpu.memory_space<vmem>>) offsets(%dma_start3A_240 : memref<50xi32, #tpu.memory_space<vmem>>) semaphore(%arg12 : memref<!tpu.dma_semaphore, #tpu.memory_space<semaphore_mem>>)
        %dma_start3A_244 = arith.constant 3 : i32
        %dma_start3A_245 = arith.constant 150 : i32
        %dma_start3A_246 = arith.constant 0 : i32
        %dma_start3A_247 = tpu.memref_slice %arg8[%dma_start3A_245, %dma_start3A_246] : memref<400x64xf32, #tpu.memory_space<vmem>> -> memref<50x64xf32, #tpu.memory_space<vmem>>
        %dma_start3A_248 = arith.constant 0 : i32
        %dma_start3A_249 = tpu.memref_slice %arg6[%dma_start3A_244, %dma_start3A_248] : memref<8x50xi32, #tpu.memory_space<vmem>> -> memref<1x50xi32, #tpu.memory_space<vmem>>
        %dma_start3A_250 = tpu.memref_squeeze %dma_start3A_249 : memref<1x50xi32, #tpu.memory_space<vmem>> -> memref<50xi32, #tpu.memory_space<vmem>>
        %dma_start3A_251 = arith.constant 0 : i32
        %dma_start3A_252 = arith.constant 0 : i32
        %dma_start3A_253 = tpu.memref_slice %arg3[%dma_start3A_251, %dma_start3A_252] : memref<2000000x64xf32, #tpu.memory_space<hbm>> -> memref<2000000x64xf32, #tpu.memory_space<hbm>>
        tpu.enqueue_indirect_dma source(%dma_start3A_253 : memref<2000000x64xf32, #tpu.memory_space<hbm>>) target(%dma_start3A_247 : memref<50x64xf32, #tpu.memory_space<vmem>>) offsets(%dma_start3A_250 : memref<50xi32, #tpu.memory_space<vmem>>) semaphore(%arg12 : memref<!tpu.dma_semaphore, #tpu.memory_space<semaphore_mem>>)
        %dma_start3A_254 = arith.constant 4 : i32
        %dma_start3A_255 = arith.constant 200 : i32
        %dma_start3A_256 = arith.constant 0 : i32
        %dma_start3A_257 = tpu.memref_slice %arg8[%dma_start3A_255, %dma_start3A_256] : memref<400x64xf32, #tpu.memory_space<vmem>> -> memref<50x64xf32, #tpu.memory_space<vmem>>
        %dma_start3A_258 = arith.constant 0 : i32
        %dma_start3A_259 = tpu.memref_slice %arg6[%dma_start3A_254, %dma_start3A_258] : memref<8x50xi32, #tpu.memory_space<vmem>> -> memref<1x50xi32, #tpu.memory_space<vmem>>
        %dma_start3A_260 = tpu.memref_squeeze %dma_start3A_259 : memref<1x50xi32, #tpu.memory_space<vmem>> -> memref<50xi32, #tpu.memory_space<vmem>>
        %dma_start3A_261 = arith.constant 0 : i32
        %dma_start3A_262 = arith.constant 0 : i32
        %dma_start3A_263 = tpu.memref_slice %arg3[%dma_start3A_261, %dma_start3A_262] : memref<2000000x64xf32, #tpu.memory_space<hbm>> -> memref<2000000x64xf32, #tpu.memory_space<hbm>>
        tpu.enqueue_indirect_dma source(%dma_start3A_263 : memref<2000000x64xf32, #tpu.memory_space<hbm>>) target(%dma_start3A_257 : memref<50x64xf32, #tpu.memory_space<vmem>>) offsets(%dma_start3A_260 : memref<50xi32, #tpu.memory_space<vmem>>) semaphore(%arg12 : memref<!tpu.dma_semaphore, #tpu.memory_space<semaphore_mem>>)
        %dma_start3A_264 = arith.constant 5 : i32
        %dma_start3A_265 = arith.constant 250 : i32
        %dma_start3A_266 = arith.constant 0 : i32
        %dma_start3A_267 = tpu.memref_slice %arg8[%dma_start3A_265, %dma_start3A_266] : memref<400x64xf32, #tpu.memory_space<vmem>> -> memref<50x64xf32, #tpu.memory_space<vmem>>
        %dma_start3A_268 = arith.constant 0 : i32
        %dma_start3A_269 = tpu.memref_slice %arg6[%dma_start3A_264, %dma_start3A_268] : memref<8x50xi32, #tpu.memory_space<vmem>> -> memref<1x50xi32, #tpu.memory_space<vmem>>
        %dma_start3A_270 = tpu.memref_squeeze %dma_start3A_269 : memref<1x50xi32, #tpu.memory_space<vmem>> -> memref<50xi32, #tpu.memory_space<vmem>>
        %dma_start3A_271 = arith.constant 0 : i32
        %dma_start3A_272 = arith.constant 0 : i32
        %dma_start3A_273 = tpu.memref_slice %arg3[%dma_start3A_271, %dma_start3A_272] : memref<2000000x64xf32, #tpu.memory_space<hbm>> -> memref<2000000x64xf32, #tpu.memory_space<hbm>>
        tpu.enqueue_indirect_dma source(%dma_start3A_273 : memref<2000000x64xf32, #tpu.memory_space<hbm>>) target(%dma_start3A_267 : memref<50x64xf32, #tpu.memory_space<vmem>>) offsets(%dma_start3A_270 : memref<50xi32, #tpu.memory_space<vmem>>) semaphore(%arg12 : memref<!tpu.dma_semaphore, #tpu.memory_space<semaphore_mem>>)
        %dma_start3A_274 = arith.constant 6 : i32
        %dma_start3A_275 = arith.constant 300 : i32
        %dma_start3A_276 = arith.constant 0 : i32
        %dma_start3A_277 = tpu.memref_slice %arg8[%dma_start3A_275, %dma_start3A_276] : memref<400x64xf32, #tpu.memory_space<vmem>> -> memref<50x64xf32, #tpu.memory_space<vmem>>
        %dma_start3A_278 = arith.constant 0 : i32
        %dma_start3A_279 = tpu.memref_slice %arg6[%dma_start3A_274, %dma_start3A_278] : memref<8x50xi32, #tpu.memory_space<vmem>> -> memref<1x50xi32, #tpu.memory_space<vmem>>
        %dma_start3A_280 = tpu.memref_squeeze %dma_start3A_279 : memref<1x50xi32, #tpu.memory_space<vmem>> -> memref<50xi32, #tpu.memory_space<vmem>>
        %dma_start3A_281 = arith.constant 0 : i32
        %dma_start3A_282 = arith.constant 0 : i32
        %dma_start3A_283 = tpu.memref_slice %arg3[%dma_start3A_281, %dma_start3A_282] : memref<2000000x64xf32, #tpu.memory_space<hbm>> -> memref<2000000x64xf32, #tpu.memory_space<hbm>>
        tpu.enqueue_indirect_dma source(%dma_start3A_283 : memref<2000000x64xf32, #tpu.memory_space<hbm>>) target(%dma_start3A_277 : memref<50x64xf32, #tpu.memory_space<vmem>>) offsets(%dma_start3A_280 : memref<50xi32, #tpu.memory_space<vmem>>) semaphore(%arg12 : memref<!tpu.dma_semaphore, #tpu.memory_space<semaphore_mem>>)
        %dma_start3A_284 = arith.constant 7 : i32
        %dma_start3A_285 = arith.constant 350 : i32
        %dma_start3A_286 = arith.constant 0 : i32
        %dma_start3A_287 = tpu.memref_slice %arg8[%dma_start3A_285, %dma_start3A_286] : memref<400x64xf32, #tpu.memory_space<vmem>> -> memref<50x64xf32, #tpu.memory_space<vmem>>
        %dma_start3A_288 = arith.constant 0 : i32
        %dma_start3A_289 = tpu.memref_slice %arg6[%dma_start3A_284, %dma_start3A_288] : memref<8x50xi32, #tpu.memory_space<vmem>> -> memref<1x50xi32, #tpu.memory_space<vmem>>
        %dma_start3A_290 = tpu.memref_squeeze %dma_start3A_289 : memref<1x50xi32, #tpu.memory_space<vmem>> -> memref<50xi32, #tpu.memory_space<vmem>>
        %dma_start3A_291 = arith.constant 0 : i32
        %dma_start3A_292 = arith.constant 0 : i32
        %dma_start3A_293 = tpu.memref_slice %arg3[%dma_start3A_291, %dma_start3A_292] : memref<2000000x64xf32, #tpu.memory_space<hbm>> -> memref<2000000x64xf32, #tpu.memory_space<hbm>>
        tpu.enqueue_indirect_dma source(%dma_start3A_293 : memref<2000000x64xf32, #tpu.memory_space<hbm>>) target(%dma_start3A_287 : memref<50x64xf32, #tpu.memory_space<vmem>>) offsets(%dma_start3A_290 : memref<50xi32, #tpu.memory_space<vmem>>) semaphore(%arg12 : memref<!tpu.dma_semaphore, #tpu.memory_space<semaphore_mem>>)
      } else {
      }
      %dma_wait3A_114 = arith.constant 0 : i32
      %dma_wait3A_115 = arith.constant 0 : i32
      %dma_wait3A_116 = tpu.memref_slice %arg3[%dma_wait3A_114, %dma_wait3A_115] : memref<2000000x64xf32, #tpu.memory_space<hbm>> -> memref<400x64xf32, #tpu.memory_space<hbm>>
      %dma_wait3A_117 = arith.constant 0 : i32
      %dma_wait3A_118 = arith.constant 0 : i32
      %dma_wait3A_119 = tpu.memref_slice %arg3[%dma_wait3A_117, %dma_wait3A_118] : memref<2000000x64xf32, #tpu.memory_space<hbm>> -> memref<400x64xf32, #tpu.memory_space<hbm>>
      tpu.wait_dma2 semaphore(%arg11 : memref<!tpu.dma_semaphore, #tpu.memory_space<semaphore_mem>>) src(%dma_wait3A_119 : memref<400x64xf32, #tpu.memory_space<hbm>>) dst(%arg7 : memref<400x64xf32, #tpu.memory_space<vmem>>)
      %ge3A = arith.constant 2 : i32
      %ge3A_120 = arith.cmpi sge, %add3A_109, %ge3A : i32
      %convert_element_type3A_121 = arith.extui %ge3A_120 : i1 to i32
      %cond3A_122 = arith.constant 0 : i32
      %cond3A_123 = arith.cmpi ne, %convert_element_type3A_121, %cond3A_122 : i32
      scf.if %cond3A_123 {
        %dma_wait3A_209 = arith.constant 0 : i32
        %dma_wait3A_210 = arith.constant 0 : i32
        %dma_wait3A_211 = arith.constant 0 : i32
        %dma_wait3A_212 = tpu.memref_slice %arg4[%dma_wait3A_209, %dma_wait3A_210, %dma_wait3A_211] : memref<16384x56x128xf32, #tpu.memory_space<hbm>> -> memref<8x50x64xf32, #tpu.memory_space<hbm>>
        %dma_wait3A_213 = arith.constant 0 : i32
        %dma_wait3A_214 = arith.constant 0 : i32
        %dma_wait3A_215 = arith.constant 0 : i32
        %dma_wait3A_216 = tpu.memref_slice %arg4[%dma_wait3A_213, %dma_wait3A_214, %dma_wait3A_215] : memref<16384x56x128xf32, #tpu.memory_space<hbm>> -> memref<8x50x64xf32, #tpu.memory_space<hbm>>
        tpu.wait_dma2 semaphore(%arg13 : memref<!tpu.dma_semaphore, #tpu.memory_space<semaphore_mem>>) src(%dma_wait3A_216 : memref<8x50x64xf32, #tpu.memory_space<hbm>>) dst(%arg9 : memref<8x50x64xf32, #tpu.memory_space<vmem>>)
      } else {
      }
      %parallel_loop3A = arith.constant 0 : i32
      %parallel_loop3A_124 = arith.constant 50 : i32
      %parallel_loop3A_125 = arith.constant 1 : i32
      scf.for %parallel_loop3A_209 = %parallel_loop3A to %parallel_loop3A_124 step %parallel_loop3A_125  : i32 {
        %parallel_loop3A_210 = arith.constant 0 : i32
        %parallel_loop3A_211 = arith.addi %parallel_loop3A_210, %parallel_loop3A_209 : i32
        %parallel_loop3A_212 = arith.index_cast %parallel_loop3A_211 : i32 to index
        %parallel_loop3A_213 = arith.constant 0 : index
        %parallel_loop3A_214 = tpu.vector_load %arg7[%parallel_loop3A_212, %parallel_loop3A_213] {strides = array<i32>} : memref<400x64xf32, #tpu.memory_space<vmem>>, vector<16xf32>,
        %parallel_loop3A_215 = arith.constant 8.000000e+00 : f32
        %parallel_loop3A_216 = vector.broadcast %parallel_loop3A_215 : f32 to vector<16xf32>
        %parallel_loop3A_217 = arith.mulf %parallel_loop3A_214, %parallel_loop3A_216 : vector<16xf32>
        %parallel_loop3A_218 = arith.constant 0 : i32
        %parallel_loop3A_219 = arith.index_cast %parallel_loop3A_218 : i32 to index
        %parallel_loop3A_220 = arith.index_cast %parallel_loop3A_209 : i32 to index
        %parallel_loop3A_221 = arith.constant 0 : index
        %parallel_loop3A_222 = tpu.vector_load %arg9[%parallel_loop3A_219, %parallel_loop3A_220, %parallel_loop3A_221] {strides = array<i32>} : memref<8x50x64xf32, #tpu.memory_space<vmem>>, vector<16xf32>,
        tpu.vector_store %arg9[%parallel_loop3A_219, %parallel_loop3A_220, %parallel_loop3A_221], %parallel_loop3A_217 {strides = array<i32>} : memref<8x50x64xf32, #tpu.memory_space<vmem>>, vector<16xf32>,
        %parallel_loop3A_223 = arith.constant 0 : i32
        %parallel_loop3A_224 = arith.addi %parallel_loop3A_223, %parallel_loop3A_209 : i32
        %parallel_loop3A_225 = arith.index_cast %parallel_loop3A_224 : i32 to index
        %parallel_loop3A_226 = arith.constant 16 : index
        %parallel_loop3A_227 = tpu.vector_load %arg7[%parallel_loop3A_225, %parallel_loop3A_226] {strides = array<i32>} : memref<400x64xf32, #tpu.memory_space<vmem>>, vector<16xf32>,
        %parallel_loop3A_228 = arith.constant 8.000000e+00 : f32
        %parallel_loop3A_229 = vector.broadcast %parallel_loop3A_228 : f32 to vector<16xf32>
        %parallel_loop3A_230 = arith.mulf %parallel_loop3A_227, %parallel_loop3A_229 : vector<16xf32>
        %parallel_loop3A_231 = arith.constant 0 : i32
        %parallel_loop3A_232 = arith.index_cast %parallel_loop3A_231 : i32 to index
        %parallel_loop3A_233 = arith.index_cast %parallel_loop3A_209 : i32 to index
        %parallel_loop3A_234 = arith.constant 16 : index
        %parallel_loop3A_235 = tpu.vector_load %arg9[%parallel_loop3A_232, %parallel_loop3A_233, %parallel_loop3A_234] {strides = array<i32>} : memref<8x50x64xf32, #tpu.memory_space<vmem>>, vector<16xf32>,
        tpu.vector_store %arg9[%parallel_loop3A_232, %parallel_loop3A_233, %parallel_loop3A_234], %parallel_loop3A_230 {strides = array<i32>} : memref<8x50x64xf32, #tpu.memory_space<vmem>>, vector<16xf32>,
        %parallel_loop3A_236 = arith.constant 0 : i32
        %parallel_loop3A_237 = arith.addi %parallel_loop3A_236, %parallel_loop3A_209 : i32
        %parallel_loop3A_238 = arith.index_cast %parallel_loop3A_237 : i32 to index
        %parallel_loop3A_239 = arith.constant 32 : index
        %parallel_loop3A_240 = tpu.vector_load %arg7[%parallel_loop3A_238, %parallel_loop3A_239] {strides = array<i32>} : memref<400x64xf32, #tpu.memory_space<vmem>>, vector<16xf32>,
        %parallel_loop3A_241 = arith.constant 8.000000e+00 : f32
        %parallel_loop3A_242 = vector.broadcast %parallel_loop3A_241 : f32 to vector<16xf32>
        %parallel_loop3A_243 = arith.mulf %parallel_loop3A_240, %parallel_loop3A_242 : vector<16xf32>
        %parallel_loop3A_244 = arith.constant 0 : i32
        %parallel_loop3A_245 = arith.index_cast %parallel_loop3A_244 : i32 to index
        %parallel_loop3A_246 = arith.index_cast %parallel_loop3A_209 : i32 to index
        %parallel_loop3A_247 = arith.constant 32 : index
        %parallel_loop3A_248 = tpu.vector_load %arg9[%parallel_loop3A_245, %parallel_loop3A_246, %parallel_loop3A_247] {strides = array<i32>} : memref<8x50x64xf32, #tpu.memory_space<vmem>>, vector<16xf32>,
        tpu.vector_store %arg9[%parallel_loop3A_245, %parallel_loop3A_246, %parallel_loop3A_247], %parallel_loop3A_243 {strides = array<i32>} : memref<8x50x64xf32, #tpu.memory_space<vmem>>, vector<16xf32>,
        %parallel_loop3A_249 = arith.constant 0 : i32
        %parallel_loop3A_250 = arith.addi %parallel_loop3A_249, %parallel_loop3A_209 : i32
        %parallel_loop3A_251 = arith.index_cast %parallel_loop3A_250 : i32 to index
        %parallel_loop3A_252 = arith.constant 48 : index
        %parallel_loop3A_253 = tpu.vector_load %arg7[%parallel_loop3A_251, %parallel_loop3A_252] {strides = array<i32>} : memref<400x64xf32, #tpu.memory_space<vmem>>, vector<16xf32>,
        %parallel_loop3A_254 = arith.constant 8.000000e+00 : f32
        %parallel_loop3A_255 = vector.broadcast %parallel_loop3A_254 : f32 to vector<16xf32>
        %parallel_loop3A_256 = arith.mulf %parallel_loop3A_253, %parallel_loop3A_255 : vector<16xf32>
        %parallel_loop3A_257 = arith.constant 0 : i32
        %parallel_loop3A_258 = arith.index_cast %parallel_loop3A_257 : i32 to index
        %parallel_loop3A_259 = arith.index_cast %parallel_loop3A_209 : i32 to index
        %parallel_loop3A_260 = arith.constant 48 : index
        %parallel_loop3A_261 = tpu.vector_load %arg9[%parallel_loop3A_258, %parallel_loop3A_259, %parallel_loop3A_260] {strides = array<i32>} : memref<8x50x64xf32, #tpu.memory_space<vmem>>, vector<16xf32>,
        tpu.vector_store %arg9[%parallel_loop3A_258, %parallel_loop3A_259, %parallel_loop3A_260], %parallel_loop3A_256 {strides = array<i32>} : memref<8x50x64xf32, #tpu.memory_space<vmem>>, vector<16xf32>,
      } {sc.loop_unroll_factor = 2 : i64, sc.parallel_access}
      %parallel_loop3A_126 = arith.constant 0 : i32
      %parallel_loop3A_127 = arith.constant 50 : i32
      %parallel_loop3A_128 = arith.constant 1 : i32
      scf.for %parallel_loop3A_209 = %parallel_loop3A_126 to %parallel_loop3A_127 step %parallel_loop3A_128  : i32 {
        %parallel_loop3A_210 = arith.constant 50 : i32
        %parallel_loop3A_211 = arith.addi %parallel_loop3A_210, %parallel_loop3A_209 : i32
        %parallel_loop3A_212 = arith.index_cast %parallel_loop3A_211 : i32 to index
        %parallel_loop3A_213 = arith.constant 0 : index
        %parallel_loop3A_214 = tpu.vector_load %arg7[%parallel_loop3A_212, %parallel_loop3A_213] {strides = array<i32>} : memref<400x64xf32, #tpu.memory_space<vmem>>, vector<16xf32>,
        %parallel_loop3A_215 = arith.constant 8.000000e+00 : f32
        %parallel_loop3A_216 = vector.broadcast %parallel_loop3A_215 : f32 to vector<16xf32>
        %parallel_loop3A_217 = arith.mulf %parallel_loop3A_214, %parallel_loop3A_216 : vector<16xf32>
        %parallel_loop3A_218 = arith.constant 1 : i32
        %parallel_loop3A_219 = arith.index_cast %parallel_loop3A_218 : i32 to index
        %parallel_loop3A_220 = arith.index_cast %parallel_loop3A_209 : i32 to index
        %parallel_loop3A_221 = arith.constant 0 : index
        %parallel_loop3A_222 = tpu.vector_load %arg9[%parallel_loop3A_219, %parallel_loop3A_220, %parallel_loop3A_221] {strides = array<i32>} : memref<8x50x64xf32, #tpu.memory_space<vmem>>, vector<16xf32>,
        tpu.vector_store %arg9[%parallel_loop3A_219, %parallel_loop3A_220, %parallel_loop3A_221], %parallel_loop3A_217 {strides = array<i32>} : memref<8x50x64xf32, #tpu.memory_space<vmem>>, vector<16xf32>,
        %parallel_loop3A_223 = arith.constant 50 : i32
        %parallel_loop3A_224 = arith.addi %parallel_loop3A_223, %parallel_loop3A_209 : i32
        %parallel_loop3A_225 = arith.index_cast %parallel_loop3A_224 : i32 to index
        %parallel_loop3A_226 = arith.constant 16 : index
        %parallel_loop3A_227 = tpu.vector_load %arg7[%parallel_loop3A_225, %parallel_loop3A_226] {strides = array<i32>} : memref<400x64xf32, #tpu.memory_space<vmem>>, vector<16xf32>,
        %parallel_loop3A_228 = arith.constant 8.000000e+00 : f32
        %parallel_loop3A_229 = vector.broadcast %parallel_loop3A_228 : f32 to vector<16xf32>
        %parallel_loop3A_230 = arith.mulf %parallel_loop3A_227, %parallel_loop3A_229 : vector<16xf32>
        %parallel_loop3A_231 = arith.constant 1 : i32
        %parallel_loop3A_232 = arith.index_cast %parallel_loop3A_231 : i32 to index
        %parallel_loop3A_233 = arith.index_cast %parallel_loop3A_209 : i32 to index
        %parallel_loop3A_234 = arith.constant 16 : index
        %parallel_loop3A_235 = tpu.vector_load %arg9[%parallel_loop3A_232, %parallel_loop3A_233, %parallel_loop3A_234] {strides = array<i32>} : memref<8x50x64xf32, #tpu.memory_space<vmem>>, vector<16xf32>,
        tpu.vector_store %arg9[%parallel_loop3A_232, %parallel_loop3A_233, %parallel_loop3A_234], %parallel_loop3A_230 {strides = array<i32>} : memref<8x50x64xf32, #tpu.memory_space<vmem>>, vector<16xf32>,
        %parallel_loop3A_236 = arith.constant 50 : i32
        %parallel_loop3A_237 = arith.addi %parallel_loop3A_236, %parallel_loop3A_209 : i32
        %parallel_loop3A_238 = arith.index_cast %parallel_loop3A_237 : i32 to index
        %parallel_loop3A_239 = arith.constant 32 : index
        %parallel_loop3A_240 = tpu.vector_load %arg7[%parallel_loop3A_238, %parallel_loop3A_239] {strides = array<i32>} : memref<400x64xf32, #tpu.memory_space<vmem>>, vector<16xf32>,
        %parallel_loop3A_241 = arith.constant 8.000000e+00 : f32
        %parallel_loop3A_242 = vector.broadcast %parallel_loop3A_241 : f32 to vector<16xf32>
        %parallel_loop3A_243 = arith.mulf %parallel_loop3A_240, %parallel_loop3A_242 : vector<16xf32>
        %parallel_loop3A_244 = arith.constant 1 : i32
        %parallel_loop3A_245 = arith.index_cast %parallel_loop3A_244 : i32 to index
        %parallel_loop3A_246 = arith.index_cast %parallel_loop3A_209 : i32 to index
        %parallel_loop3A_247 = arith.constant 32 : index
        %parallel_loop3A_248 = tpu.vector_load %arg9[%parallel_loop3A_245, %parallel_loop3A_246, %parallel_loop3A_247] {strides = array<i32>} : memref<8x50x64xf32, #tpu.memory_space<vmem>>, vector<16xf32>,
        tpu.vector_store %arg9[%parallel_loop3A_245, %parallel_loop3A_246, %parallel_loop3A_247], %parallel_loop3A_243 {strides = array<i32>} : memref<8x50x64xf32, #tpu.memory_space<vmem>>, vector<16xf32>,
        %parallel_loop3A_249 = arith.constant 50 : i32
        %parallel_loop3A_250 = arith.addi %parallel_loop3A_249, %parallel_loop3A_209 : i32
        %parallel_loop3A_251 = arith.index_cast %parallel_loop3A_250 : i32 to index
        %parallel_loop3A_252 = arith.constant 48 : index
        %parallel_loop3A_253 = tpu.vector_load %arg7[%parallel_loop3A_251, %parallel_loop3A_252] {strides = array<i32>} : memref<400x64xf32, #tpu.memory_space<vmem>>, vector<16xf32>,
        %parallel_loop3A_254 = arith.constant 8.000000e+00 : f32
        %parallel_loop3A_255 = vector.broadcast %parallel_loop3A_254 : f32 to vector<16xf32>
        %parallel_loop3A_256 = arith.mulf %parallel_loop3A_253, %parallel_loop3A_255 : vector<16xf32>
        %parallel_loop3A_257 = arith.constant 1 : i32
        %parallel_loop3A_258 = arith.index_cast %parallel_loop3A_257 : i32 to index
        %parallel_loop3A_259 = arith.index_cast %parallel_loop3A_209 : i32 to index
        %parallel_loop3A_260 = arith.constant 48 : index
        %parallel_loop3A_261 = tpu.vector_load %arg9[%parallel_loop3A_258, %parallel_loop3A_259, %parallel_loop3A_260] {strides = array<i32>} : memref<8x50x64xf32, #tpu.memory_space<vmem>>, vector<16xf32>,
        tpu.vector_store %arg9[%parallel_loop3A_258, %parallel_loop3A_259, %parallel_loop3A_260], %parallel_loop3A_256 {strides = array<i32>} : memref<8x50x64xf32, #tpu.memory_space<vmem>>, vector<16xf32>,
      } {sc.loop_unroll_factor = 2 : i64, sc.parallel_access}
      %parallel_loop3A_129 = arith.constant 0 : i32
      %parallel_loop3A_130 = arith.constant 50 : i32
      %parallel_loop3A_131 = arith.constant 1 : i32
      scf.for %parallel_loop3A_209 = %parallel_loop3A_129 to %parallel_loop3A_130 step %parallel_loop3A_131  : i32 {
        %parallel_loop3A_210 = arith.constant 100 : i32
        %parallel_loop3A_211 = arith.addi %parallel_loop3A_210, %parallel_loop3A_209 : i32
        %parallel_loop3A_212 = arith.index_cast %parallel_loop3A_211 : i32 to index
        %parallel_loop3A_213 = arith.constant 0 : index
        %parallel_loop3A_214 = tpu.vector_load %arg7[%parallel_loop3A_212, %parallel_loop3A_213] {strides = array<i32>} : memref<400x64xf32, #tpu.memory_space<vmem>>, vector<16xf32>,
        %parallel_loop3A_215 = arith.constant 8.000000e+00 : f32
        %parallel_loop3A_216 = vector.broadcast %parallel_loop3A_215 : f32 to vector<16xf32>
        %parallel_loop3A_217 = arith.mulf %parallel_loop3A_214, %parallel_loop3A_216 : vector<16xf32>
        %parallel_loop3A_218 = arith.constant 2 : i32
        %parallel_loop3A_219 = arith.index_cast %parallel_loop3A_218 : i32 to index
        %parallel_loop3A_220 = arith.index_cast %parallel_loop3A_209 : i32 to index
        %parallel_loop3A_221 = arith.constant 0 : index
        %parallel_loop3A_222 = tpu.vector_load %arg9[%parallel_loop3A_219, %parallel_loop3A_220, %parallel_loop3A_221] {strides = array<i32>} : memref<8x50x64xf32, #tpu.memory_space<vmem>>, vector<16xf32>,
        tpu.vector_store %arg9[%parallel_loop3A_219, %parallel_loop3A_220, %parallel_loop3A_221], %parallel_loop3A_217 {strides = array<i32>} : memref<8x50x64xf32, #tpu.memory_space<vmem>>, vector<16xf32>,
        %parallel_loop3A_223 = arith.constant 100 : i32
        %parallel_loop3A_224 = arith.addi %parallel_loop3A_223, %parallel_loop3A_209 : i32
        %parallel_loop3A_225 = arith.index_cast %parallel_loop3A_224 : i32 to index
        %parallel_loop3A_226 = arith.constant 16 : index
        %parallel_loop3A_227 = tpu.vector_load %arg7[%parallel_loop3A_225, %parallel_loop3A_226] {strides = array<i32>} : memref<400x64xf32, #tpu.memory_space<vmem>>, vector<16xf32>,
        %parallel_loop3A_228 = arith.constant 8.000000e+00 : f32
        %parallel_loop3A_229 = vector.broadcast %parallel_loop3A_228 : f32 to vector<16xf32>
        %parallel_loop3A_230 = arith.mulf %parallel_loop3A_227, %parallel_loop3A_229 : vector<16xf32>
        %parallel_loop3A_231 = arith.constant 2 : i32
        %parallel_loop3A_232 = arith.index_cast %parallel_loop3A_231 : i32 to index
        %parallel_loop3A_233 = arith.index_cast %parallel_loop3A_209 : i32 to index
        %parallel_loop3A_234 = arith.constant 16 : index
        %parallel_loop3A_235 = tpu.vector_load %arg9[%parallel_loop3A_232, %parallel_loop3A_233, %parallel_loop3A_234] {strides = array<i32>} : memref<8x50x64xf32, #tpu.memory_space<vmem>>, vector<16xf32>,
        tpu.vector_store %arg9[%parallel_loop3A_232, %parallel_loop3A_233, %parallel_loop3A_234], %parallel_loop3A_230 {strides = array<i32>} : memref<8x50x64xf32, #tpu.memory_space<vmem>>, vector<16xf32>,
        %parallel_loop3A_236 = arith.constant 100 : i32
        %parallel_loop3A_237 = arith.addi %parallel_loop3A_236, %parallel_loop3A_209 : i32
        %parallel_loop3A_238 = arith.index_cast %parallel_loop3A_237 : i32 to index
        %parallel_loop3A_239 = arith.constant 32 : index
        %parallel_loop3A_240 = tpu.vector_load %arg7[%parallel_loop3A_238, %parallel_loop3A_239] {strides = array<i32>} : memref<400x64xf32, #tpu.memory_space<vmem>>, vector<16xf32>,
        %parallel_loop3A_241 = arith.constant 8.000000e+00 : f32
        %parallel_loop3A_242 = vector.broadcast %parallel_loop3A_241 : f32 to vector<16xf32>
        %parallel_loop3A_243 = arith.mulf %parallel_loop3A_240, %parallel_loop3A_242 : vector<16xf32>
        %parallel_loop3A_244 = arith.constant 2 : i32
        %parallel_loop3A_245 = arith.index_cast %parallel_loop3A_244 : i32 to index
        %parallel_loop3A_246 = arith.index_cast %parallel_loop3A_209 : i32 to index
        %parallel_loop3A_247 = arith.constant 32 : index
        %parallel_loop3A_248 = tpu.vector_load %arg9[%parallel_loop3A_245, %parallel_loop3A_246, %parallel_loop3A_247] {strides = array<i32>} : memref<8x50x64xf32, #tpu.memory_space<vmem>>, vector<16xf32>,
        tpu.vector_store %arg9[%parallel_loop3A_245, %parallel_loop3A_246, %parallel_loop3A_247], %parallel_loop3A_243 {strides = array<i32>} : memref<8x50x64xf32, #tpu.memory_space<vmem>>, vector<16xf32>,
        %parallel_loop3A_249 = arith.constant 100 : i32
        %parallel_loop3A_250 = arith.addi %parallel_loop3A_249, %parallel_loop3A_209 : i32
        %parallel_loop3A_251 = arith.index_cast %parallel_loop3A_250 : i32 to index
        %parallel_loop3A_252 = arith.constant 48 : index
        %parallel_loop3A_253 = tpu.vector_load %arg7[%parallel_loop3A_251, %parallel_loop3A_252] {strides = array<i32>} : memref<400x64xf32, #tpu.memory_space<vmem>>, vector<16xf32>,
        %parallel_loop3A_254 = arith.constant 8.000000e+00 : f32
        %parallel_loop3A_255 = vector.broadcast %parallel_loop3A_254 : f32 to vector<16xf32>
        %parallel_loop3A_256 = arith.mulf %parallel_loop3A_253, %parallel_loop3A_255 : vector<16xf32>
        %parallel_loop3A_257 = arith.constant 2 : i32
        %parallel_loop3A_258 = arith.index_cast %parallel_loop3A_257 : i32 to index
        %parallel_loop3A_259 = arith.index_cast %parallel_loop3A_209 : i32 to index
        %parallel_loop3A_260 = arith.constant 48 : index
        %parallel_loop3A_261 = tpu.vector_load %arg9[%parallel_loop3A_258, %parallel_loop3A_259, %parallel_loop3A_260] {strides = array<i32>} : memref<8x50x64xf32, #tpu.memory_space<vmem>>, vector<16xf32>,
        tpu.vector_store %arg9[%parallel_loop3A_258, %parallel_loop3A_259, %parallel_loop3A_260], %parallel_loop3A_256 {strides = array<i32>} : memref<8x50x64xf32, #tpu.memory_space<vmem>>, vector<16xf32>,
      } {sc.loop_unroll_factor = 2 : i64, sc.parallel_access}
      %parallel_loop3A_132 = arith.constant 0 : i32
      %parallel_loop3A_133 = arith.constant 50 : i32
      %parallel_loop3A_134 = arith.constant 1 : i32
      scf.for %parallel_loop3A_209 = %parallel_loop3A_132 to %parallel_loop3A_133 step %parallel_loop3A_134  : i32 {
        %parallel_loop3A_210 = arith.constant 150 : i32
        %parallel_loop3A_211 = arith.addi %parallel_loop3A_210, %parallel_loop3A_209 : i32
        %parallel_loop3A_212 = arith.index_cast %parallel_loop3A_211 : i32 to index
        %parallel_loop3A_213 = arith.constant 0 : index
        %parallel_loop3A_214 = tpu.vector_load %arg7[%parallel_loop3A_212, %parallel_loop3A_213] {strides = array<i32>} : memref<400x64xf32, #tpu.memory_space<vmem>>, vector<16xf32>,
        %parallel_loop3A_215 = arith.constant 8.000000e+00 : f32
        %parallel_loop3A_216 = vector.broadcast %parallel_loop3A_215 : f32 to vector<16xf32>
        %parallel_loop3A_217 = arith.mulf %parallel_loop3A_214, %parallel_loop3A_216 : vector<16xf32>
        %parallel_loop3A_218 = arith.constant 3 : i32
        %parallel_loop3A_219 = arith.index_cast %parallel_loop3A_218 : i32 to index
        %parallel_loop3A_220 = arith.index_cast %parallel_loop3A_209 : i32 to index
        %parallel_loop3A_221 = arith.constant 0 : index
        %parallel_loop3A_222 = tpu.vector_load %arg9[%parallel_loop3A_219, %parallel_loop3A_220, %parallel_loop3A_221] {strides = array<i32>} : memref<8x50x64xf32, #tpu.memory_space<vmem>>, vector<16xf32>,
        tpu.vector_store %arg9[%parallel_loop3A_219, %parallel_loop3A_220, %parallel_loop3A_221], %parallel_loop3A_217 {strides = array<i32>} : memref<8x50x64xf32, #tpu.memory_space<vmem>>, vector<16xf32>,
        %parallel_loop3A_223 = arith.constant 150 : i32
        %parallel_loop3A_224 = arith.addi %parallel_loop3A_223, %parallel_loop3A_209 : i32
        %parallel_loop3A_225 = arith.index_cast %parallel_loop3A_224 : i32 to index
        %parallel_loop3A_226 = arith.constant 16 : index
        %parallel_loop3A_227 = tpu.vector_load %arg7[%parallel_loop3A_225, %parallel_loop3A_226] {strides = array<i32>} : memref<400x64xf32, #tpu.memory_space<vmem>>, vector<16xf32>,
        %parallel_loop3A_228 = arith.constant 8.000000e+00 : f32
        %parallel_loop3A_229 = vector.broadcast %parallel_loop3A_228 : f32 to vector<16xf32>
        %parallel_loop3A_230 = arith.mulf %parallel_loop3A_227, %parallel_loop3A_229 : vector<16xf32>
        %parallel_loop3A_231 = arith.constant 3 : i32
        %parallel_loop3A_232 = arith.index_cast %parallel_loop3A_231 : i32 to index
        %parallel_loop3A_233 = arith.index_cast %parallel_loop3A_209 : i32 to index
        %parallel_loop3A_234 = arith.constant 16 : index
        %parallel_loop3A_235 = tpu.vector_load %arg9[%parallel_loop3A_232, %parallel_loop3A_233, %parallel_loop3A_234] {strides = array<i32>} : memref<8x50x64xf32, #tpu.memory_space<vmem>>, vector<16xf32>,
        tpu.vector_store %arg9[%parallel_loop3A_232, %parallel_loop3A_233, %parallel_loop3A_234], %parallel_loop3A_230 {strides = array<i32>} : memref<8x50x64xf32, #tpu.memory_space<vmem>>, vector<16xf32>,
        %parallel_loop3A_236 = arith.constant 150 : i32
        %parallel_loop3A_237 = arith.addi %parallel_loop3A_236, %parallel_loop3A_209 : i32
        %parallel_loop3A_238 = arith.index_cast %parallel_loop3A_237 : i32 to index
        %parallel_loop3A_239 = arith.constant 32 : index
        %parallel_loop3A_240 = tpu.vector_load %arg7[%parallel_loop3A_238, %parallel_loop3A_239] {strides = array<i32>} : memref<400x64xf32, #tpu.memory_space<vmem>>, vector<16xf32>,
        %parallel_loop3A_241 = arith.constant 8.000000e+00 : f32
        %parallel_loop3A_242 = vector.broadcast %parallel_loop3A_241 : f32 to vector<16xf32>
        %parallel_loop3A_243 = arith.mulf %parallel_loop3A_240, %parallel_loop3A_242 : vector<16xf32>
        %parallel_loop3A_244 = arith.constant 3 : i32
        %parallel_loop3A_245 = arith.index_cast %parallel_loop3A_244 : i32 to index
        %parallel_loop3A_246 = arith.index_cast %parallel_loop3A_209 : i32 to index
        %parallel_loop3A_247 = arith.constant 32 : index
        %parallel_loop3A_248 = tpu.vector_load %arg9[%parallel_loop3A_245, %parallel_loop3A_246, %parallel_loop3A_247] {strides = array<i32>} : memref<8x50x64xf32, #tpu.memory_space<vmem>>, vector<16xf32>,
        tpu.vector_store %arg9[%parallel_loop3A_245, %parallel_loop3A_246, %parallel_loop3A_247], %parallel_loop3A_243 {strides = array<i32>} : memref<8x50x64xf32, #tpu.memory_space<vmem>>, vector<16xf32>,
        %parallel_loop3A_249 = arith.constant 150 : i32
        %parallel_loop3A_250 = arith.addi %parallel_loop3A_249, %parallel_loop3A_209 : i32
        %parallel_loop3A_251 = arith.index_cast %parallel_loop3A_250 : i32 to index
        %parallel_loop3A_252 = arith.constant 48 : index
        %parallel_loop3A_253 = tpu.vector_load %arg7[%parallel_loop3A_251, %parallel_loop3A_252] {strides = array<i32>} : memref<400x64xf32, #tpu.memory_space<vmem>>, vector<16xf32>,
        %parallel_loop3A_254 = arith.constant 8.000000e+00 : f32
        %parallel_loop3A_255 = vector.broadcast %parallel_loop3A_254 : f32 to vector<16xf32>
        %parallel_loop3A_256 = arith.mulf %parallel_loop3A_253, %parallel_loop3A_255 : vector<16xf32>
        %parallel_loop3A_257 = arith.constant 3 : i32
        %parallel_loop3A_258 = arith.index_cast %parallel_loop3A_257 : i32 to index
        %parallel_loop3A_259 = arith.index_cast %parallel_loop3A_209 : i32 to index
        %parallel_loop3A_260 = arith.constant 48 : index
        %parallel_loop3A_261 = tpu.vector_load %arg9[%parallel_loop3A_258, %parallel_loop3A_259, %parallel_loop3A_260] {strides = array<i32>} : memref<8x50x64xf32, #tpu.memory_space<vmem>>, vector<16xf32>,
        tpu.vector_store %arg9[%parallel_loop3A_258, %parallel_loop3A_259, %parallel_loop3A_260], %parallel_loop3A_256 {strides = array<i32>} : memref<8x50x64xf32, #tpu.memory_space<vmem>>, vector<16xf32>,
      } {sc.loop_unroll_factor = 2 : i64, sc.parallel_access}
      %parallel_loop3A_135 = arith.constant 0 : i32
      %parallel_loop3A_136 = arith.constant 50 : i32
      %parallel_loop3A_137 = arith.constant 1 : i32
      scf.for %parallel_loop3A_209 = %parallel_loop3A_135 to %parallel_loop3A_136 step %parallel_loop3A_137  : i32 {
        %parallel_loop3A_210 = arith.constant 200 : i32
        %parallel_loop3A_211 = arith.addi %parallel_loop3A_210, %parallel_loop3A_209 : i32
        %parallel_loop3A_212 = arith.index_cast %parallel_loop3A_211 : i32 to index
        %parallel_loop3A_213 = arith.constant 0 : index
        %parallel_loop3A_214 = tpu.vector_load %arg7[%parallel_loop3A_212, %parallel_loop3A_213] {strides = array<i32>} : memref<400x64xf32, #tpu.memory_space<vmem>>, vector<16xf32>,
        %parallel_loop3A_215 = arith.constant 8.000000e+00 : f32
        %parallel_loop3A_216 = vector.broadcast %parallel_loop3A_215 : f32 to vector<16xf32>
        %parallel_loop3A_217 = arith.mulf %parallel_loop3A_214, %parallel_loop3A_216 : vector<16xf32>
        %parallel_loop3A_218 = arith.constant 4 : i32
        %parallel_loop3A_219 = arith.index_cast %parallel_loop3A_218 : i32 to index
        %parallel_loop3A_220 = arith.index_cast %parallel_loop3A_209 : i32 to index
        %parallel_loop3A_221 = arith.constant 0 : index
        %parallel_loop3A_222 = tpu.vector_load %arg9[%parallel_loop3A_219, %parallel_loop3A_220, %parallel_loop3A_221] {strides = array<i32>} : memref<8x50x64xf32, #tpu.memory_space<vmem>>, vector<16xf32>,
        tpu.vector_store %arg9[%parallel_loop3A_219, %parallel_loop3A_220, %parallel_loop3A_221], %parallel_loop3A_217 {strides = array<i32>} : memref<8x50x64xf32, #tpu.memory_space<vmem>>, vector<16xf32>,
        %parallel_loop3A_223 = arith.constant 200 : i32
        %parallel_loop3A_224 = arith.addi %parallel_loop3A_223, %parallel_loop3A_209 : i32
        %parallel_loop3A_225 = arith.index_cast %parallel_loop3A_224 : i32 to index
        %parallel_loop3A_226 = arith.constant 16 : index
        %parallel_loop3A_227 = tpu.vector_load %arg7[%parallel_loop3A_225, %parallel_loop3A_226] {strides = array<i32>} : memref<400x64xf32, #tpu.memory_space<vmem>>, vector<16xf32>,
        %parallel_loop3A_228 = arith.constant 8.000000e+00 : f32
        %parallel_loop3A_229 = vector.broadcast %parallel_loop3A_228 : f32 to vector<16xf32>
        %parallel_loop3A_230 = arith.mulf %parallel_loop3A_227, %parallel_loop3A_229 : vector<16xf32>
        %parallel_loop3A_231 = arith.constant 4 : i32
        %parallel_loop3A_232 = arith.index_cast %parallel_loop3A_231 : i32 to index
        %parallel_loop3A_233 = arith.index_cast %parallel_loop3A_209 : i32 to index
        %parallel_loop3A_234 = arith.constant 16 : index
        %parallel_loop3A_235 = tpu.vector_load %arg9[%parallel_loop3A_232, %parallel_loop3A_233, %parallel_loop3A_234] {strides = array<i32>} : memref<8x50x64xf32, #tpu.memory_space<vmem>>, vector<16xf32>,
        tpu.vector_store %arg9[%parallel_loop3A_232, %parallel_loop3A_233, %parallel_loop3A_234], %parallel_loop3A_230 {strides = array<i32>} : memref<8x50x64xf32, #tpu.memory_space<vmem>>, vector<16xf32>,
        %parallel_loop3A_236 = arith.constant 200 : i32
        %parallel_loop3A_237 = arith.addi %parallel_loop3A_236, %parallel_loop3A_209 : i32
        %parallel_loop3A_238 = arith.index_cast %parallel_loop3A_237 : i32 to index
        %parallel_loop3A_239 = arith.constant 32 : index
        %parallel_loop3A_240 = tpu.vector_load %arg7[%parallel_loop3A_238, %parallel_loop3A_239] {strides = array<i32>} : memref<400x64xf32, #tpu.memory_space<vmem>>, vector<16xf32>,
        %parallel_loop3A_241 = arith.constant 8.000000e+00 : f32
        %parallel_loop3A_242 = vector.broadcast %parallel_loop3A_241 : f32 to vector<16xf32>
        %parallel_loop3A_243 = arith.mulf %parallel_loop3A_240, %parallel_loop3A_242 : vector<16xf32>
        %parallel_loop3A_244 = arith.constant 4 : i32
        %parallel_loop3A_245 = arith.index_cast %parallel_loop3A_244 : i32 to index
        %parallel_loop3A_246 = arith.index_cast %parallel_loop3A_209 : i32 to index
        %parallel_loop3A_247 = arith.constant 32 : index
        %parallel_loop3A_248 = tpu.vector_load %arg9[%parallel_loop3A_245, %parallel_loop3A_246, %parallel_loop3A_247] {strides = array<i32>} : memref<8x50x64xf32, #tpu.memory_space<vmem>>, vector<16xf32>,
        tpu.vector_store %arg9[%parallel_loop3A_245, %parallel_loop3A_246, %parallel_loop3A_247], %parallel_loop3A_243 {strides = array<i32>} : memref<8x50x64xf32, #tpu.memory_space<vmem>>, vector<16xf32>,
        %parallel_loop3A_249 = arith.constant 200 : i32
        %parallel_loop3A_250 = arith.addi %parallel_loop3A_249, %parallel_loop3A_209 : i32
        %parallel_loop3A_251 = arith.index_cast %parallel_loop3A_250 : i32 to index
        %parallel_loop3A_252 = arith.constant 48 : index
        %parallel_loop3A_253 = tpu.vector_load %arg7[%parallel_loop3A_251, %parallel_loop3A_252] {strides = array<i32>} : memref<400x64xf32, #tpu.memory_space<vmem>>, vector<16xf32>,
        %parallel_loop3A_254 = arith.constant 8.000000e+00 : f32
        %parallel_loop3A_255 = vector.broadcast %parallel_loop3A_254 : f32 to vector<16xf32>
        %parallel_loop3A_256 = arith.mulf %parallel_loop3A_253, %parallel_loop3A_255 : vector<16xf32>
        %parallel_loop3A_257 = arith.constant 4 : i32
        %parallel_loop3A_258 = arith.index_cast %parallel_loop3A_257 : i32 to index
        %parallel_loop3A_259 = arith.index_cast %parallel_loop3A_209 : i32 to index
        %parallel_loop3A_260 = arith.constant 48 : index
        %parallel_loop3A_261 = tpu.vector_load %arg9[%parallel_loop3A_258, %parallel_loop3A_259, %parallel_loop3A_260] {strides = array<i32>} : memref<8x50x64xf32, #tpu.memory_space<vmem>>, vector<16xf32>,
        tpu.vector_store %arg9[%parallel_loop3A_258, %parallel_loop3A_259, %parallel_loop3A_260], %parallel_loop3A_256 {strides = array<i32>} : memref<8x50x64xf32, #tpu.memory_space<vmem>>, vector<16xf32>,
      } {sc.loop_unroll_factor = 2 : i64, sc.parallel_access}
      %parallel_loop3A_138 = arith.constant 0 : i32
      %parallel_loop3A_139 = arith.constant 50 : i32
      %parallel_loop3A_140 = arith.constant 1 : i32
      scf.for %parallel_loop3A_209 = %parallel_loop3A_138 to %parallel_loop3A_139 step %parallel_loop3A_140  : i32 {
        %parallel_loop3A_210 = arith.constant 250 : i32
        %parallel_loop3A_211 = arith.addi %parallel_loop3A_210, %parallel_loop3A_209 : i32
        %parallel_loop3A_212 = arith.index_cast %parallel_loop3A_211 : i32 to index
        %parallel_loop3A_213 = arith.constant 0 : index
        %parallel_loop3A_214 = tpu.vector_load %arg7[%parallel_loop3A_212, %parallel_loop3A_213] {strides = array<i32>} : memref<400x64xf32, #tpu.memory_space<vmem>>, vector<16xf32>,
        %parallel_loop3A_215 = arith.constant 8.000000e+00 : f32
        %parallel_loop3A_216 = vector.broadcast %parallel_loop3A_215 : f32 to vector<16xf32>
        %parallel_loop3A_217 = arith.mulf %parallel_loop3A_214, %parallel_loop3A_216 : vector<16xf32>
        %parallel_loop3A_218 = arith.constant 5 : i32
        %parallel_loop3A_219 = arith.index_cast %parallel_loop3A_218 : i32 to index
        %parallel_loop3A_220 = arith.index_cast %parallel_loop3A_209 : i32 to index
        %parallel_loop3A_221 = arith.constant 0 : index
        %parallel_loop3A_222 = tpu.vector_load %arg9[%parallel_loop3A_219, %parallel_loop3A_220, %parallel_loop3A_221] {strides = array<i32>} : memref<8x50x64xf32, #tpu.memory_space<vmem>>, vector<16xf32>,
        tpu.vector_store %arg9[%parallel_loop3A_219, %parallel_loop3A_220, %parallel_loop3A_221], %parallel_loop3A_217 {strides = array<i32>} : memref<8x50x64xf32, #tpu.memory_space<vmem>>, vector<16xf32>,
        %parallel_loop3A_223 = arith.constant 250 : i32
        %parallel_loop3A_224 = arith.addi %parallel_loop3A_223, %parallel_loop3A_209 : i32
        %parallel_loop3A_225 = arith.index_cast %parallel_loop3A_224 : i32 to index
        %parallel_loop3A_226 = arith.constant 16 : index
        %parallel_loop3A_227 = tpu.vector_load %arg7[%parallel_loop3A_225, %parallel_loop3A_226] {strides = array<i32>} : memref<400x64xf32, #tpu.memory_space<vmem>>, vector<16xf32>,
        %parallel_loop3A_228 = arith.constant 8.000000e+00 : f32
        %parallel_loop3A_229 = vector.broadcast %parallel_loop3A_228 : f32 to vector<16xf32>
        %parallel_loop3A_230 = arith.mulf %parallel_loop3A_227, %parallel_loop3A_229 : vector<16xf32>
        %parallel_loop3A_231 = arith.constant 5 : i32
        %parallel_loop3A_232 = arith.index_cast %parallel_loop3A_231 : i32 to index
        %parallel_loop3A_233 = arith.index_cast %parallel_loop3A_209 : i32 to index
        %parallel_loop3A_234 = arith.constant 16 : index
        %parallel_loop3A_235 = tpu.vector_load %arg9[%parallel_loop3A_232, %parallel_loop3A_233, %parallel_loop3A_234] {strides = array<i32>} : memref<8x50x64xf32, #tpu.memory_space<vmem>>, vector<16xf32>,
        tpu.vector_store %arg9[%parallel_loop3A_232, %parallel_loop3A_233, %parallel_loop3A_234], %parallel_loop3A_230 {strides = array<i32>} : memref<8x50x64xf32, #tpu.memory_space<vmem>>, vector<16xf32>,
        %parallel_loop3A_236 = arith.constant 250 : i32
        %parallel_loop3A_237 = arith.addi %parallel_loop3A_236, %parallel_loop3A_209 : i32
        %parallel_loop3A_238 = arith.index_cast %parallel_loop3A_237 : i32 to index
        %parallel_loop3A_239 = arith.constant 32 : index
        %parallel_loop3A_240 = tpu.vector_load %arg7[%parallel_loop3A_238, %parallel_loop3A_239] {strides = array<i32>} : memref<400x64xf32, #tpu.memory_space<vmem>>, vector<16xf32>,
        %parallel_loop3A_241 = arith.constant 8.000000e+00 : f32
        %parallel_loop3A_242 = vector.broadcast %parallel_loop3A_241 : f32 to vector<16xf32>
        %parallel_loop3A_243 = arith.mulf %parallel_loop3A_240, %parallel_loop3A_242 : vector<16xf32>
        %parallel_loop3A_244 = arith.constant 5 : i32
        %parallel_loop3A_245 = arith.index_cast %parallel_loop3A_244 : i32 to index
        %parallel_loop3A_246 = arith.index_cast %parallel_loop3A_209 : i32 to index
        %parallel_loop3A_247 = arith.constant 32 : index
        %parallel_loop3A_248 = tpu.vector_load %arg9[%parallel_loop3A_245, %parallel_loop3A_246, %parallel_loop3A_247] {strides = array<i32>} : memref<8x50x64xf32, #tpu.memory_space<vmem>>, vector<16xf32>,
        tpu.vector_store %arg9[%parallel_loop3A_245, %parallel_loop3A_246, %parallel_loop3A_247], %parallel_loop3A_243 {strides = array<i32>} : memref<8x50x64xf32, #tpu.memory_space<vmem>>, vector<16xf32>,
        %parallel_loop3A_249 = arith.constant 250 : i32
        %parallel_loop3A_250 = arith.addi %parallel_loop3A_249, %parallel_loop3A_209 : i32
        %parallel_loop3A_251 = arith.index_cast %parallel_loop3A_250 : i32 to index
        %parallel_loop3A_252 = arith.constant 48 : index
        %parallel_loop3A_253 = tpu.vector_load %arg7[%parallel_loop3A_251, %parallel_loop3A_252] {strides = array<i32>} : memref<400x64xf32, #tpu.memory_space<vmem>>, vector<16xf32>,
        %parallel_loop3A_254 = arith.constant 8.000000e+00 : f32
        %parallel_loop3A_255 = vector.broadcast %parallel_loop3A_254 : f32 to vector<16xf32>
        %parallel_loop3A_256 = arith.mulf %parallel_loop3A_253, %parallel_loop3A_255 : vector<16xf32>
        %parallel_loop3A_257 = arith.constant 5 : i32
        %parallel_loop3A_258 = arith.index_cast %parallel_loop3A_257 : i32 to index
        %parallel_loop3A_259 = arith.index_cast %parallel_loop3A_209 : i32 to index
        %parallel_loop3A_260 = arith.constant 48 : index
        %parallel_loop3A_261 = tpu.vector_load %arg9[%parallel_loop3A_258, %parallel_loop3A_259, %parallel_loop3A_260] {strides = array<i32>} : memref<8x50x64xf32, #tpu.memory_space<vmem>>, vector<16xf32>,
        tpu.vector_store %arg9[%parallel_loop3A_258, %parallel_loop3A_259, %parallel_loop3A_260], %parallel_loop3A_256 {strides = array<i32>} : memref<8x50x64xf32, #tpu.memory_space<vmem>>, vector<16xf32>,
      } {sc.loop_unroll_factor = 2 : i64, sc.parallel_access}
      %parallel_loop3A_141 = arith.constant 0 : i32
      %parallel_loop3A_142 = arith.constant 50 : i32
      %parallel_loop3A_143 = arith.constant 1 : i32
      scf.for %parallel_loop3A_209 = %parallel_loop3A_141 to %parallel_loop3A_142 step %parallel_loop3A_143  : i32 {
        %parallel_loop3A_210 = arith.constant 300 : i32
        %parallel_loop3A_211 = arith.addi %parallel_loop3A_210, %parallel_loop3A_209 : i32
        %parallel_loop3A_212 = arith.index_cast %parallel_loop3A_211 : i32 to index
        %parallel_loop3A_213 = arith.constant 0 : index
        %parallel_loop3A_214 = tpu.vector_load %arg7[%parallel_loop3A_212, %parallel_loop3A_213] {strides = array<i32>} : memref<400x64xf32, #tpu.memory_space<vmem>>, vector<16xf32>,
        %parallel_loop3A_215 = arith.constant 8.000000e+00 : f32
        %parallel_loop3A_216 = vector.broadcast %parallel_loop3A_215 : f32 to vector<16xf32>
        %parallel_loop3A_217 = arith.mulf %parallel_loop3A_214, %parallel_loop3A_216 : vector<16xf32>
        %parallel_loop3A_218 = arith.constant 6 : i32
        %parallel_loop3A_219 = arith.index_cast %parallel_loop3A_218 : i32 to index
        %parallel_loop3A_220 = arith.index_cast %parallel_loop3A_209 : i32 to index
        %parallel_loop3A_221 = arith.constant 0 : index
        %parallel_loop3A_222 = tpu.vector_load %arg9[%parallel_loop3A_219, %parallel_loop3A_220, %parallel_loop3A_221] {strides = array<i32>} : memref<8x50x64xf32, #tpu.memory_space<vmem>>, vector<16xf32>,
        tpu.vector_store %arg9[%parallel_loop3A_219, %parallel_loop3A_220, %parallel_loop3A_221], %parallel_loop3A_217 {strides = array<i32>} : memref<8x50x64xf32, #tpu.memory_space<vmem>>, vector<16xf32>,
        %parallel_loop3A_223 = arith.constant 300 : i32
        %parallel_loop3A_224 = arith.addi %parallel_loop3A_223, %parallel_loop3A_209 : i32
        %parallel_loop3A_225 = arith.index_cast %parallel_loop3A_224 : i32 to index
        %parallel_loop3A_226 = arith.constant 16 : index
        %parallel_loop3A_227 = tpu.vector_load %arg7[%parallel_loop3A_225, %parallel_loop3A_226] {strides = array<i32>} : memref<400x64xf32, #tpu.memory_space<vmem>>, vector<16xf32>,
        %parallel_loop3A_228 = arith.constant 8.000000e+00 : f32
        %parallel_loop3A_229 = vector.broadcast %parallel_loop3A_228 : f32 to vector<16xf32>
        %parallel_loop3A_230 = arith.mulf %parallel_loop3A_227, %parallel_loop3A_229 : vector<16xf32>
        %parallel_loop3A_231 = arith.constant 6 : i32
        %parallel_loop3A_232 = arith.index_cast %parallel_loop3A_231 : i32 to index
        %parallel_loop3A_233 = arith.index_cast %parallel_loop3A_209 : i32 to index
        %parallel_loop3A_234 = arith.constant 16 : index
        %parallel_loop3A_235 = tpu.vector_load %arg9[%parallel_loop3A_232, %parallel_loop3A_233, %parallel_loop3A_234] {strides = array<i32>} : memref<8x50x64xf32, #tpu.memory_space<vmem>>, vector<16xf32>,
        tpu.vector_store %arg9[%parallel_loop3A_232, %parallel_loop3A_233, %parallel_loop3A_234], %parallel_loop3A_230 {strides = array<i32>} : memref<8x50x64xf32, #tpu.memory_space<vmem>>, vector<16xf32>,
        %parallel_loop3A_236 = arith.constant 300 : i32
        %parallel_loop3A_237 = arith.addi %parallel_loop3A_236, %parallel_loop3A_209 : i32
        %parallel_loop3A_238 = arith.index_cast %parallel_loop3A_237 : i32 to index
        %parallel_loop3A_239 = arith.constant 32 : index
        %parallel_loop3A_240 = tpu.vector_load %arg7[%parallel_loop3A_238, %parallel_loop3A_239] {strides = array<i32>} : memref<400x64xf32, #tpu.memory_space<vmem>>, vector<16xf32>,
        %parallel_loop3A_241 = arith.constant 8.000000e+00 : f32
        %parallel_loop3A_242 = vector.broadcast %parallel_loop3A_241 : f32 to vector<16xf32>
        %parallel_loop3A_243 = arith.mulf %parallel_loop3A_240, %parallel_loop3A_242 : vector<16xf32>
        %parallel_loop3A_244 = arith.constant 6 : i32
        %parallel_loop3A_245 = arith.index_cast %parallel_loop3A_244 : i32 to index
        %parallel_loop3A_246 = arith.index_cast %parallel_loop3A_209 : i32 to index
        %parallel_loop3A_247 = arith.constant 32 : index
        %parallel_loop3A_248 = tpu.vector_load %arg9[%parallel_loop3A_245, %parallel_loop3A_246, %parallel_loop3A_247] {strides = array<i32>} : memref<8x50x64xf32, #tpu.memory_space<vmem>>, vector<16xf32>,
        tpu.vector_store %arg9[%parallel_loop3A_245, %parallel_loop3A_246, %parallel_loop3A_247], %parallel_loop3A_243 {strides = array<i32>} : memref<8x50x64xf32, #tpu.memory_space<vmem>>, vector<16xf32>,
        %parallel_loop3A_249 = arith.constant 300 : i32
        %parallel_loop3A_250 = arith.addi %parallel_loop3A_249, %parallel_loop3A_209 : i32
        %parallel_loop3A_251 = arith.index_cast %parallel_loop3A_250 : i32 to index
        %parallel_loop3A_252 = arith.constant 48 : index
        %parallel_loop3A_253 = tpu.vector_load %arg7[%parallel_loop3A_251, %parallel_loop3A_252] {strides = array<i32>} : memref<400x64xf32, #tpu.memory_space<vmem>>, vector<16xf32>,
        %parallel_loop3A_254 = arith.constant 8.000000e+00 : f32
        %parallel_loop3A_255 = vector.broadcast %parallel_loop3A_254 : f32 to vector<16xf32>
        %parallel_loop3A_256 = arith.mulf %parallel_loop3A_253, %parallel_loop3A_255 : vector<16xf32>
        %parallel_loop3A_257 = arith.constant 6 : i32
        %parallel_loop3A_258 = arith.index_cast %parallel_loop3A_257 : i32 to index
        %parallel_loop3A_259 = arith.index_cast %parallel_loop3A_209 : i32 to index
        %parallel_loop3A_260 = arith.constant 48 : index
        %parallel_loop3A_261 = tpu.vector_load %arg9[%parallel_loop3A_258, %parallel_loop3A_259, %parallel_loop3A_260] {strides = array<i32>} : memref<8x50x64xf32, #tpu.memory_space<vmem>>, vector<16xf32>,
        tpu.vector_store %arg9[%parallel_loop3A_258, %parallel_loop3A_259, %parallel_loop3A_260], %parallel_loop3A_256 {strides = array<i32>} : memref<8x50x64xf32, #tpu.memory_space<vmem>>, vector<16xf32>,
      } {sc.loop_unroll_factor = 2 : i64, sc.parallel_access}
      %parallel_loop3A_144 = arith.constant 0 : i32
      %parallel_loop3A_145 = arith.constant 50 : i32
      %parallel_loop3A_146 = arith.constant 1 : i32
      scf.for %parallel_loop3A_209 = %parallel_loop3A_144 to %parallel_loop3A_145 step %parallel_loop3A_146  : i32 {
        %parallel_loop3A_210 = arith.constant 350 : i32
        %parallel_loop3A_211 = arith.addi %parallel_loop3A_210, %parallel_loop3A_209 : i32
        %parallel_loop3A_212 = arith.index_cast %parallel_loop3A_211 : i32 to index
        %parallel_loop3A_213 = arith.constant 0 : index
        %parallel_loop3A_214 = tpu.vector_load %arg7[%parallel_loop3A_212, %parallel_loop3A_213] {strides = array<i32>} : memref<400x64xf32, #tpu.memory_space<vmem>>, vector<16xf32>,
        %parallel_loop3A_215 = arith.constant 8.000000e+00 : f32
        %parallel_loop3A_216 = vector.broadcast %parallel_loop3A_215 : f32 to vector<16xf32>
        %parallel_loop3A_217 = arith.mulf %parallel_loop3A_214, %parallel_loop3A_216 : vector<16xf32>
        %parallel_loop3A_218 = arith.constant 7 : i32
        %parallel_loop3A_219 = arith.index_cast %parallel_loop3A_218 : i32 to index
        %parallel_loop3A_220 = arith.index_cast %parallel_loop3A_209 : i32 to index
        %parallel_loop3A_221 = arith.constant 0 : index
        %parallel_loop3A_222 = tpu.vector_load %arg9[%parallel_loop3A_219, %parallel_loop3A_220, %parallel_loop3A_221] {strides = array<i32>} : memref<8x50x64xf32, #tpu.memory_space<vmem>>, vector<16xf32>,
        tpu.vector_store %arg9[%parallel_loop3A_219, %parallel_loop3A_220, %parallel_loop3A_221], %parallel_loop3A_217 {strides = array<i32>} : memref<8x50x64xf32, #tpu.memory_space<vmem>>, vector<16xf32>,
        %parallel_loop3A_223 = arith.constant 350 : i32
        %parallel_loop3A_224 = arith.addi %parallel_loop3A_223, %parallel_loop3A_209 : i32
        %parallel_loop3A_225 = arith.index_cast %parallel_loop3A_224 : i32 to index
        %parallel_loop3A_226 = arith.constant 16 : index
        %parallel_loop3A_227 = tpu.vector_load %arg7[%parallel_loop3A_225, %parallel_loop3A_226] {strides = array<i32>} : memref<400x64xf32, #tpu.memory_space<vmem>>, vector<16xf32>,
        %parallel_loop3A_228 = arith.constant 8.000000e+00 : f32
        %parallel_loop3A_229 = vector.broadcast %parallel_loop3A_228 : f32 to vector<16xf32>
        %parallel_loop3A_230 = arith.mulf %parallel_loop3A_227, %parallel_loop3A_229 : vector<16xf32>
        %parallel_loop3A_231 = arith.constant 7 : i32
        %parallel_loop3A_232 = arith.index_cast %parallel_loop3A_231 : i32 to index
        %parallel_loop3A_233 = arith.index_cast %parallel_loop3A_209 : i32 to index
        %parallel_loop3A_234 = arith.constant 16 : index
        %parallel_loop3A_235 = tpu.vector_load %arg9[%parallel_loop3A_232, %parallel_loop3A_233, %parallel_loop3A_234] {strides = array<i32>} : memref<8x50x64xf32, #tpu.memory_space<vmem>>, vector<16xf32>,
        tpu.vector_store %arg9[%parallel_loop3A_232, %parallel_loop3A_233, %parallel_loop3A_234], %parallel_loop3A_230 {strides = array<i32>} : memref<8x50x64xf32, #tpu.memory_space<vmem>>, vector<16xf32>,
        %parallel_loop3A_236 = arith.constant 350 : i32
        %parallel_loop3A_237 = arith.addi %parallel_loop3A_236, %parallel_loop3A_209 : i32
        %parallel_loop3A_238 = arith.index_cast %parallel_loop3A_237 : i32 to index
        %parallel_loop3A_239 = arith.constant 32 : index
        %parallel_loop3A_240 = tpu.vector_load %arg7[%parallel_loop3A_238, %parallel_loop3A_239] {strides = array<i32>} : memref<400x64xf32, #tpu.memory_space<vmem>>, vector<16xf32>,
        %parallel_loop3A_241 = arith.constant 8.000000e+00 : f32
        %parallel_loop3A_242 = vector.broadcast %parallel_loop3A_241 : f32 to vector<16xf32>
        %parallel_loop3A_243 = arith.mulf %parallel_loop3A_240, %parallel_loop3A_242 : vector<16xf32>
        %parallel_loop3A_244 = arith.constant 7 : i32
        %parallel_loop3A_245 = arith.index_cast %parallel_loop3A_244 : i32 to index
        %parallel_loop3A_246 = arith.index_cast %parallel_loop3A_209 : i32 to index
        %parallel_loop3A_247 = arith.constant 32 : index
        %parallel_loop3A_248 = tpu.vector_load %arg9[%parallel_loop3A_245, %parallel_loop3A_246, %parallel_loop3A_247] {strides = array<i32>} : memref<8x50x64xf32, #tpu.memory_space<vmem>>, vector<16xf32>,
        tpu.vector_store %arg9[%parallel_loop3A_245, %parallel_loop3A_246, %parallel_loop3A_247], %parallel_loop3A_243 {strides = array<i32>} : memref<8x50x64xf32, #tpu.memory_space<vmem>>, vector<16xf32>,
        %parallel_loop3A_249 = arith.constant 350 : i32
        %parallel_loop3A_250 = arith.addi %parallel_loop3A_249, %parallel_loop3A_209 : i32
        %parallel_loop3A_251 = arith.index_cast %parallel_loop3A_250 : i32 to index
        %parallel_loop3A_252 = arith.constant 48 : index
        %parallel_loop3A_253 = tpu.vector_load %arg7[%parallel_loop3A_251, %parallel_loop3A_252] {strides = array<i32>} : memref<400x64xf32, #tpu.memory_space<vmem>>, vector<16xf32>,
        %parallel_loop3A_254 = arith.constant 8.000000e+00 : f32
        %parallel_loop3A_255 = vector.broadcast %parallel_loop3A_254 : f32 to vector<16xf32>
        %parallel_loop3A_256 = arith.mulf %parallel_loop3A_253, %parallel_loop3A_255 : vector<16xf32>
        %parallel_loop3A_257 = arith.constant 7 : i32
        %parallel_loop3A_258 = arith.index_cast %parallel_loop3A_257 : i32 to index
        %parallel_loop3A_259 = arith.index_cast %parallel_loop3A_209 : i32 to index
        %parallel_loop3A_260 = arith.constant 48 : index
        %parallel_loop3A_261 = tpu.vector_load %arg9[%parallel_loop3A_258, %parallel_loop3A_259, %parallel_loop3A_260] {strides = array<i32>} : memref<8x50x64xf32, #tpu.memory_space<vmem>>, vector<16xf32>,
        tpu.vector_store %arg9[%parallel_loop3A_258, %parallel_loop3A_259, %parallel_loop3A_260], %parallel_loop3A_256 {strides = array<i32>} : memref<8x50x64xf32, #tpu.memory_space<vmem>>, vector<16xf32>,
      } {sc.loop_unroll_factor = 2 : i64, sc.parallel_access}
      %mul3A_147 = arith.constant 8 : i32
      %mul3A_148 = arith.muli %add3A_109, %mul3A_147 : i32
      %add3A_149 = arith.addi %mul3A_2, %mul3A_148 : i32
      %dma_start3A_150 = arith.constant 0 : i32
      %dma_start3A_151 = arith.constant 0 : i32
      %dma_start3A_152 = tpu.memref_slice %arg4[%add3A_149, %dma_start3A_150, %dma_start3A_151] : memref<16384x56x128xf32, #tpu.memory_space<hbm>> -> memref<8x50x64xf32, #tpu.memory_space<hbm>>
      %dma_start3A_153 = arith.constant 0 : i32
      %dma_start3A_154 = arith.constant 0 : i32
      %dma_start3A_155 = tpu.memref_slice %arg4[%add3A_149, %dma_start3A_153, %dma_start3A_154] : memref<16384x56x128xf32, #tpu.memory_space<hbm>> -> memref<8x50x64xf32, #tpu.memory_space<hbm>>
      tpu.enqueue_dma source(%arg9 : memref<8x50x64xf32, #tpu.memory_space<vmem>>) target(%dma_start3A_155 : memref<8x50x64xf32, #tpu.memory_space<hbm>>) target_semaphore(%arg13 : memref<!tpu.dma_semaphore, #tpu.memory_space<semaphore_mem>>)
      %add3A_156 = arith.constant 1 : i32
      %add3A_157 = arith.addi %add3A_107, %add3A_156 : i32
      %add3A_158 = arith.constant 1 : i32
      %add3A_159 = arith.addi %add3A_157, %add3A_158 : i32
      %lt3A_160 = arith.constant 64 : i32
      %lt3A_161 = arith.cmpi slt, %add3A_159, %lt3A_160 : i32
      %convert_element_type3A_162 = arith.extui %lt3A_161 : i1 to i32
      %cond3A_163 = arith.constant 0 : i32
      %cond3A_164 = arith.cmpi ne, %convert_element_type3A_162, %cond3A_163 : i32
      scf.if %cond3A_164 {
        %add3A_209 = arith.constant 1 : i32
        %add3A_210 = arith.addi %add3A_157, %add3A_209 : i32
        %mul3A_211 = arith.constant 8 : i32
        %mul3A_212 = arith.muli %add3A_210, %mul3A_211 : i32
        %add3A_213 = arith.addi %mul3A_2, %mul3A_212 : i32
        "tpu.region"() ({
          %run_scoped3A = tpu.sem_alloc : memref<!tpu.dma_semaphore, #tpu.memory_space<semaphore_mem>>
          %dma_start3A_294 = arith.constant 0 : i32
          %dma_start3A_295 = tpu.memref_slice %arg2[%add3A_213, %dma_start3A_294] : memref<16384x50xi32, #tpu.memory_space<hbm>> -> memref<8x50xi32, #tpu.memory_space<hbm>>
          %dma_start3A_296 = arith.constant 0 : i32
          %dma_start3A_297 = tpu.memref_slice %arg2[%add3A_213, %dma_start3A_296] : memref<16384x50xi32, #tpu.memory_space<hbm>> -> memref<8x50xi32, #tpu.memory_space<hbm>>
          tpu.enqueue_dma source(%dma_start3A_297 : memref<8x50xi32, #tpu.memory_space<hbm>>) target(%arg5 : memref<8x50xi32, #tpu.memory_space<vmem>>) target_semaphore(%run_scoped3A : memref<!tpu.dma_semaphore, #tpu.memory_space<semaphore_mem>>)
          %dma_wait3A_298 = arith.constant 0 : i32
          %dma_wait3A_299 = tpu.memref_slice %arg2[%add3A_213, %dma_wait3A_298] : memref<16384x50xi32, #tpu.memory_space<hbm>> -> memref<8x50xi32, #tpu.memory_space<hbm>>
          %dma_wait3A_300 = arith.constant 0 : i32
          %dma_wait3A_301 = tpu.memref_slice %arg2[%add3A_213, %dma_wait3A_300] : memref<16384x50xi32, #tpu.memory_space<hbm>> -> memref<8x50xi32, #tpu.memory_space<hbm>>
          tpu.wait_dma2 semaphore(%run_scoped3A : memref<!tpu.dma_semaphore, #tpu.memory_space<semaphore_mem>>) src(%dma_wait3A_301 : memref<8x50xi32, #tpu.memory_space<hbm>>) dst(%arg5 : memref<8x50xi32, #tpu.memory_space<vmem>>)
          tpu.yield
        }) : () -> ()
        %dma_start3A_214 = arith.constant 0 : i32
        %dma_start3A_215 = arith.constant 0 : i32
        %dma_start3A_216 = arith.constant 0 : i32
        %dma_start3A_217 = tpu.memref_slice %arg7[%dma_start3A_215, %dma_start3A_216] : memref<400x64xf32, #tpu.memory_space<vmem>> -> memref<50x64xf32, #tpu.memory_space<vmem>>
        %dma_start3A_218 = arith.constant 0 : i32
        %dma_start3A_219 = tpu.memref_slice %arg5[%dma_start3A_214, %dma_start3A_218] : memref<8x50xi32, #tpu.memory_space<vmem>> -> memref<1x50xi32, #tpu.memory_space<vmem>>
        %dma_start3A_220 = tpu.memref_squeeze %dma_start3A_219 : memref<1x50xi32, #tpu.memory_space<vmem>> -> memref<50xi32, #tpu.memory_space<vmem>>
        %dma_start3A_221 = arith.constant 0 : i32
        %dma_start3A_222 = arith.constant 0 : i32
        %dma_start3A_223 = tpu.memref_slice %arg3[%dma_start3A_221, %dma_start3A_222] : memref<2000000x64xf32, #tpu.memory_space<hbm>> -> memref<2000000x64xf32, #tpu.memory_space<hbm>>
        tpu.enqueue_indirect_dma source(%dma_start3A_223 : memref<2000000x64xf32, #tpu.memory_space<hbm>>) target(%dma_start3A_217 : memref<50x64xf32, #tpu.memory_space<vmem>>) offsets(%dma_start3A_220 : memref<50xi32, #tpu.memory_space<vmem>>) semaphore(%arg11 : memref<!tpu.dma_semaphore, #tpu.memory_space<semaphore_mem>>)
        %dma_start3A_224 = arith.constant 1 : i32
        %dma_start3A_225 = arith.constant 50 : i32
        %dma_start3A_226 = arith.constant 0 : i32
        %dma_start3A_227 = tpu.memref_slice %arg7[%dma_start3A_225, %dma_start3A_226] : memref<400x64xf32, #tpu.memory_space<vmem>> -> memref<50x64xf32, #tpu.memory_space<vmem>>
        %dma_start3A_228 = arith.constant 0 : i32
        %dma_start3A_229 = tpu.memref_slice %arg5[%dma_start3A_224, %dma_start3A_228] : memref<8x50xi32, #tpu.memory_space<vmem>> -> memref<1x50xi32, #tpu.memory_space<vmem>>
        %dma_start3A_230 = tpu.memref_squeeze %dma_start3A_229 : memref<1x50xi32, #tpu.memory_space<vmem>> -> memref<50xi32, #tpu.memory_space<vmem>>
        %dma_start3A_231 = arith.constant 0 : i32
        %dma_start3A_232 = arith.constant 0 : i32
        %dma_start3A_233 = tpu.memref_slice %arg3[%dma_start3A_231, %dma_start3A_232] : memref<2000000x64xf32, #tpu.memory_space<hbm>> -> memref<2000000x64xf32, #tpu.memory_space<hbm>>
        tpu.enqueue_indirect_dma source(%dma_start3A_233 : memref<2000000x64xf32, #tpu.memory_space<hbm>>) target(%dma_start3A_227 : memref<50x64xf32, #tpu.memory_space<vmem>>) offsets(%dma_start3A_230 : memref<50xi32, #tpu.memory_space<vmem>>) semaphore(%arg11 : memref<!tpu.dma_semaphore, #tpu.memory_space<semaphore_mem>>)
        %dma_start3A_234 = arith.constant 2 : i32
        %dma_start3A_235 = arith.constant 100 : i32
        %dma_start3A_236 = arith.constant 0 : i32
        %dma_start3A_237 = tpu.memref_slice %arg7[%dma_start3A_235, %dma_start3A_236] : memref<400x64xf32, #tpu.memory_space<vmem>> -> memref<50x64xf32, #tpu.memory_space<vmem>>
        %dma_start3A_238 = arith.constant 0 : i32
        %dma_start3A_239 = tpu.memref_slice %arg5[%dma_start3A_234, %dma_start3A_238] : memref<8x50xi32, #tpu.memory_space<vmem>> -> memref<1x50xi32, #tpu.memory_space<vmem>>
        %dma_start3A_240 = tpu.memref_squeeze %dma_start3A_239 : memref<1x50xi32, #tpu.memory_space<vmem>> -> memref<50xi32, #tpu.memory_space<vmem>>
        %dma_start3A_241 = arith.constant 0 : i32
        %dma_start3A_242 = arith.constant 0 : i32
        %dma_start3A_243 = tpu.memref_slice %arg3[%dma_start3A_241, %dma_start3A_242] : memref<2000000x64xf32, #tpu.memory_space<hbm>> -> memref<2000000x64xf32, #tpu.memory_space<hbm>>
        tpu.enqueue_indirect_dma source(%dma_start3A_243 : memref<2000000x64xf32, #tpu.memory_space<hbm>>) target(%dma_start3A_237 : memref<50x64xf32, #tpu.memory_space<vmem>>) offsets(%dma_start3A_240 : memref<50xi32, #tpu.memory_space<vmem>>) semaphore(%arg11 : memref<!tpu.dma_semaphore, #tpu.memory_space<semaphore_mem>>)
        %dma_start3A_244 = arith.constant 3 : i32
        %dma_start3A_245 = arith.constant 150 : i32
        %dma_start3A_246 = arith.constant 0 : i32
        %dma_start3A_247 = tpu.memref_slice %arg7[%dma_start3A_245, %dma_start3A_246] : memref<400x64xf32, #tpu.memory_space<vmem>> -> memref<50x64xf32, #tpu.memory_space<vmem>>
        %dma_start3A_248 = arith.constant 0 : i32
        %dma_start3A_249 = tpu.memref_slice %arg5[%dma_start3A_244, %dma_start3A_248] : memref<8x50xi32, #tpu.memory_space<vmem>> -> memref<1x50xi32, #tpu.memory_space<vmem>>
        %dma_start3A_250 = tpu.memref_squeeze %dma_start3A_249 : memref<1x50xi32, #tpu.memory_space<vmem>> -> memref<50xi32, #tpu.memory_space<vmem>>
        %dma_start3A_251 = arith.constant 0 : i32
        %dma_start3A_252 = arith.constant 0 : i32
        %dma_start3A_253 = tpu.memref_slice %arg3[%dma_start3A_251, %dma_start3A_252] : memref<2000000x64xf32, #tpu.memory_space<hbm>> -> memref<2000000x64xf32, #tpu.memory_space<hbm>>
        tpu.enqueue_indirect_dma source(%dma_start3A_253 : memref<2000000x64xf32, #tpu.memory_space<hbm>>) target(%dma_start3A_247 : memref<50x64xf32, #tpu.memory_space<vmem>>) offsets(%dma_start3A_250 : memref<50xi32, #tpu.memory_space<vmem>>) semaphore(%arg11 : memref<!tpu.dma_semaphore, #tpu.memory_space<semaphore_mem>>)
        %dma_start3A_254 = arith.constant 4 : i32
        %dma_start3A_255 = arith.constant 200 : i32
        %dma_start3A_256 = arith.constant 0 : i32
        %dma_start3A_257 = tpu.memref_slice %arg7[%dma_start3A_255, %dma_start3A_256] : memref<400x64xf32, #tpu.memory_space<vmem>> -> memref<50x64xf32, #tpu.memory_space<vmem>>
        %dma_start3A_258 = arith.constant 0 : i32
        %dma_start3A_259 = tpu.memref_slice %arg5[%dma_start3A_254, %dma_start3A_258] : memref<8x50xi32, #tpu.memory_space<vmem>> -> memref<1x50xi32, #tpu.memory_space<vmem>>
        %dma_start3A_260 = tpu.memref_squeeze %dma_start3A_259 : memref<1x50xi32, #tpu.memory_space<vmem>> -> memref<50xi32, #tpu.memory_space<vmem>>
        %dma_start3A_261 = arith.constant 0 : i32
        %dma_start3A_262 = arith.constant 0 : i32
        %dma_start3A_263 = tpu.memref_slice %arg3[%dma_start3A_261, %dma_start3A_262] : memref<2000000x64xf32, #tpu.memory_space<hbm>> -> memref<2000000x64xf32, #tpu.memory_space<hbm>>
        tpu.enqueue_indirect_dma source(%dma_start3A_263 : memref<2000000x64xf32, #tpu.memory_space<hbm>>) target(%dma_start3A_257 : memref<50x64xf32, #tpu.memory_space<vmem>>) offsets(%dma_start3A_260 : memref<50xi32, #tpu.memory_space<vmem>>) semaphore(%arg11 : memref<!tpu.dma_semaphore, #tpu.memory_space<semaphore_mem>>)
        %dma_start3A_264 = arith.constant 5 : i32
        %dma_start3A_265 = arith.constant 250 : i32
        %dma_start3A_266 = arith.constant 0 : i32
        %dma_start3A_267 = tpu.memref_slice %arg7[%dma_start3A_265, %dma_start3A_266] : memref<400x64xf32, #tpu.memory_space<vmem>> -> memref<50x64xf32, #tpu.memory_space<vmem>>
        %dma_start3A_268 = arith.constant 0 : i32
        %dma_start3A_269 = tpu.memref_slice %arg5[%dma_start3A_264, %dma_start3A_268] : memref<8x50xi32, #tpu.memory_space<vmem>> -> memref<1x50xi32, #tpu.memory_space<vmem>>
        %dma_start3A_270 = tpu.memref_squeeze %dma_start3A_269 : memref<1x50xi32, #tpu.memory_space<vmem>> -> memref<50xi32, #tpu.memory_space<vmem>>
        %dma_start3A_271 = arith.constant 0 : i32
        %dma_start3A_272 = arith.constant 0 : i32
        %dma_start3A_273 = tpu.memref_slice %arg3[%dma_start3A_271, %dma_start3A_272] : memref<2000000x64xf32, #tpu.memory_space<hbm>> -> memref<2000000x64xf32, #tpu.memory_space<hbm>>
        tpu.enqueue_indirect_dma source(%dma_start3A_273 : memref<2000000x64xf32, #tpu.memory_space<hbm>>) target(%dma_start3A_267 : memref<50x64xf32, #tpu.memory_space<vmem>>) offsets(%dma_start3A_270 : memref<50xi32, #tpu.memory_space<vmem>>) semaphore(%arg11 : memref<!tpu.dma_semaphore, #tpu.memory_space<semaphore_mem>>)
        %dma_start3A_274 = arith.constant 6 : i32
        %dma_start3A_275 = arith.constant 300 : i32
        %dma_start3A_276 = arith.constant 0 : i32
        %dma_start3A_277 = tpu.memref_slice %arg7[%dma_start3A_275, %dma_start3A_276] : memref<400x64xf32, #tpu.memory_space<vmem>> -> memref<50x64xf32, #tpu.memory_space<vmem>>
        %dma_start3A_278 = arith.constant 0 : i32
        %dma_start3A_279 = tpu.memref_slice %arg5[%dma_start3A_274, %dma_start3A_278] : memref<8x50xi32, #tpu.memory_space<vmem>> -> memref<1x50xi32, #tpu.memory_space<vmem>>
        %dma_start3A_280 = tpu.memref_squeeze %dma_start3A_279 : memref<1x50xi32, #tpu.memory_space<vmem>> -> memref<50xi32, #tpu.memory_space<vmem>>
        %dma_start3A_281 = arith.constant 0 : i32
        %dma_start3A_282 = arith.constant 0 : i32
        %dma_start3A_283 = tpu.memref_slice %arg3[%dma_start3A_281, %dma_start3A_282] : memref<2000000x64xf32, #tpu.memory_space<hbm>> -> memref<2000000x64xf32, #tpu.memory_space<hbm>>
        tpu.enqueue_indirect_dma source(%dma_start3A_283 : memref<2000000x64xf32, #tpu.memory_space<hbm>>) target(%dma_start3A_277 : memref<50x64xf32, #tpu.memory_space<vmem>>) offsets(%dma_start3A_280 : memref<50xi32, #tpu.memory_space<vmem>>) semaphore(%arg11 : memref<!tpu.dma_semaphore, #tpu.memory_space<semaphore_mem>>)
        %dma_start3A_284 = arith.constant 7 : i32
        %dma_start3A_285 = arith.constant 350 : i32
        %dma_start3A_286 = arith.constant 0 : i32
        %dma_start3A_287 = tpu.memref_slice %arg7[%dma_start3A_285, %dma_start3A_286] : memref<400x64xf32, #tpu.memory_space<vmem>> -> memref<50x64xf32, #tpu.memory_space<vmem>>
        %dma_start3A_288 = arith.constant 0 : i32
        %dma_start3A_289 = tpu.memref_slice %arg5[%dma_start3A_284, %dma_start3A_288] : memref<8x50xi32, #tpu.memory_space<vmem>> -> memref<1x50xi32, #tpu.memory_space<vmem>>
        %dma_start3A_290 = tpu.memref_squeeze %dma_start3A_289 : memref<1x50xi32, #tpu.memory_space<vmem>> -> memref<50xi32, #tpu.memory_space<vmem>>
        %dma_start3A_291 = arith.constant 0 : i32
        %dma_start3A_292 = arith.constant 0 : i32
        %dma_start3A_293 = tpu.memref_slice %arg3[%dma_start3A_291, %dma_start3A_292] : memref<2000000x64xf32, #tpu.memory_space<hbm>> -> memref<2000000x64xf32, #tpu.memory_space<hbm>>
        tpu.enqueue_indirect_dma source(%dma_start3A_293 : memref<2000000x64xf32, #tpu.memory_space<hbm>>) target(%dma_start3A_287 : memref<50x64xf32, #tpu.memory_space<vmem>>) offsets(%dma_start3A_290 : memref<50xi32, #tpu.memory_space<vmem>>) semaphore(%arg11 : memref<!tpu.dma_semaphore, #tpu.memory_space<semaphore_mem>>)
      } else {
      }
      %dma_wait3A_165 = arith.constant 0 : i32
      %dma_wait3A_166 = arith.constant 0 : i32
      %dma_wait3A_167 = tpu.memref_slice %arg3[%dma_wait3A_165, %dma_wait3A_166] : memref<2000000x64xf32, #tpu.memory_space<hbm>> -> memref<400x64xf32, #tpu.memory_space<hbm>>
      %dma_wait3A_168 = arith.constant 0 : i32
      %dma_wait3A_169 = arith.constant 0 : i32
      %dma_wait3A_170 = tpu.memref_slice %arg3[%dma_wait3A_168, %dma_wait3A_169] : memref<2000000x64xf32, #tpu.memory_space<hbm>> -> memref<400x64xf32, #tpu.memory_space<hbm>>
      tpu.wait_dma2 semaphore(%arg12 : memref<!tpu.dma_semaphore, #tpu.memory_space<semaphore_mem>>) src(%dma_wait3A_170 : memref<400x64xf32, #tpu.memory_space<hbm>>) dst(%arg8 : memref<400x64xf32, #tpu.memory_space<vmem>>)
      %ge3A_171 = arith.constant 2 : i32
      %ge3A_172 = arith.cmpi sge, %add3A_157, %ge3A_171 : i32
      %convert_element_type3A_173 = arith.extui %ge3A_172 : i1 to i32
      %cond3A_174 = arith.constant 0 : i32
      %cond3A_175 = arith.cmpi ne, %convert_element_type3A_173, %cond3A_174 : i32
      scf.if %cond3A_175 {
        %dma_wait3A_209 = arith.constant 0 : i32
        %dma_wait3A_210 = arith.constant 0 : i32
        %dma_wait3A_211 = arith.constant 0 : i32
        %dma_wait3A_212 = tpu.memref_slice %arg4[%dma_wait3A_209, %dma_wait3A_210, %dma_wait3A_211] : memref<16384x56x128xf32, #tpu.memory_space<hbm>> -> memref<8x50x64xf32, #tpu.memory_space<hbm>>
        %dma_wait3A_213 = arith.constant 0 : i32
        %dma_wait3A_214 = arith.constant 0 : i32
        %dma_wait3A_215 = arith.constant 0 : i32
        %dma_wait3A_216 = tpu.memref_slice %arg4[%dma_wait3A_213, %dma_wait3A_214, %dma_wait3A_215] : memref<16384x56x128xf32, #tpu.memory_space<hbm>> -> memref<8x50x64xf32, #tpu.memory_space<hbm>>
        tpu.wait_dma2 semaphore(%arg14 : memref<!tpu.dma_semaphore, #tpu.memory_space<semaphore_mem>>) src(%dma_wait3A_216 : memref<8x50x64xf32, #tpu.memory_space<hbm>>) dst(%arg10 : memref<8x50x64xf32, #tpu.memory_space<vmem>>)
      } else {
      }
      %parallel_loop3A_176 = arith.constant 0 : i32
      %parallel_loop3A_177 = arith.constant 50 : i32
      %parallel_loop3A_178 = arith.constant 1 : i32
      scf.for %parallel_loop3A_209 = %parallel_loop3A_176 to %parallel_loop3A_177 step %parallel_loop3A_178  : i32 {
        %parallel_loop3A_210 = arith.constant 0 : i32
        %parallel_loop3A_211 = arith.addi %parallel_loop3A_210, %parallel_loop3A_209 : i32
        %parallel_loop3A_212 = arith.index_cast %parallel_loop3A_211 : i32 to index
        %parallel_loop3A_213 = arith.constant 0 : index
        %parallel_loop3A_214 = tpu.vector_load %arg8[%parallel_loop3A_212, %parallel_loop3A_213] {strides = array<i32>} : memref<400x64xf32, #tpu.memory_space<vmem>>, vector<16xf32>,
        %parallel_loop3A_215 = arith.constant 8.000000e+00 : f32
        %parallel_loop3A_216 = vector.broadcast %parallel_loop3A_215 : f32 to vector<16xf32>
        %parallel_loop3A_217 = arith.mulf %parallel_loop3A_214, %parallel_loop3A_216 : vector<16xf32>
        %parallel_loop3A_218 = arith.constant 0 : i32
        %parallel_loop3A_219 = arith.index_cast %parallel_loop3A_218 : i32 to index
        %parallel_loop3A_220 = arith.index_cast %parallel_loop3A_209 : i32 to index
        %parallel_loop3A_221 = arith.constant 0 : index
        %parallel_loop3A_222 = tpu.vector_load %arg10[%parallel_loop3A_219, %parallel_loop3A_220, %parallel_loop3A_221] {strides = array<i32>} : memref<8x50x64xf32, #tpu.memory_space<vmem>>, vector<16xf32>,
        tpu.vector_store %arg10[%parallel_loop3A_219, %parallel_loop3A_220, %parallel_loop3A_221], %parallel_loop3A_217 {strides = array<i32>} : memref<8x50x64xf32, #tpu.memory_space<vmem>>, vector<16xf32>,
        %parallel_loop3A_223 = arith.constant 0 : i32
        %parallel_loop3A_224 = arith.addi %parallel_loop3A_223, %parallel_loop3A_209 : i32
        %parallel_loop3A_225 = arith.index_cast %parallel_loop3A_224 : i32 to index
        %parallel_loop3A_226 = arith.constant 16 : index
        %parallel_loop3A_227 = tpu.vector_load %arg8[%parallel_loop3A_225, %parallel_loop3A_226] {strides = array<i32>} : memref<400x64xf32, #tpu.memory_space<vmem>>, vector<16xf32>,
        %parallel_loop3A_228 = arith.constant 8.000000e+00 : f32
        %parallel_loop3A_229 = vector.broadcast %parallel_loop3A_228 : f32 to vector<16xf32>
        %parallel_loop3A_230 = arith.mulf %parallel_loop3A_227, %parallel_loop3A_229 : vector<16xf32>
        %parallel_loop3A_231 = arith.constant 0 : i32
        %parallel_loop3A_232 = arith.index_cast %parallel_loop3A_231 : i32 to index
        %parallel_loop3A_233 = arith.index_cast %parallel_loop3A_209 : i32 to index
        %parallel_loop3A_234 = arith.constant 16 : index
        %parallel_loop3A_235 = tpu.vector_load %arg10[%parallel_loop3A_232, %parallel_loop3A_233, %parallel_loop3A_234] {strides = array<i32>} : memref<8x50x64xf32, #tpu.memory_space<vmem>>, vector<16xf32>,
        tpu.vector_store %arg10[%parallel_loop3A_232, %parallel_loop3A_233, %parallel_loop3A_234], %parallel_loop3A_230 {strides = array<i32>} : memref<8x50x64xf32, #tpu.memory_space<vmem>>, vector<16xf32>,
        %parallel_loop3A_236 = arith.constant 0 : i32
        %parallel_loop3A_237 = arith.addi %parallel_loop3A_236, %parallel_loop3A_209 : i32
        %parallel_loop3A_238 = arith.index_cast %parallel_loop3A_237 : i32 to index
        %parallel_loop3A_239 = arith.constant 32 : index
        %parallel_loop3A_240 = tpu.vector_load %arg8[%parallel_loop3A_238, %parallel_loop3A_239] {strides = array<i32>} : memref<400x64xf32, #tpu.memory_space<vmem>>, vector<16xf32>,
        %parallel_loop3A_241 = arith.constant 8.000000e+00 : f32
        %parallel_loop3A_242 = vector.broadcast %parallel_loop3A_241 : f32 to vector<16xf32>
        %parallel_loop3A_243 = arith.mulf %parallel_loop3A_240, %parallel_loop3A_242 : vector<16xf32>
        %parallel_loop3A_244 = arith.constant 0 : i32
        %parallel_loop3A_245 = arith.index_cast %parallel_loop3A_244 : i32 to index
        %parallel_loop3A_246 = arith.index_cast %parallel_loop3A_209 : i32 to index
        %parallel_loop3A_247 = arith.constant 32 : index
        %parallel_loop3A_248 = tpu.vector_load %arg10[%parallel_loop3A_245, %parallel_loop3A_246, %parallel_loop3A_247] {strides = array<i32>} : memref<8x50x64xf32, #tpu.memory_space<vmem>>, vector<16xf32>,
        tpu.vector_store %arg10[%parallel_loop3A_245, %parallel_loop3A_246, %parallel_loop3A_247], %parallel_loop3A_243 {strides = array<i32>} : memref<8x50x64xf32, #tpu.memory_space<vmem>>, vector<16xf32>,
        %parallel_loop3A_249 = arith.constant 0 : i32
        %parallel_loop3A_250 = arith.addi %parallel_loop3A_249, %parallel_loop3A_209 : i32
        %parallel_loop3A_251 = arith.index_cast %parallel_loop3A_250 : i32 to index
        %parallel_loop3A_252 = arith.constant 48 : index
        %parallel_loop3A_253 = tpu.vector_load %arg8[%parallel_loop3A_251, %parallel_loop3A_252] {strides = array<i32>} : memref<400x64xf32, #tpu.memory_space<vmem>>, vector<16xf32>,
        %parallel_loop3A_254 = arith.constant 8.000000e+00 : f32
        %parallel_loop3A_255 = vector.broadcast %parallel_loop3A_254 : f32 to vector<16xf32>
        %parallel_loop3A_256 = arith.mulf %parallel_loop3A_253, %parallel_loop3A_255 : vector<16xf32>
        %parallel_loop3A_257 = arith.constant 0 : i32
        %parallel_loop3A_258 = arith.index_cast %parallel_loop3A_257 : i32 to index
        %parallel_loop3A_259 = arith.index_cast %parallel_loop3A_209 : i32 to index
        %parallel_loop3A_260 = arith.constant 48 : index
        %parallel_loop3A_261 = tpu.vector_load %arg10[%parallel_loop3A_258, %parallel_loop3A_259, %parallel_loop3A_260] {strides = array<i32>} : memref<8x50x64xf32, #tpu.memory_space<vmem>>, vector<16xf32>,
        tpu.vector_store %arg10[%parallel_loop3A_258, %parallel_loop3A_259, %parallel_loop3A_260], %parallel_loop3A_256 {strides = array<i32>} : memref<8x50x64xf32, #tpu.memory_space<vmem>>, vector<16xf32>,
      } {sc.loop_unroll_factor = 2 : i64, sc.parallel_access}
      %parallel_loop3A_179 = arith.constant 0 : i32
      %parallel_loop3A_180 = arith.constant 50 : i32
      %parallel_loop3A_181 = arith.constant 1 : i32
      scf.for %parallel_loop3A_209 = %parallel_loop3A_179 to %parallel_loop3A_180 step %parallel_loop3A_181  : i32 {
        %parallel_loop3A_210 = arith.constant 50 : i32
        %parallel_loop3A_211 = arith.addi %parallel_loop3A_210, %parallel_loop3A_209 : i32
        %parallel_loop3A_212 = arith.index_cast %parallel_loop3A_211 : i32 to index
        %parallel_loop3A_213 = arith.constant 0 : index
        %parallel_loop3A_214 = tpu.vector_load %arg8[%parallel_loop3A_212, %parallel_loop3A_213] {strides = array<i32>} : memref<400x64xf32, #tpu.memory_space<vmem>>, vector<16xf32>,
        %parallel_loop3A_215 = arith.constant 8.000000e+00 : f32
        %parallel_loop3A_216 = vector.broadcast %parallel_loop3A_215 : f32 to vector<16xf32>
        %parallel_loop3A_217 = arith.mulf %parallel_loop3A_214, %parallel_loop3A_216 : vector<16xf32>
        %parallel_loop3A_218 = arith.constant 1 : i32
        %parallel_loop3A_219 = arith.index_cast %parallel_loop3A_218 : i32 to index
        %parallel_loop3A_220 = arith.index_cast %parallel_loop3A_209 : i32 to index
        %parallel_loop3A_221 = arith.constant 0 : index
        %parallel_loop3A_222 = tpu.vector_load %arg10[%parallel_loop3A_219, %parallel_loop3A_220, %parallel_loop3A_221] {strides = array<i32>} : memref<8x50x64xf32, #tpu.memory_space<vmem>>, vector<16xf32>,
        tpu.vector_store %arg10[%parallel_loop3A_219, %parallel_loop3A_220, %parallel_loop3A_221], %parallel_loop3A_217 {strides = array<i32>} : memref<8x50x64xf32, #tpu.memory_space<vmem>>, vector<16xf32>,
        %parallel_loop3A_223 = arith.constant 50 : i32
        %parallel_loop3A_224 = arith.addi %parallel_loop3A_223, %parallel_loop3A_209 : i32
        %parallel_loop3A_225 = arith.index_cast %parallel_loop3A_224 : i32 to index
        %parallel_loop3A_226 = arith.constant 16 : index
        %parallel_loop3A_227 = tpu.vector_load %arg8[%parallel_loop3A_225, %parallel_loop3A_226] {strides = array<i32>} : memref<400x64xf32, #tpu.memory_space<vmem>>, vector<16xf32>,
        %parallel_loop3A_228 = arith.constant 8.000000e+00 : f32
        %parallel_loop3A_229 = vector.broadcast %parallel_loop3A_228 : f32 to vector<16xf32>
        %parallel_loop3A_230 = arith.mulf %parallel_loop3A_227, %parallel_loop3A_229 : vector<16xf32>
        %parallel_loop3A_231 = arith.constant 1 : i32
        %parallel_loop3A_232 = arith.index_cast %parallel_loop3A_231 : i32 to index
        %parallel_loop3A_233 = arith.index_cast %parallel_loop3A_209 : i32 to index
        %parallel_loop3A_234 = arith.constant 16 : index
        %parallel_loop3A_235 = tpu.vector_load %arg10[%parallel_loop3A_232, %parallel_loop3A_233, %parallel_loop3A_234] {strides = array<i32>} : memref<8x50x64xf32, #tpu.memory_space<vmem>>, vector<16xf32>,
        tpu.vector_store %arg10[%parallel_loop3A_232, %parallel_loop3A_233, %parallel_loop3A_234], %parallel_loop3A_230 {strides = array<i32>} : memref<8x50x64xf32, #tpu.memory_space<vmem>>, vector<16xf32>,
        %parallel_loop3A_236 = arith.constant 50 : i32
        %parallel_loop3A_237 = arith.addi %parallel_loop3A_236, %parallel_loop3A_209 : i32
        %parallel_loop3A_238 = arith.index_cast %parallel_loop3A_237 : i32 to index
        %parallel_loop3A_239 = arith.constant 32 : index
        %parallel_loop3A_240 = tpu.vector_load %arg8[%parallel_loop3A_238, %parallel_loop3A_239] {strides = array<i32>} : memref<400x64xf32, #tpu.memory_space<vmem>>, vector<16xf32>,
        %parallel_loop3A_241 = arith.constant 8.000000e+00 : f32
        %parallel_loop3A_242 = vector.broadcast %parallel_loop3A_241 : f32 to vector<16xf32>
        %parallel_loop3A_243 = arith.mulf %parallel_loop3A_240, %parallel_loop3A_242 : vector<16xf32>
        %parallel_loop3A_244 = arith.constant 1 : i32
        %parallel_loop3A_245 = arith.index_cast %parallel_loop3A_244 : i32 to index
        %parallel_loop3A_246 = arith.index_cast %parallel_loop3A_209 : i32 to index
        %parallel_loop3A_247 = arith.constant 32 : index
        %parallel_loop3A_248 = tpu.vector_load %arg10[%parallel_loop3A_245, %parallel_loop3A_246, %parallel_loop3A_247] {strides = array<i32>} : memref<8x50x64xf32, #tpu.memory_space<vmem>>, vector<16xf32>,
        tpu.vector_store %arg10[%parallel_loop3A_245, %parallel_loop3A_246, %parallel_loop3A_247], %parallel_loop3A_243 {strides = array<i32>} : memref<8x50x64xf32, #tpu.memory_space<vmem>>, vector<16xf32>,
        %parallel_loop3A_249 = arith.constant 50 : i32
        %parallel_loop3A_250 = arith.addi %parallel_loop3A_249, %parallel_loop3A_209 : i32
        %parallel_loop3A_251 = arith.index_cast %parallel_loop3A_250 : i32 to index
        %parallel_loop3A_252 = arith.constant 48 : index
        %parallel_loop3A_253 = tpu.vector_load %arg8[%parallel_loop3A_251, %parallel_loop3A_252] {strides = array<i32>} : memref<400x64xf32, #tpu.memory_space<vmem>>, vector<16xf32>,
        %parallel_loop3A_254 = arith.constant 8.000000e+00 : f32
        %parallel_loop3A_255 = vector.broadcast %parallel_loop3A_254 : f32 to vector<16xf32>
        %parallel_loop3A_256 = arith.mulf %parallel_loop3A_253, %parallel_loop3A_255 : vector<16xf32>
        %parallel_loop3A_257 = arith.constant 1 : i32
        %parallel_loop3A_258 = arith.index_cast %parallel_loop3A_257 : i32 to index
        %parallel_loop3A_259 = arith.index_cast %parallel_loop3A_209 : i32 to index
        %parallel_loop3A_260 = arith.constant 48 : index
        %parallel_loop3A_261 = tpu.vector_load %arg10[%parallel_loop3A_258, %parallel_loop3A_259, %parallel_loop3A_260] {strides = array<i32>} : memref<8x50x64xf32, #tpu.memory_space<vmem>>, vector<16xf32>,
        tpu.vector_store %arg10[%parallel_loop3A_258, %parallel_loop3A_259, %parallel_loop3A_260], %parallel_loop3A_256 {strides = array<i32>} : memref<8x50x64xf32, #tpu.memory_space<vmem>>, vector<16xf32>,
      } {sc.loop_unroll_factor = 2 : i64, sc.parallel_access}
      %parallel_loop3A_182 = arith.constant 0 : i32
      %parallel_loop3A_183 = arith.constant 50 : i32
      %parallel_loop3A_184 = arith.constant 1 : i32
      scf.for %parallel_loop3A_209 = %parallel_loop3A_182 to %parallel_loop3A_183 step %parallel_loop3A_184  : i32 {
        %parallel_loop3A_210 = arith.constant 100 : i32
        %parallel_loop3A_211 = arith.addi %parallel_loop3A_210, %parallel_loop3A_209 : i32
        %parallel_loop3A_212 = arith.index_cast %parallel_loop3A_211 : i32 to index
        %parallel_loop3A_213 = arith.constant 0 : index
        %parallel_loop3A_214 = tpu.vector_load %arg8[%parallel_loop3A_212, %parallel_loop3A_213] {strides = array<i32>} : memref<400x64xf32, #tpu.memory_space<vmem>>, vector<16xf32>,
        %parallel_loop3A_215 = arith.constant 8.000000e+00 : f32
        %parallel_loop3A_216 = vector.broadcast %parallel_loop3A_215 : f32 to vector<16xf32>
        %parallel_loop3A_217 = arith.mulf %parallel_loop3A_214, %parallel_loop3A_216 : vector<16xf32>
        %parallel_loop3A_218 = arith.constant 2 : i32
        %parallel_loop3A_219 = arith.index_cast %parallel_loop3A_218 : i32 to index
        %parallel_loop3A_220 = arith.index_cast %parallel_loop3A_209 : i32 to index
        %parallel_loop3A_221 = arith.constant 0 : index
        %parallel_loop3A_222 = tpu.vector_load %arg10[%parallel_loop3A_219, %parallel_loop3A_220, %parallel_loop3A_221] {strides = array<i32>} : memref<8x50x64xf32, #tpu.memory_space<vmem>>, vector<16xf32>,
        tpu.vector_store %arg10[%parallel_loop3A_219, %parallel_loop3A_220, %parallel_loop3A_221], %parallel_loop3A_217 {strides = array<i32>} : memref<8x50x64xf32, #tpu.memory_space<vmem>>, vector<16xf32>,
        %parallel_loop3A_223 = arith.constant 100 : i32
        %parallel_loop3A_224 = arith.addi %parallel_loop3A_223, %parallel_loop3A_209 : i32
        %parallel_loop3A_225 = arith.index_cast %parallel_loop3A_224 : i32 to index
        %parallel_loop3A_226 = arith.constant 16 : index
        %parallel_loop3A_227 = tpu.vector_load %arg8[%parallel_loop3A_225, %parallel_loop3A_226] {strides = array<i32>} : memref<400x64xf32, #tpu.memory_space<vmem>>, vector<16xf32>,
        %parallel_loop3A_228 = arith.constant 8.000000e+00 : f32
        %parallel_loop3A_229 = vector.broadcast %parallel_loop3A_228 : f32 to vector<16xf32>
        %parallel_loop3A_230 = arith.mulf %parallel_loop3A_227, %parallel_loop3A_229 : vector<16xf32>
        %parallel_loop3A_231 = arith.constant 2 : i32
        %parallel_loop3A_232 = arith.index_cast %parallel_loop3A_231 : i32 to index
        %parallel_loop3A_233 = arith.index_cast %parallel_loop3A_209 : i32 to index
        %parallel_loop3A_234 = arith.constant 16 : index
        %parallel_loop3A_235 = tpu.vector_load %arg10[%parallel_loop3A_232, %parallel_loop3A_233, %parallel_loop3A_234] {strides = array<i32>} : memref<8x50x64xf32, #tpu.memory_space<vmem>>, vector<16xf32>,
        tpu.vector_store %arg10[%parallel_loop3A_232, %parallel_loop3A_233, %parallel_loop3A_234], %parallel_loop3A_230 {strides = array<i32>} : memref<8x50x64xf32, #tpu.memory_space<vmem>>, vector<16xf32>,
        %parallel_loop3A_236 = arith.constant 100 : i32
        %parallel_loop3A_237 = arith.addi %parallel_loop3A_236, %parallel_loop3A_209 : i32
        %parallel_loop3A_238 = arith.index_cast %parallel_loop3A_237 : i32 to index
        %parallel_loop3A_239 = arith.constant 32 : index
        %parallel_loop3A_240 = tpu.vector_load %arg8[%parallel_loop3A_238, %parallel_loop3A_239] {strides = array<i32>} : memref<400x64xf32, #tpu.memory_space<vmem>>, vector<16xf32>,
        %parallel_loop3A_241 = arith.constant 8.000000e+00 : f32
        %parallel_loop3A_242 = vector.broadcast %parallel_loop3A_241 : f32 to vector<16xf32>
        %parallel_loop3A_243 = arith.mulf %parallel_loop3A_240, %parallel_loop3A_242 : vector<16xf32>
        %parallel_loop3A_244 = arith.constant 2 : i32
        %parallel_loop3A_245 = arith.index_cast %parallel_loop3A_244 : i32 to index
        %parallel_loop3A_246 = arith.index_cast %parallel_loop3A_209 : i32 to index
        %parallel_loop3A_247 = arith.constant 32 : index
        %parallel_loop3A_248 = tpu.vector_load %arg10[%parallel_loop3A_245, %parallel_loop3A_246, %parallel_loop3A_247] {strides = array<i32>} : memref<8x50x64xf32, #tpu.memory_space<vmem>>, vector<16xf32>,
        tpu.vector_store %arg10[%parallel_loop3A_245, %parallel_loop3A_246, %parallel_loop3A_247], %parallel_loop3A_243 {strides = array<i32>} : memref<8x50x64xf32, #tpu.memory_space<vmem>>, vector<16xf32>,
        %parallel_loop3A_249 = arith.constant 100 : i32
        %parallel_loop3A_250 = arith.addi %parallel_loop3A_249, %parallel_loop3A_209 : i32
        %parallel_loop3A_251 = arith.index_cast %parallel_loop3A_250 : i32 to index
        %parallel_loop3A_252 = arith.constant 48 : index
        %parallel_loop3A_253 = tpu.vector_load %arg8[%parallel_loop3A_251, %parallel_loop3A_252] {strides = array<i32>} : memref<400x64xf32, #tpu.memory_space<vmem>>, vector<16xf32>,
        %parallel_loop3A_254 = arith.constant 8.000000e+00 : f32
        %parallel_loop3A_255 = vector.broadcast %parallel_loop3A_254 : f32 to vector<16xf32>
        %parallel_loop3A_256 = arith.mulf %parallel_loop3A_253, %parallel_loop3A_255 : vector<16xf32>
        %parallel_loop3A_257 = arith.constant 2 : i32
        %parallel_loop3A_258 = arith.index_cast %parallel_loop3A_257 : i32 to index
        %parallel_loop3A_259 = arith.index_cast %parallel_loop3A_209 : i32 to index
        %parallel_loop3A_260 = arith.constant 48 : index
        %parallel_loop3A_261 = tpu.vector_load %arg10[%parallel_loop3A_258, %parallel_loop3A_259, %parallel_loop3A_260] {strides = array<i32>} : memref<8x50x64xf32, #tpu.memory_space<vmem>>, vector<16xf32>,
        tpu.vector_store %arg10[%parallel_loop3A_258, %parallel_loop3A_259, %parallel_loop3A_260], %parallel_loop3A_256 {strides = array<i32>} : memref<8x50x64xf32, #tpu.memory_space<vmem>>, vector<16xf32>,
      } {sc.loop_unroll_factor = 2 : i64, sc.parallel_access}
      %parallel_loop3A_185 = arith.constant 0 : i32
      %parallel_loop3A_186 = arith.constant 50 : i32
      %parallel_loop3A_187 = arith.constant 1 : i32
      scf.for %parallel_loop3A_209 = %parallel_loop3A_185 to %parallel_loop3A_186 step %parallel_loop3A_187  : i32 {
        %parallel_loop3A_210 = arith.constant 150 : i32
        %parallel_loop3A_211 = arith.addi %parallel_loop3A_210, %parallel_loop3A_209 : i32
        %parallel_loop3A_212 = arith.index_cast %parallel_loop3A_211 : i32 to index
        %parallel_loop3A_213 = arith.constant 0 : index
        %parallel_loop3A_214 = tpu.vector_load %arg8[%parallel_loop3A_212, %parallel_loop3A_213] {strides = array<i32>} : memref<400x64xf32, #tpu.memory_space<vmem>>, vector<16xf32>,
        %parallel_loop3A_215 = arith.constant 8.000000e+00 : f32
        %parallel_loop3A_216 = vector.broadcast %parallel_loop3A_215 : f32 to vector<16xf32>
        %parallel_loop3A_217 = arith.mulf %parallel_loop3A_214, %parallel_loop3A_216 : vector<16xf32>
        %parallel_loop3A_218 = arith.constant 3 : i32
        %parallel_loop3A_219 = arith.index_cast %parallel_loop3A_218 : i32 to index
        %parallel_loop3A_220 = arith.index_cast %parallel_loop3A_209 : i32 to index
        %parallel_loop3A_221 = arith.constant 0 : index
        %parallel_loop3A_222 = tpu.vector_load %arg10[%parallel_loop3A_219, %parallel_loop3A_220, %parallel_loop3A_221] {strides = array<i32>} : memref<8x50x64xf32, #tpu.memory_space<vmem>>, vector<16xf32>,
        tpu.vector_store %arg10[%parallel_loop3A_219, %parallel_loop3A_220, %parallel_loop3A_221], %parallel_loop3A_217 {strides = array<i32>} : memref<8x50x64xf32, #tpu.memory_space<vmem>>, vector<16xf32>,
        %parallel_loop3A_223 = arith.constant 150 : i32
        %parallel_loop3A_224 = arith.addi %parallel_loop3A_223, %parallel_loop3A_209 : i32
        %parallel_loop3A_225 = arith.index_cast %parallel_loop3A_224 : i32 to index
        %parallel_loop3A_226 = arith.constant 16 : index
        %parallel_loop3A_227 = tpu.vector_load %arg8[%parallel_loop3A_225, %parallel_loop3A_226] {strides = array<i32>} : memref<400x64xf32, #tpu.memory_space<vmem>>, vector<16xf32>,
        %parallel_loop3A_228 = arith.constant 8.000000e+00 : f32
        %parallel_loop3A_229 = vector.broadcast %parallel_loop3A_228 : f32 to vector<16xf32>
        %parallel_loop3A_230 = arith.mulf %parallel_loop3A_227, %parallel_loop3A_229 : vector<16xf32>
        %parallel_loop3A_231 = arith.constant 3 : i32
        %parallel_loop3A_232 = arith.index_cast %parallel_loop3A_231 : i32 to index
        %parallel_loop3A_233 = arith.index_cast %parallel_loop3A_209 : i32 to index
        %parallel_loop3A_234 = arith.constant 16 : index
        %parallel_loop3A_235 = tpu.vector_load %arg10[%parallel_loop3A_232, %parallel_loop3A_233, %parallel_loop3A_234] {strides = array<i32>} : memref<8x50x64xf32, #tpu.memory_space<vmem>>, vector<16xf32>,
        tpu.vector_store %arg10[%parallel_loop3A_232, %parallel_loop3A_233, %parallel_loop3A_234], %parallel_loop3A_230 {strides = array<i32>} : memref<8x50x64xf32, #tpu.memory_space<vmem>>, vector<16xf32>,
        %parallel_loop3A_236 = arith.constant 150 : i32
        %parallel_loop3A_237 = arith.addi %parallel_loop3A_236, %parallel_loop3A_209 : i32
        %parallel_loop3A_238 = arith.index_cast %parallel_loop3A_237 : i32 to index
        %parallel_loop3A_239 = arith.constant 32 : index
        %parallel_loop3A_240 = tpu.vector_load %arg8[%parallel_loop3A_238, %parallel_loop3A_239] {strides = array<i32>} : memref<400x64xf32, #tpu.memory_space<vmem>>, vector<16xf32>,
        %parallel_loop3A_241 = arith.constant 8.000000e+00 : f32
        %parallel_loop3A_242 = vector.broadcast %parallel_loop3A_241 : f32 to vector<16xf32>
        %parallel_loop3A_243 = arith.mulf %parallel_loop3A_240, %parallel_loop3A_242 : vector<16xf32>
        %parallel_loop3A_244 = arith.constant 3 : i32
        %parallel_loop3A_245 = arith.index_cast %parallel_loop3A_244 : i32 to index
        %parallel_loop3A_246 = arith.index_cast %parallel_loop3A_209 : i32 to index
        %parallel_loop3A_247 = arith.constant 32 : index
        %parallel_loop3A_248 = tpu.vector_load %arg10[%parallel_loop3A_245, %parallel_loop3A_246, %parallel_loop3A_247] {strides = array<i32>} : memref<8x50x64xf32, #tpu.memory_space<vmem>>, vector<16xf32>,
        tpu.vector_store %arg10[%parallel_loop3A_245, %parallel_loop3A_246, %parallel_loop3A_247], %parallel_loop3A_243 {strides = array<i32>} : memref<8x50x64xf32, #tpu.memory_space<vmem>>, vector<16xf32>,
        %parallel_loop3A_249 = arith.constant 150 : i32
        %parallel_loop3A_250 = arith.addi %parallel_loop3A_249, %parallel_loop3A_209 : i32
        %parallel_loop3A_251 = arith.index_cast %parallel_loop3A_250 : i32 to index
        %parallel_loop3A_252 = arith.constant 48 : index
        %parallel_loop3A_253 = tpu.vector_load %arg8[%parallel_loop3A_251, %parallel_loop3A_252] {strides = array<i32>} : memref<400x64xf32, #tpu.memory_space<vmem>>, vector<16xf32>,
        %parallel_loop3A_254 = arith.constant 8.000000e+00 : f32
        %parallel_loop3A_255 = vector.broadcast %parallel_loop3A_254 : f32 to vector<16xf32>
        %parallel_loop3A_256 = arith.mulf %parallel_loop3A_253, %parallel_loop3A_255 : vector<16xf32>
        %parallel_loop3A_257 = arith.constant 3 : i32
        %parallel_loop3A_258 = arith.index_cast %parallel_loop3A_257 : i32 to index
        %parallel_loop3A_259 = arith.index_cast %parallel_loop3A_209 : i32 to index
        %parallel_loop3A_260 = arith.constant 48 : index
        %parallel_loop3A_261 = tpu.vector_load %arg10[%parallel_loop3A_258, %parallel_loop3A_259, %parallel_loop3A_260] {strides = array<i32>} : memref<8x50x64xf32, #tpu.memory_space<vmem>>, vector<16xf32>,
        tpu.vector_store %arg10[%parallel_loop3A_258, %parallel_loop3A_259, %parallel_loop3A_260], %parallel_loop3A_256 {strides = array<i32>} : memref<8x50x64xf32, #tpu.memory_space<vmem>>, vector<16xf32>,
      } {sc.loop_unroll_factor = 2 : i64, sc.parallel_access}
      %parallel_loop3A_188 = arith.constant 0 : i32
      %parallel_loop3A_189 = arith.constant 50 : i32
      %parallel_loop3A_190 = arith.constant 1 : i32
      scf.for %parallel_loop3A_209 = %parallel_loop3A_188 to %parallel_loop3A_189 step %parallel_loop3A_190  : i32 {
        %parallel_loop3A_210 = arith.constant 200 : i32
        %parallel_loop3A_211 = arith.addi %parallel_loop3A_210, %parallel_loop3A_209 : i32
        %parallel_loop3A_212 = arith.index_cast %parallel_loop3A_211 : i32 to index
        %parallel_loop3A_213 = arith.constant 0 : index
        %parallel_loop3A_214 = tpu.vector_load %arg8[%parallel_loop3A_212, %parallel_loop3A_213] {strides = array<i32>} : memref<400x64xf32, #tpu.memory_space<vmem>>, vector<16xf32>,
        %parallel_loop3A_215 = arith.constant 8.000000e+00 : f32
        %parallel_loop3A_216 = vector.broadcast %parallel_loop3A_215 : f32 to vector<16xf32>
        %parallel_loop3A_217 = arith.mulf %parallel_loop3A_214, %parallel_loop3A_216 : vector<16xf32>
        %parallel_loop3A_218 = arith.constant 4 : i32
        %parallel_loop3A_219 = arith.index_cast %parallel_loop3A_218 : i32 to index
        %parallel_loop3A_220 = arith.index_cast %parallel_loop3A_209 : i32 to index
        %parallel_loop3A_221 = arith.constant 0 : index
        %parallel_loop3A_222 = tpu.vector_load %arg10[%parallel_loop3A_219, %parallel_loop3A_220, %parallel_loop3A_221] {strides = array<i32>} : memref<8x50x64xf32, #tpu.memory_space<vmem>>, vector<16xf32>,
        tpu.vector_store %arg10[%parallel_loop3A_219, %parallel_loop3A_220, %parallel_loop3A_221], %parallel_loop3A_217 {strides = array<i32>} : memref<8x50x64xf32, #tpu.memory_space<vmem>>, vector<16xf32>,
        %parallel_loop3A_223 = arith.constant 200 : i32
        %parallel_loop3A_224 = arith.addi %parallel_loop3A_223, %parallel_loop3A_209 : i32
        %parallel_loop3A_225 = arith.index_cast %parallel_loop3A_224 : i32 to index
        %parallel_loop3A_226 = arith.constant 16 : index
        %parallel_loop3A_227 = tpu.vector_load %arg8[%parallel_loop3A_225, %parallel_loop3A_226] {strides = array<i32>} : memref<400x64xf32, #tpu.memory_space<vmem>>, vector<16xf32>,
        %parallel_loop3A_228 = arith.constant 8.000000e+00 : f32
        %parallel_loop3A_229 = vector.broadcast %parallel_loop3A_228 : f32 to vector<16xf32>
        %parallel_loop3A_230 = arith.mulf %parallel_loop3A_227, %parallel_loop3A_229 : vector<16xf32>
        %parallel_loop3A_231 = arith.constant 4 : i32
        %parallel_loop3A_232 = arith.index_cast %parallel_loop3A_231 : i32 to index
        %parallel_loop3A_233 = arith.index_cast %parallel_loop3A_209 : i32 to index
        %parallel_loop3A_234 = arith.constant 16 : index
        %parallel_loop3A_235 = tpu.vector_load %arg10[%parallel_loop3A_232, %parallel_loop3A_233, %parallel_loop3A_234] {strides = array<i32>} : memref<8x50x64xf32, #tpu.memory_space<vmem>>, vector<16xf32>,
        tpu.vector_store %arg10[%parallel_loop3A_232, %parallel_loop3A_233, %parallel_loop3A_234], %parallel_loop3A_230 {strides = array<i32>} : memref<8x50x64xf32, #tpu.memory_space<vmem>>, vector<16xf32>,
        %parallel_loop3A_236 = arith.constant 200 : i32
        %parallel_loop3A_237 = arith.addi %parallel_loop3A_236, %parallel_loop3A_209 : i32
        %parallel_loop3A_238 = arith.index_cast %parallel_loop3A_237 : i32 to index
        %parallel_loop3A_239 = arith.constant 32 : index
        %parallel_loop3A_240 = tpu.vector_load %arg8[%parallel_loop3A_238, %parallel_loop3A_239] {strides = array<i32>} : memref<400x64xf32, #tpu.memory_space<vmem>>, vector<16xf32>,
        %parallel_loop3A_241 = arith.constant 8.000000e+00 : f32
        %parallel_loop3A_242 = vector.broadcast %parallel_loop3A_241 : f32 to vector<16xf32>
        %parallel_loop3A_243 = arith.mulf %parallel_loop3A_240, %parallel_loop3A_242 : vector<16xf32>
        %parallel_loop3A_244 = arith.constant 4 : i32
        %parallel_loop3A_245 = arith.index_cast %parallel_loop3A_244 : i32 to index
        %parallel_loop3A_246 = arith.index_cast %parallel_loop3A_209 : i32 to index
        %parallel_loop3A_247 = arith.constant 32 : index
        %parallel_loop3A_248 = tpu.vector_load %arg10[%parallel_loop3A_245, %parallel_loop3A_246, %parallel_loop3A_247] {strides = array<i32>} : memref<8x50x64xf32, #tpu.memory_space<vmem>>, vector<16xf32>,
        tpu.vector_store %arg10[%parallel_loop3A_245, %parallel_loop3A_246, %parallel_loop3A_247], %parallel_loop3A_243 {strides = array<i32>} : memref<8x50x64xf32, #tpu.memory_space<vmem>>, vector<16xf32>,
        %parallel_loop3A_249 = arith.constant 200 : i32
        %parallel_loop3A_250 = arith.addi %parallel_loop3A_249, %parallel_loop3A_209 : i32
        %parallel_loop3A_251 = arith.index_cast %parallel_loop3A_250 : i32 to index
        %parallel_loop3A_252 = arith.constant 48 : index
        %parallel_loop3A_253 = tpu.vector_load %arg8[%parallel_loop3A_251, %parallel_loop3A_252] {strides = array<i32>} : memref<400x64xf32, #tpu.memory_space<vmem>>, vector<16xf32>,
        %parallel_loop3A_254 = arith.constant 8.000000e+00 : f32
        %parallel_loop3A_255 = vector.broadcast %parallel_loop3A_254 : f32 to vector<16xf32>
        %parallel_loop3A_256 = arith.mulf %parallel_loop3A_253, %parallel_loop3A_255 : vector<16xf32>
        %parallel_loop3A_257 = arith.constant 4 : i32
        %parallel_loop3A_258 = arith.index_cast %parallel_loop3A_257 : i32 to index
        %parallel_loop3A_259 = arith.index_cast %parallel_loop3A_209 : i32 to index
        %parallel_loop3A_260 = arith.constant 48 : index
        %parallel_loop3A_261 = tpu.vector_load %arg10[%parallel_loop3A_258, %parallel_loop3A_259, %parallel_loop3A_260] {strides = array<i32>} : memref<8x50x64xf32, #tpu.memory_space<vmem>>, vector<16xf32>,
        tpu.vector_store %arg10[%parallel_loop3A_258, %parallel_loop3A_259, %parallel_loop3A_260], %parallel_loop3A_256 {strides = array<i32>} : memref<8x50x64xf32, #tpu.memory_space<vmem>>, vector<16xf32>,
      } {sc.loop_unroll_factor = 2 : i64, sc.parallel_access}
      %parallel_loop3A_191 = arith.constant 0 : i32
      %parallel_loop3A_192 = arith.constant 50 : i32
      %parallel_loop3A_193 = arith.constant 1 : i32
      scf.for %parallel_loop3A_209 = %parallel_loop3A_191 to %parallel_loop3A_192 step %parallel_loop3A_193  : i32 {
        %parallel_loop3A_210 = arith.constant 250 : i32
        %parallel_loop3A_211 = arith.addi %parallel_loop3A_210, %parallel_loop3A_209 : i32
        %parallel_loop3A_212 = arith.index_cast %parallel_loop3A_211 : i32 to index
        %parallel_loop3A_213 = arith.constant 0 : index
        %parallel_loop3A_214 = tpu.vector_load %arg8[%parallel_loop3A_212, %parallel_loop3A_213] {strides = array<i32>} : memref<400x64xf32, #tpu.memory_space<vmem>>, vector<16xf32>,
        %parallel_loop3A_215 = arith.constant 8.000000e+00 : f32
        %parallel_loop3A_216 = vector.broadcast %parallel_loop3A_215 : f32 to vector<16xf32>
        %parallel_loop3A_217 = arith.mulf %parallel_loop3A_214, %parallel_loop3A_216 : vector<16xf32>
        %parallel_loop3A_218 = arith.constant 5 : i32
        %parallel_loop3A_219 = arith.index_cast %parallel_loop3A_218 : i32 to index
        %parallel_loop3A_220 = arith.index_cast %parallel_loop3A_209 : i32 to index
        %parallel_loop3A_221 = arith.constant 0 : index
        %parallel_loop3A_222 = tpu.vector_load %arg10[%parallel_loop3A_219, %parallel_loop3A_220, %parallel_loop3A_221] {strides = array<i32>} : memref<8x50x64xf32, #tpu.memory_space<vmem>>, vector<16xf32>,
        tpu.vector_store %arg10[%parallel_loop3A_219, %parallel_loop3A_220, %parallel_loop3A_221], %parallel_loop3A_217 {strides = array<i32>} : memref<8x50x64xf32, #tpu.memory_space<vmem>>, vector<16xf32>,
        %parallel_loop3A_223 = arith.constant 250 : i32
        %parallel_loop3A_224 = arith.addi %parallel_loop3A_223, %parallel_loop3A_209 : i32
        %parallel_loop3A_225 = arith.index_cast %parallel_loop3A_224 : i32 to index
        %parallel_loop3A_226 = arith.constant 16 : index
        %parallel_loop3A_227 = tpu.vector_load %arg8[%parallel_loop3A_225, %parallel_loop3A_226] {strides = array<i32>} : memref<400x64xf32, #tpu.memory_space<vmem>>, vector<16xf32>,
        %parallel_loop3A_228 = arith.constant 8.000000e+00 : f32
        %parallel_loop3A_229 = vector.broadcast %parallel_loop3A_228 : f32 to vector<16xf32>
        %parallel_loop3A_230 = arith.mulf %parallel_loop3A_227, %parallel_loop3A_229 : vector<16xf32>
        %parallel_loop3A_231 = arith.constant 5 : i32
        %parallel_loop3A_232 = arith.index_cast %parallel_loop3A_231 : i32 to index
        %parallel_loop3A_233 = arith.index_cast %parallel_loop3A_209 : i32 to index
        %parallel_loop3A_234 = arith.constant 16 : index
        %parallel_loop3A_235 = tpu.vector_load %arg10[%parallel_loop3A_232, %parallel_loop3A_233, %parallel_loop3A_234] {strides = array<i32>} : memref<8x50x64xf32, #tpu.memory_space<vmem>>, vector<16xf32>,
        tpu.vector_store %arg10[%parallel_loop3A_232, %parallel_loop3A_233, %parallel_loop3A_234], %parallel_loop3A_230 {strides = array<i32>} : memref<8x50x64xf32, #tpu.memory_space<vmem>>, vector<16xf32>,
        %parallel_loop3A_236 = arith.constant 250 : i32
        %parallel_loop3A_237 = arith.addi %parallel_loop3A_236, %parallel_loop3A_209 : i32
        %parallel_loop3A_238 = arith.index_cast %parallel_loop3A_237 : i32 to index
        %parallel_loop3A_239 = arith.constant 32 : index
        %parallel_loop3A_240 = tpu.vector_load %arg8[%parallel_loop3A_238, %parallel_loop3A_239] {strides = array<i32>} : memref<400x64xf32, #tpu.memory_space<vmem>>, vector<16xf32>,
        %parallel_loop3A_241 = arith.constant 8.000000e+00 : f32
        %parallel_loop3A_242 = vector.broadcast %parallel_loop3A_241 : f32 to vector<16xf32>
        %parallel_loop3A_243 = arith.mulf %parallel_loop3A_240, %parallel_loop3A_242 : vector<16xf32>
        %parallel_loop3A_244 = arith.constant 5 : i32
        %parallel_loop3A_245 = arith.index_cast %parallel_loop3A_244 : i32 to index
        %parallel_loop3A_246 = arith.index_cast %parallel_loop3A_209 : i32 to index
        %parallel_loop3A_247 = arith.constant 32 : index
        %parallel_loop3A_248 = tpu.vector_load %arg10[%parallel_loop3A_245, %parallel_loop3A_246, %parallel_loop3A_247] {strides = array<i32>} : memref<8x50x64xf32, #tpu.memory_space<vmem>>, vector<16xf32>,
        tpu.vector_store %arg10[%parallel_loop3A_245, %parallel_loop3A_246, %parallel_loop3A_247], %parallel_loop3A_243 {strides = array<i32>} : memref<8x50x64xf32, #tpu.memory_space<vmem>>, vector<16xf32>,
        %parallel_loop3A_249 = arith.constant 250 : i32
        %parallel_loop3A_250 = arith.addi %parallel_loop3A_249, %parallel_loop3A_209 : i32
        %parallel_loop3A_251 = arith.index_cast %parallel_loop3A_250 : i32 to index
        %parallel_loop3A_252 = arith.constant 48 : index
        %parallel_loop3A_253 = tpu.vector_load %arg8[%parallel_loop3A_251, %parallel_loop3A_252] {strides = array<i32>} : memref<400x64xf32, #tpu.memory_space<vmem>>, vector<16xf32>,
        %parallel_loop3A_254 = arith.constant 8.000000e+00 : f32
        %parallel_loop3A_255 = vector.broadcast %parallel_loop3A_254 : f32 to vector<16xf32>
        %parallel_loop3A_256 = arith.mulf %parallel_loop3A_253, %parallel_loop3A_255 : vector<16xf32>
        %parallel_loop3A_257 = arith.constant 5 : i32
        %parallel_loop3A_258 = arith.index_cast %parallel_loop3A_257 : i32 to index
        %parallel_loop3A_259 = arith.index_cast %parallel_loop3A_209 : i32 to index
        %parallel_loop3A_260 = arith.constant 48 : index
        %parallel_loop3A_261 = tpu.vector_load %arg10[%parallel_loop3A_258, %parallel_loop3A_259, %parallel_loop3A_260] {strides = array<i32>} : memref<8x50x64xf32, #tpu.memory_space<vmem>>, vector<16xf32>,
        tpu.vector_store %arg10[%parallel_loop3A_258, %parallel_loop3A_259, %parallel_loop3A_260], %parallel_loop3A_256 {strides = array<i32>} : memref<8x50x64xf32, #tpu.memory_space<vmem>>, vector<16xf32>,
      } {sc.loop_unroll_factor = 2 : i64, sc.parallel_access}
      %parallel_loop3A_194 = arith.constant 0 : i32
      %parallel_loop3A_195 = arith.constant 50 : i32
      %parallel_loop3A_196 = arith.constant 1 : i32
      scf.for %parallel_loop3A_209 = %parallel_loop3A_194 to %parallel_loop3A_195 step %parallel_loop3A_196  : i32 {
        %parallel_loop3A_210 = arith.constant 300 : i32
        %parallel_loop3A_211 = arith.addi %parallel_loop3A_210, %parallel_loop3A_209 : i32
        %parallel_loop3A_212 = arith.index_cast %parallel_loop3A_211 : i32 to index
        %parallel_loop3A_213 = arith.constant 0 : index
        %parallel_loop3A_214 = tpu.vector_load %arg8[%parallel_loop3A_212, %parallel_loop3A_213] {strides = array<i32>} : memref<400x64xf32, #tpu.memory_space<vmem>>, vector<16xf32>,
        %parallel_loop3A_215 = arith.constant 8.000000e+00 : f32
        %parallel_loop3A_216 = vector.broadcast %parallel_loop3A_215 : f32 to vector<16xf32>
        %parallel_loop3A_217 = arith.mulf %parallel_loop3A_214, %parallel_loop3A_216 : vector<16xf32>
        %parallel_loop3A_218 = arith.constant 6 : i32
        %parallel_loop3A_219 = arith.index_cast %parallel_loop3A_218 : i32 to index
        %parallel_loop3A_220 = arith.index_cast %parallel_loop3A_209 : i32 to index
        %parallel_loop3A_221 = arith.constant 0 : index
        %parallel_loop3A_222 = tpu.vector_load %arg10[%parallel_loop3A_219, %parallel_loop3A_220, %parallel_loop3A_221] {strides = array<i32>} : memref<8x50x64xf32, #tpu.memory_space<vmem>>, vector<16xf32>,
        tpu.vector_store %arg10[%parallel_loop3A_219, %parallel_loop3A_220, %parallel_loop3A_221], %parallel_loop3A_217 {strides = array<i32>} : memref<8x50x64xf32, #tpu.memory_space<vmem>>, vector<16xf32>,
        %parallel_loop3A_223 = arith.constant 300 : i32
        %parallel_loop3A_224 = arith.addi %parallel_loop3A_223, %parallel_loop3A_209 : i32
        %parallel_loop3A_225 = arith.index_cast %parallel_loop3A_224 : i32 to index
        %parallel_loop3A_226 = arith.constant 16 : index
        %parallel_loop3A_227 = tpu.vector_load %arg8[%parallel_loop3A_225, %parallel_loop3A_226] {strides = array<i32>} : memref<400x64xf32, #tpu.memory_space<vmem>>, vector<16xf32>,
        %parallel_loop3A_228 = arith.constant 8.000000e+00 : f32
        %parallel_loop3A_229 = vector.broadcast %parallel_loop3A_228 : f32 to vector<16xf32>
        %parallel_loop3A_230 = arith.mulf %parallel_loop3A_227, %parallel_loop3A_229 : vector<16xf32>
        %parallel_loop3A_231 = arith.constant 6 : i32
        %parallel_loop3A_232 = arith.index_cast %parallel_loop3A_231 : i32 to index
        %parallel_loop3A_233 = arith.index_cast %parallel_loop3A_209 : i32 to index
        %parallel_loop3A_234 = arith.constant 16 : index
        %parallel_loop3A_235 = tpu.vector_load %arg10[%parallel_loop3A_232, %parallel_loop3A_233, %parallel_loop3A_234] {strides = array<i32>} : memref<8x50x64xf32, #tpu.memory_space<vmem>>, vector<16xf32>,
        tpu.vector_store %arg10[%parallel_loop3A_232, %parallel_loop3A_233, %parallel_loop3A_234], %parallel_loop3A_230 {strides = array<i32>} : memref<8x50x64xf32, #tpu.memory_space<vmem>>, vector<16xf32>,
        %parallel_loop3A_236 = arith.constant 300 : i32
        %parallel_loop3A_237 = arith.addi %parallel_loop3A_236, %parallel_loop3A_209 : i32
        %parallel_loop3A_238 = arith.index_cast %parallel_loop3A_237 : i32 to index
        %parallel_loop3A_239 = arith.constant 32 : index
        %parallel_loop3A_240 = tpu.vector_load %arg8[%parallel_loop3A_238, %parallel_loop3A_239] {strides = array<i32>} : memref<400x64xf32, #tpu.memory_space<vmem>>, vector<16xf32>,
        %parallel_loop3A_241 = arith.constant 8.000000e+00 : f32
        %parallel_loop3A_242 = vector.broadcast %parallel_loop3A_241 : f32 to vector<16xf32>
        %parallel_loop3A_243 = arith.mulf %parallel_loop3A_240, %parallel_loop3A_242 : vector<16xf32>
        %parallel_loop3A_244 = arith.constant 6 : i32
        %parallel_loop3A_245 = arith.index_cast %parallel_loop3A_244 : i32 to index
        %parallel_loop3A_246 = arith.index_cast %parallel_loop3A_209 : i32 to index
        %parallel_loop3A_247 = arith.constant 32 : index
        %parallel_loop3A_248 = tpu.vector_load %arg10[%parallel_loop3A_245, %parallel_loop3A_246, %parallel_loop3A_247] {strides = array<i32>} : memref<8x50x64xf32, #tpu.memory_space<vmem>>, vector<16xf32>,
        tpu.vector_store %arg10[%parallel_loop3A_245, %parallel_loop3A_246, %parallel_loop3A_247], %parallel_loop3A_243 {strides = array<i32>} : memref<8x50x64xf32, #tpu.memory_space<vmem>>, vector<16xf32>,
        %parallel_loop3A_249 = arith.constant 300 : i32
        %parallel_loop3A_250 = arith.addi %parallel_loop3A_249, %parallel_loop3A_209 : i32
        %parallel_loop3A_251 = arith.index_cast %parallel_loop3A_250 : i32 to index
        %parallel_loop3A_252 = arith.constant 48 : index
        %parallel_loop3A_253 = tpu.vector_load %arg8[%parallel_loop3A_251, %parallel_loop3A_252] {strides = array<i32>} : memref<400x64xf32, #tpu.memory_space<vmem>>, vector<16xf32>,
        %parallel_loop3A_254 = arith.constant 8.000000e+00 : f32
        %parallel_loop3A_255 = vector.broadcast %parallel_loop3A_254 : f32 to vector<16xf32>
        %parallel_loop3A_256 = arith.mulf %parallel_loop3A_253, %parallel_loop3A_255 : vector<16xf32>
        %parallel_loop3A_257 = arith.constant 6 : i32
        %parallel_loop3A_258 = arith.index_cast %parallel_loop3A_257 : i32 to index
        %parallel_loop3A_259 = arith.index_cast %parallel_loop3A_209 : i32 to index
        %parallel_loop3A_260 = arith.constant 48 : index
        %parallel_loop3A_261 = tpu.vector_load %arg10[%parallel_loop3A_258, %parallel_loop3A_259, %parallel_loop3A_260] {strides = array<i32>} : memref<8x50x64xf32, #tpu.memory_space<vmem>>, vector<16xf32>,
        tpu.vector_store %arg10[%parallel_loop3A_258, %parallel_loop3A_259, %parallel_loop3A_260], %parallel_loop3A_256 {strides = array<i32>} : memref<8x50x64xf32, #tpu.memory_space<vmem>>, vector<16xf32>,
      } {sc.loop_unroll_factor = 2 : i64, sc.parallel_access}
      %parallel_loop3A_197 = arith.constant 0 : i32
      %parallel_loop3A_198 = arith.constant 50 : i32
      %parallel_loop3A_199 = arith.constant 1 : i32
      scf.for %parallel_loop3A_209 = %parallel_loop3A_197 to %parallel_loop3A_198 step %parallel_loop3A_199  : i32 {
        %parallel_loop3A_210 = arith.constant 350 : i32
        %parallel_loop3A_211 = arith.addi %parallel_loop3A_210, %parallel_loop3A_209 : i32
        %parallel_loop3A_212 = arith.index_cast %parallel_loop3A_211 : i32 to index
        %parallel_loop3A_213 = arith.constant 0 : index
        %parallel_loop3A_214 = tpu.vector_load %arg8[%parallel_loop3A_212, %parallel_loop3A_213] {strides = array<i32>} : memref<400x64xf32, #tpu.memory_space<vmem>>, vector<16xf32>,
        %parallel_loop3A_215 = arith.constant 8.000000e+00 : f32
        %parallel_loop3A_216 = vector.broadcast %parallel_loop3A_215 : f32 to vector<16xf32>
        %parallel_loop3A_217 = arith.mulf %parallel_loop3A_214, %parallel_loop3A_216 : vector<16xf32>
        %parallel_loop3A_218 = arith.constant 7 : i32
        %parallel_loop3A_219 = arith.index_cast %parallel_loop3A_218 : i32 to index
        %parallel_loop3A_220 = arith.index_cast %parallel_loop3A_209 : i32 to index
        %parallel_loop3A_221 = arith.constant 0 : index
        %parallel_loop3A_222 = tpu.vector_load %arg10[%parallel_loop3A_219, %parallel_loop3A_220, %parallel_loop3A_221] {strides = array<i32>} : memref<8x50x64xf32, #tpu.memory_space<vmem>>, vector<16xf32>,
        tpu.vector_store %arg10[%parallel_loop3A_219, %parallel_loop3A_220, %parallel_loop3A_221], %parallel_loop3A_217 {strides = array<i32>} : memref<8x50x64xf32, #tpu.memory_space<vmem>>, vector<16xf32>,
        %parallel_loop3A_223 = arith.constant 350 : i32
        %parallel_loop3A_224 = arith.addi %parallel_loop3A_223, %parallel_loop3A_209 : i32
        %parallel_loop3A_225 = arith.index_cast %parallel_loop3A_224 : i32 to index
        %parallel_loop3A_226 = arith.constant 16 : index
        %parallel_loop3A_227 = tpu.vector_load %arg8[%parallel_loop3A_225, %parallel_loop3A_226] {strides = array<i32>} : memref<400x64xf32, #tpu.memory_space<vmem>>, vector<16xf32>,
        %parallel_loop3A_228 = arith.constant 8.000000e+00 : f32
        %parallel_loop3A_229 = vector.broadcast %parallel_loop3A_228 : f32 to vector<16xf32>
        %parallel_loop3A_230 = arith.mulf %parallel_loop3A_227, %parallel_loop3A_229 : vector<16xf32>
        %parallel_loop3A_231 = arith.constant 7 : i32
        %parallel_loop3A_232 = arith.index_cast %parallel_loop3A_231 : i32 to index
        %parallel_loop3A_233 = arith.index_cast %parallel_loop3A_209 : i32 to index
        %parallel_loop3A_234 = arith.constant 16 : index
        %parallel_loop3A_235 = tpu.vector_load %arg10[%parallel_loop3A_232, %parallel_loop3A_233, %parallel_loop3A_234] {strides = array<i32>} : memref<8x50x64xf32, #tpu.memory_space<vmem>>, vector<16xf32>,
        tpu.vector_store %arg10[%parallel_loop3A_232, %parallel_loop3A_233, %parallel_loop3A_234], %parallel_loop3A_230 {strides = array<i32>} : memref<8x50x64xf32, #tpu.memory_space<vmem>>, vector<16xf32>,
        %parallel_loop3A_236 = arith.constant 350 : i32
        %parallel_loop3A_237 = arith.addi %parallel_loop3A_236, %parallel_loop3A_209 : i32
        %parallel_loop3A_238 = arith.index_cast %parallel_loop3A_237 : i32 to index
        %parallel_loop3A_239 = arith.constant 32 : index
        %parallel_loop3A_240 = tpu.vector_load %arg8[%parallel_loop3A_238, %parallel_loop3A_239] {strides = array<i32>} : memref<400x64xf32, #tpu.memory_space<vmem>>, vector<16xf32>,
        %parallel_loop3A_241 = arith.constant 8.000000e+00 : f32
        %parallel_loop3A_242 = vector.broadcast %parallel_loop3A_241 : f32 to vector<16xf32>
        %parallel_loop3A_243 = arith.mulf %parallel_loop3A_240, %parallel_loop3A_242 : vector<16xf32>
        %parallel_loop3A_244 = arith.constant 7 : i32
        %parallel_loop3A_245 = arith.index_cast %parallel_loop3A_244 : i32 to index
        %parallel_loop3A_246 = arith.index_cast %parallel_loop3A_209 : i32 to index
        %parallel_loop3A_247 = arith.constant 32 : index
        %parallel_loop3A_248 = tpu.vector_load %arg10[%parallel_loop3A_245, %parallel_loop3A_246, %parallel_loop3A_247] {strides = array<i32>} : memref<8x50x64xf32, #tpu.memory_space<vmem>>, vector<16xf32>,
        tpu.vector_store %arg10[%parallel_loop3A_245, %parallel_loop3A_246, %parallel_loop3A_247], %parallel_loop3A_243 {strides = array<i32>} : memref<8x50x64xf32, #tpu.memory_space<vmem>>, vector<16xf32>,
        %parallel_loop3A_249 = arith.constant 350 : i32
        %parallel_loop3A_250 = arith.addi %parallel_loop3A_249, %parallel_loop3A_209 : i32
        %parallel_loop3A_251 = arith.index_cast %parallel_loop3A_250 : i32 to index
        %parallel_loop3A_252 = arith.constant 48 : index
        %parallel_loop3A_253 = tpu.vector_load %arg8[%parallel_loop3A_251, %parallel_loop3A_252] {strides = array<i32>} : memref<400x64xf32, #tpu.memory_space<vmem>>, vector<16xf32>,
        %parallel_loop3A_254 = arith.constant 8.000000e+00 : f32
        %parallel_loop3A_255 = vector.broadcast %parallel_loop3A_254 : f32 to vector<16xf32>
        %parallel_loop3A_256 = arith.mulf %parallel_loop3A_253, %parallel_loop3A_255 : vector<16xf32>
        %parallel_loop3A_257 = arith.constant 7 : i32
        %parallel_loop3A_258 = arith.index_cast %parallel_loop3A_257 : i32 to index
        %parallel_loop3A_259 = arith.index_cast %parallel_loop3A_209 : i32 to index
        %parallel_loop3A_260 = arith.constant 48 : index
        %parallel_loop3A_261 = tpu.vector_load %arg10[%parallel_loop3A_258, %parallel_loop3A_259, %parallel_loop3A_260] {strides = array<i32>} : memref<8x50x64xf32, #tpu.memory_space<vmem>>, vector<16xf32>,
        tpu.vector_store %arg10[%parallel_loop3A_258, %parallel_loop3A_259, %parallel_loop3A_260], %parallel_loop3A_256 {strides = array<i32>} : memref<8x50x64xf32, #tpu.memory_space<vmem>>, vector<16xf32>,
      } {sc.loop_unroll_factor = 2 : i64, sc.parallel_access}
      %mul3A_200 = arith.constant 8 : i32
      %mul3A_201 = arith.muli %add3A_157, %mul3A_200 : i32
      %add3A_202 = arith.addi %mul3A_2, %mul3A_201 : i32
      %dma_start3A_203 = arith.constant 0 : i32
      %dma_start3A_204 = arith.constant 0 : i32
      %dma_start3A_205 = tpu.memref_slice %arg4[%add3A_202, %dma_start3A_203, %dma_start3A_204] : memref<16384x56x128xf32, #tpu.memory_space<hbm>> -> memref<8x50x64xf32, #tpu.memory_space<hbm>>
      %dma_start3A_206 = arith.constant 0 : i32
      %dma_start3A_207 = arith.constant 0 : i32
      %dma_start3A_208 = tpu.memref_slice %arg4[%add3A_202, %dma_start3A_206, %dma_start3A_207] : memref<16384x56x128xf32, #tpu.memory_space<hbm>> -> memref<8x50x64xf32, #tpu.memory_space<hbm>>
      tpu.enqueue_dma source(%arg10 : memref<8x50x64xf32, #tpu.memory_space<vmem>>) target(%dma_start3A_208 : memref<8x50x64xf32, #tpu.memory_space<hbm>>) target_semaphore(%arg14 : memref<!tpu.dma_semaphore, #tpu.memory_space<semaphore_mem>>)
    }
    %scan3A_87 = arith.constant 32 : i32
    %dma_wait3A = arith.constant 0 : i32
    %dma_wait3A_88 = arith.constant 0 : i32
    %dma_wait3A_89 = arith.constant 0 : i32
    %dma_wait3A_90 = tpu.memref_slice %arg4[%dma_wait3A, %dma_wait3A_88, %dma_wait3A_89] : memref<16384x56x128xf32, #tpu.memory_space<hbm>> -> memref<8x50x64xf32, #tpu.memory_space<hbm>>
    %dma_wait3A_91 = arith.constant 0 : i32
    %dma_wait3A_92 = arith.constant 0 : i32
    %dma_wait3A_93 = arith.constant 0 : i32
    %dma_wait3A_94 = tpu.memref_slice %arg4[%dma_wait3A_91, %dma_wait3A_92, %dma_wait3A_93] : memref<16384x56x128xf32, #tpu.memory_space<hbm>> -> memref<8x50x64xf32, #tpu.memory_space<hbm>>
    tpu.wait_dma2 semaphore(%arg13 : memref<!tpu.dma_semaphore, #tpu.memory_space<semaphore_mem>>) src(%dma_wait3A_94 : memref<8x50x64xf32, #tpu.memory_space<hbm>>) dst(%arg9 : memref<8x50x64xf32, #tpu.memory_space<vmem>>)
    %dma_wait3A_95 = arith.constant 0 : i32
    %dma_wait3A_96 = arith.constant 0 : i32
    %dma_wait3A_97 = arith.constant 0 : i32
    %dma_wait3A_98 = tpu.memref_slice %arg4[%dma_wait3A_95, %dma_wait3A_96, %dma_wait3A_97] : memref<16384x56x128xf32, #tpu.memory_space<hbm>> -> memref<8x50x64xf32, #tpu.memory_space<hbm>>
    %dma_wait3A_99 = arith.constant 0 : i32
    %dma_wait3A_100 = arith.constant 0 : i32
    %dma_wait3A_101 = arith.constant 0 : i32
    %dma_wait3A_102 = tpu.memref_slice %arg4[%dma_wait3A_99, %dma_wait3A_100, %dma_wait3A_101] : memref<16384x56x128xf32, #tpu.memory_space<hbm>> -> memref<8x50x64xf32, #tpu.memory_space<hbm>>
    tpu.wait_dma2 semaphore(%arg14 : memref<!tpu.dma_semaphore, #tpu.memory_space<semaphore_mem>>) src(%dma_wait3A_102 : memref<8x50x64xf32, #tpu.memory_space<hbm>>) dst(%arg10 : memref<8x50x64xf32, #tpu.memory_space<vmem>>)
    return
  }
}

</mosaic_0001>

<sc_bundles>
// kernel: kernel.3.cloned.1.call-start
scs
__scs_entry_jumppad:
0x0: {  	(pc) =	sbr.rel $0x88, $3  }
0x1: {  	(tag) =	ssettag $0x0;
	lr =	simm.s32 $0x1  }
0x2: {  	[smem:$0x3F9F] =	sst lr;
	_ =	strace $0xD0000000  }
0x3: {  	_ = 	snop  }
0x4: {  	_ = 	snop  }
0x5: {  	_ = 	snop  }
0x6: {  	_ = 	snop  }
0x7: {  	_ = 	snop  }
__scs_overlays_trampoline_lowered:
0x8: {  	[smem:$0x3FAE] =	sst s0  }
0x9: {  	[smem:$0x3FAF] =	sst s1  }
0xa: {  	[smem:$0x3FB0] =	sst s2  }
0xb: {  	[smem:$0x3FB1] =	sst s3  }
0xc: {  	[smem:$0x3FB2] =	sst s4  }
0xd: {  	[smem:$0x3FB3] =	sst s5  }
0xe: {  	[smem:$0x3FB4] =	sst s6  }
0xf: {  	[smem:$0x3FB5] =	sst s7  }
0x10: {  	[smem:$0x3FB6] =	sst s8  }
0x11: {  	[smem:$0x3FB7] =	sst s9;
	s0 =	simm.s32 @!p0 $0x0  }
0x12: {  	s1 =	sld [smem:$0x3F9D];
	s0 =	simm.s32 @p0 $0x1  }
0x13: {  	[smem:$0x3FB8] =	sst s0;
	s0 =	simm.s32 @!p1 $0x0  }
0x14: {  	s2 =	sld [smem:$0x3F9C];
	s0 =	simm.s32 @p1 $0x1  }
0x15: {  	[smem:$0x3FB9] =	sst s0;
	s0 =	simm.s32 @!p2 $0x0  }
0x16: {  	s3 =	sld [smem:$0x3FDB];
	s0 =	simm.s32 @p2 $0x1  }
0x17: {  	s4 =	simm.s32 $0x1BF5;
	[smem:$0x3FBB] =	sst s0  }
0x18: {  	s0 =	sld [smem:$0x3F9E];
	_ =	swait.ge [sflag:s4], $0x0  }
0x19: {  	s7 =	sld [smem:$0x3F9F]  }
0x1a: {  	s8 =	sadd.s32 $0xFFFFE003, lr  }
0x1b: {  	s9 =	sadd.s32 $0xFFFFFEF7, lr;
	s5 =	simm.s32 $0xFFFFFFFF;
	p2 =	slt.u32 s8, $0xFFFFF086  }
0x1c: {  	p1 =	slt.u32 s9, $0xF7A;
	s5 =	simm.s32 @!p2 $0x0  }
0x1d: {  	s5 =	simm.s32 @p1 $0x1;
	p0 =	seq.s32 s7, s2  }
0x1e: {  	s7 =	smul.u32 @!p0 $0xF7A, s2;
	p2 =	seq.s32 @!p0 s5, $0x0  }
0x1f: {  	s9 =	smul.u32 $0xF7A, s1;
	s8 =	simm.s32 @!p0 $0x1BF5;
	p2 =	por !p2, p0  }
0x20: {  	[sflag:s8] =	ssyncset.s32 @!p0 $0xFFFFF086;
	s6 =	sadd.s32 @!p0 s3, s7;
	s7 =	simm.s32 @!p0 $0x108  }
0x21: {  	s3 =	sadd.s32 s3, s9;
	s6 =	sadd.s32 @!p0 $0x88, s6;
	s7 =	simm.s32 @p2 $0x1082  }
0x22: {  	[simem:s7], [sflag:s8] =	dma.local @!p0 [hbm:s6], $0xF7A  }
0x23: {  	s9 =	sor.u32 $0xD0000000, s2;
	s6 =	simm.s32 $0x108;
	_ =	swait.ge @!p0 [sflag:s8], $0x0  }
0x24: {  	s3 =	sadd.s32 $0x88, s3;
	s6 =	simm.s32 @!p1 $0x1082;
	[sflag:s4] =	ssyncset.s32 $0xFFFFF086  }
0x25: {  	[simem:s6], [sflag:s4] =	dma.local [hbm:s3], $0xF7A  }
0x26: {  	[smem:$0x3F9F] =	sst s1;
	(tag) =	ssettag s2;
	_ =	strace s9  }
0x27: {  	s1 =	sld [smem:$0x3FAF]  }
0x28: {  	s2 =	sld [smem:$0x3FB0]  }
0x29: {  	s4 =	sld [smem:$0x3FB2]  }
0x2a: {  	p0 =	seq.s32 s5, $0x0;
	s5 =	sld [smem:$0x3FB3]  }
0x2b: {  	s6 =	sld [smem:$0x3FB4]  }
0x2c: {  	s7 =	sld [smem:$0x3FB5]  }
0x2d: {  	s3 =	simm.s32 $0x108;
	s8 =	sld [smem:$0x3FB6]  }
0x2e: {  	s3 =	simm.s32 @!p0 $0x1082;
	s9 =	sld [smem:$0x3FB7]  }
0x2f: {  	lr =	sadd.s32 s0, s3;
	s0 =	sld [smem:$0x3FAE]  }
0x30: {  	s3 =	sld [smem:$0x3FB1]  }
0x31: {  	[smem:$0x3FBA] =	sst s10  }
0x32: {  	s10 =	sld [smem:$0x3FB8];
	_ =	sdelay $0x3  }
0x33: {  	p0 =	seq.s32 s10, $0x1;
	s10 =	sld [smem:$0x3FBA];
	_ =	sdelay $0x3  }
0x34: {  	[smem:$0x3FBA] =	sst s10  }
0x35: {  	s10 =	sld [smem:$0x3FB9];
	_ =	sdelay $0x3  }
0x36: {  	p1 =	seq.s32 s10, $0x1;
	s10 =	sld [smem:$0x3FBA];
	_ =	sdelay $0x3  }
0x37: {  	[smem:$0x3FBA] =	sst s10  }
0x38: {  	s10 =	sld [smem:$0x3FBB]  }
0x39: {  	_ = 	snop;
	(pc) =	sbr.ind lr, $3  }
0x3a: {  	_ = 	snop  }
0x3b: {  	_ = 	snop  }
0x3c: {  	p2 =	seq.s32 s10, $0x1;
	s10 =	sld [smem:$0x3FBA]  }
0x3d: {  	_ =	shalt  }
0x3e: {  	_ =	shalt  }
0x3f: {  	_ =	shalt  }
0x40: {  	_ =	shalt  }
0x41: {  	_ =	shalt  }
0x42: {  	_ =	shalt  }
0x43: {  	_ =	shalt  }
0x44: {  	_ =	shalt  }
0x45: {  	_ =	shalt  }
0x46: {  	_ =	shalt  }
0x47: {  	_ =	shalt  }
0x48: {  	_ =	shalt  }
0x49: {  	_ =	shalt  }
0x4a: {  	_ =	shalt  }
0x4b: {  	_ =	shalt  }
0x4c: {  	_ =	shalt  }
0x4d: {  	_ =	shalt  }
0x4e: {  	_ =	shalt  }
0x4f: {  	_ =	shalt  }
0x50: {  	_ =	shalt  }
0x51: {  	_ =	shalt  }
0x52: {  	_ =	shalt  }
0x53: {  	_ =	shalt  }
0x54: {  	_ =	shalt  }
0x55: {  	_ =	shalt  }
0x56: {  	_ =	shalt  }
0x57: {  	_ =	shalt  }
0x58: {  	_ =	shalt  }
0x59: {  	_ =	shalt  }
0x5a: {  	_ =	shalt  }
0x5b: {  	_ =	shalt  }
0x5c: {  	_ =	shalt  }
0x5d: {  	_ =	shalt  }
0x5e: {  	_ =	shalt  }
0x5f: {  	_ =	shalt  }
0x60: {  	_ =	shalt  }
0x61: {  	_ =	shalt  }
0x62: {  	_ =	shalt  }
0x63: {  	_ =	shalt  }
0x64: {  	_ =	shalt  }
0x65: {  	_ =	shalt  }
0x66: {  	_ =	shalt  }
0x67: {  	_ =	shalt  }
0x68: {  	_ =	shalt  }
0x69: {  	_ =	shalt  }
0x6a: {  	_ =	shalt  }
0x6b: {  	_ =	shalt  }
0x6c: {  	_ =	shalt  }
0x6d: {  	_ =	shalt  }
0x6e: {  	_ =	shalt  }
0x6f: {  	_ =	shalt  }
0x70: {  	_ =	shalt  }
0x71: {  	_ =	shalt  }
0x72: {  	_ =	shalt  }
0x73: {  	_ =	shalt  }
0x74: {  	_ =	shalt  }
0x75: {  	_ =	shalt  }
0x76: {  	_ =	shalt  }
0x77: {  	_ =	shalt  }
0x78: {  	_ =	shalt  }
0x79: {  	_ =	shalt  }
0x7a: {  	_ =	shalt  }
0x7b: {  	_ =	shalt  }
0x7c: {  	_ =	shalt  }
0x7d: {  	_ =	shalt  }
0x7e: {  	_ =	shalt  }
0x7f: {  	_ =	shalt  }
0x80: {  	_ =	shalt  }
0x81: {  	_ =	shalt  }
0x82: {  	_ =	shalt  }
0x83: {  	_ =	shalt  }
0x84: {  	_ =	shalt  }
0x85: {  	_ =	shalt  }
0x86: {  	_ =	shalt  }
0x87: {  	_ =	shalt  }
.Lfunc_end0:
.L_simem_size_0:
called_computation.2_lowered:
.L_overlay_start_0:
0x88: {  	s2 =	sld [smem:$0x3FD9]  }
0x89: {  	s3 =	sld [smem:$0x3FFE];
	_ =	sdelay $0x1  }
0x8a: {  	s1 =	srdreg.scid  }
0x8b: {  	s0 =	sand.u32 $0x1, s1  }
0x8c: {  	s17 =	sshll.u32 s0, $0xA;
	s2 =	sadd.s32 s3, s2  }
0x8d: {  	s2 =	sadd.s32 s2, s17  }
0x8e: {  	[smem:$0x3FC6] =	sst s2  }
0x8f: {  	_ = 	snop  }
0x90: {  	s2 =	sld [smem:$0x3FD0];
	(tm) =	ssettm $0x1  }
0x91: {  	s18 =	sld [smem:$0x3FFB];
	_ =	sdelay $0x3  }
0x92: {  	_ =	strace s18  }
0x93: {  	s3 =	sld [smem:$0x3FFC];
	_ =	sdelay $0x3  }
0x94: {  	_ =	strace s3  }
0x95: {  	s3 =	sld [smem:$0x3FFD];
	_ =	sdelay $0x3  }
0x96: {  	_ =	strace s3  }
0x97: {  	_ =	strace $0x8FFFFFFF  }
0x98: {  	s19 =	sld [smem:$0x3FDB];
	_ =	sdelay $0x1  }
0x99: {  	s4 =	simm.s32 $_scs_section_size  }
0x9a: {  	s5 =	simm.s32 $_size__tile_overlayer_lowered;
	s6 =	simm.s32 $_tile_overlayer_lowered  }
0x9b: {  	s22 =	simm.s32 $0x1BFF;
	s21 =	sshll.u32 s6, $0x1;
	s3 =	sadd.s32 s4, s19  }
0x9c: {  	s7 =	simm.s32 $0x0;
	s20 =	sshll.u32 s5, $0x1;
	s5 =	sadd.s32 s21, s3  }
0x9d: {  	[timem:s7], [sflag:s22] =	dma.local [hbm:s5], s20  }
0x9e: {  	_ =	swait.ge [sflag:s22], s20  }
0x9f: {  	s4 =	ssub.s32 $0x0, s20;
	[sflag:s22] =	ssyncset.done $0x0  }
0xa0: {  	[sflag:s22] =	ssyncadd.s32 s4;
	_ =	sdelay $0x1  }
0xa1: {  	s23 =	simm.s32 $0x1B8B  }
0xa2: {  	_ =	swait.ge [sflag:s23], $0x1  }
0xa3: {  	[sflag:s23] =	ssyncset.done $0x0  }
0xa4: {  	s25 =	simm.s32 $0x1B8E;
	s24 =	sld [smem:$0x3FFE];
	[sflag:s23] =	ssyncadd.s32 $0xFFFFFFFF  }
0xa5: {  	s26 =	simm.s32 $execute0_lowered;
	[smem:$0x3FD2] =	sst s25  }
0xa6: {  	s5 =	sshll.u32 s26, $0x1;
	_ =	strace $0x80000049;
	[dreg:$0x1] =	wrdreg $0xFFFFFFFF  }
0xa7: {  	s28 =	simm.s32 $_size_execute0_lowered;
	s3 =	sadd.s32 s3, s5;
	[dreg:$0x0] =	wrdreg $0x0  }
0xa8: {  	s5 =	sshll.u32 s28, $0x1;
	[dreg:$0x2] =	wrdreg s3  }
0xa9: {  	[dreg:$0x3] =	wrdreg s5  }
0xaa: {  	[dreg:$0x4] =	wrdreg $0xC0  }
0xab: {  	_ =	task [dreg:s7], $0x5FFFF  }
0xac: {  	[dreg:$0x1] =	wrdreg $0xFFFFFFFF  }
0xad: {  	[dreg:$0x0] =	wrdreg $0x60  }
0xae: {  	[dreg:$0x2] =	wrdreg s2  }
0xaf: {  	[dreg:$0x3] =	wrdreg s24  }
0xb0: {  	[dreg:$0x4] =	wrdreg $0x9  }
0xb1: {  	_ =	task.clear_ibuf [dreg:s7], $0x5FFFF;
	_ =	strace $0x90000049  }
0xb2: {  	s29 =	simm.s32 $0x9;
	_ =	strace $0x8000004B  }
0xb3: {  	_ =	swait.ge [sflag:s29], $0x1  }
0xb4: {  	[sflag:s29] =	ssyncadd.s32 $0xFFFFFFFF  }
0xb5: {  	_ =	strace $0x9000004B  }
0xb6: {  	_ =	sfence  }
0xb7: {  	s30 =	sld [smem:$0x0];
	_ =	sdelay $0x2  }
0xb8: {  	s31 =	sshll.u32 s1, $0xD;
	s1 =	sshrl.u32 s1, $0x2  }
0xb9: {  	s3 =	sand.u32 $0x4000, s31;
	s1 =	sadd.s32 s1, s30  }
0xba: {  	s0 =	sor.u32 s3, s0;
	s1 =	sshll.u32 s1, $0x11  }
0xbb: {  	s0 =	sor.u32 s1, s0  }
0xbc: {  	s0 =	sadd.s32 $0x8F2B, s0  }
0xbd: {  	[sflag:s0] =	ssyncadd.remote.s32 $0x1  }
0xbe: {  	_ =	sfence.sel $0xFFFF  }
0xbf: {  	[dreg:$0x0] =	wrdreg $0xFFFFFFFF;
	(pc) =	sbr.abs _section_cstart, $3  }
0xc0: {  	[dreg:$0x1] =	wrdreg $0xFFFFFFFF  }
0xc1: {  	_ =	task.clear_ibuf [dreg:s7], $0x2FFFF;
	_ =	strace $0x9FFFFFFF  }
0xc2: {  	(tm) =	ssettm $0x7FFFFFFF  }
0xc3: {  	_ =	shalt  }
tec
execute0_lowered:
.L_overlay_start_1:
0x0: {  	(tag) =	ssettag $0x1  }
0x1: {  	s2 =	rddreg [dreg:$0x0]  }
0x2: {  	s0 =	rddreg [dreg:$0x1]  }
0x3: {  	s1 =	srdreg.scid;
	s4 =	stileid.u32  }
0x4: {  	s3 =	simm.s32 $0x0;
	s11 =	simm.s32 $0x5;
	s12 =	simm.s32 $0x32  }
0x5: {  	s29 =	simm.s32 $0x1C0;
	s22 =	simm.s32 $0x1;
	s23 =	simm.s32 $0x40  }
0x6: {  	s24 =	simm.s32 $0x80;
	s10 =	simm.s32 $0x4;
	s20 =	simm.s32 $0x18700  }
0x7: {  	s1 =	sand.u32 $0x1, s1;
	s4 =	sshll.u32 s4, $0xA;
	[smem:$0x7FF] =	sst s3  }
0x8: {  	s6 =	sadd.s32 $0xE00, s0;
	s5 =	sshll.u32 s1, $0x9;
	s1 =	ssub.s32 $0x2, s1  }
0x9: {  	_ =	strace $0x8000004A;
	s4 =	sor.u32 s5, s4;
	s7 =	sshrl.u32 s1, $0x1  }
0xa: {  	s8 =	smul.u32 $0x7, s4;
	s28 =	ssub.s32 s1, s7;
	s31 =	sor.u32 $0x10, s4  }
0xb: {  	s5 =	sadd.s32 $0xF43200, s0;
	[dreg:$0x4] =	wrdreg s31;
	s0 =	smax.u32 s28, $0x1  }
0xc: {  	s7 =	simm.s32 $0x2;
	s30 =	sadd.s32 s2, s8;
	[dreg:$0x5] =	wrdreg s0  }
0xd: {  	s1 =	simm.s32 $0x0;
	s8 =	sor.u32 $0x8, s4;
	[dreg:$0x3] =	wrdreg s30  }
.LBB2_1:
0xe: {  	[dreg:$0x6] =	wrdreg s1  }
0xf: {  	s0 =	rddreg [dreg:$0x3]  }
0x10: {  	[tilespmem:s3], [sflag:$0x5] =	stream.linear.gather [hbm4b:s0+s3], $0x1C0, $0x38;
	[tilespmem:$0x19380] =	vst v63  }
0x11: {  	_ =	swait.ge [sflag:s11], $0x1C0  }
0x12: {  	[sflag:s11] =	ssyncset.done $0x0  }
0x13: {  	s1 =	simm.s32 $0x380;
	[sflag:s11] =	ssyncadd.s32 $0xFFFFFE40  }
0x14: {  	[tilespmem:s1], [sflag:$0x1] =	stream.indirect.gather [hbm4b:s5+s12], $0x40, s3, s12, $0xb8;
	[tilespmem:$0x19380] =	vst v63  }
0x15: {  	s9 =	simm.s32 $0x38;
	s13 =	simm.s32 $0x1000  }
0x16: {  	[tilespmem:s13], [sflag:$0x1] =	stream.indirect.gather [hbm4b:s5+s12], $0x40, s9, s12, $0xb8;
	[tilespmem:$0x19380] =	vst v63  }
0x17: {  	s14 =	simm.s32 $0x70;
	s15 =	simm.s32 $0x1C80  }
0x18: {  	[tilespmem:s15], [sflag:$0x1] =	stream.indirect.gather [hbm4b:s5+s12], $0x40, s14, s12, $0xb8;
	[tilespmem:$0x19380] =	vst v63  }
0x19: {  	s16 =	simm.s32 $0xA8;
	s17 =	simm.s32 $0x2900  }
0x1a: {  	[tilespmem:s17], [sflag:$0x1] =	stream.indirect.gather [hbm4b:s5+s12], $0x40, s16, s12, $0xb8;
	[tilespmem:$0x19380] =	vst v63  }
0x1b: {  	s18 =	simm.s32 $0xE0;
	s19 =	simm.s32 $0x3580  }
0x1c: {  	[tilespmem:s19], [sflag:$0x1] =	stream.indirect.gather [hbm4b:s5+s12], $0x40, s18, s12, $0xb8;
	[tilespmem:$0x19380] =	vst v63  }
0x1d: {  	s21 =	simm.s32 $0x118;
	s25 =	simm.s32 $0x4200  }
0x1e: {  	[tilespmem:s25], [sflag:$0x1] =	stream.indirect.gather [hbm4b:s5+s12], $0x40, s21, s12, $0xb8;
	[tilespmem:$0x19380] =	vst v63  }
0x1f: {  	s26 =	simm.s32 $0x150;
	s28 =	simm.s32 $0x4E80  }
0x20: {  	[tilespmem:s28], [sflag:$0x1] =	stream.indirect.gather [hbm4b:s5+s12], $0x40, s26, s12, $0xb8;
	[tilespmem:$0x19380] =	vst v63  }
0x21: {  	s30 =	simm.s32 $0x188;
	s31 =	simm.s32 $0x5B00;
	s21 =	simm.s32 $0x0  }
0x22: {  	[tilespmem:s31], [sflag:$0x1] =	stream.indirect.gather [hbm4b:s5+s12], $0x40, s30, s12, $0xb8;
	[tilespmem:$0x19380] =	vst v63  }
.LBB2_2:
0x23: {  	s26 =	sshll.u32 s21, $0x4  }
0x24: {  	s25 =	sadd.s32 s8, s26  }
0x25: {  	s0 =	smul.u32 $0x7, s25;
	_ =	sdelay $0x1  }
0x26: {  	s0 =	sadd.s32 s2, s0  }
0x27: {  	[tilespmem:s29], [sflag:$0x5] =	stream.linear.gather [hbm4b:s0+s3], $0x1C0, $0x38;
	[tilespmem:$0x19380] =	vst v63  }
0x28: {  	_ =	swait.ge [sflag:s11], $0x1C0  }
0x29: {  	[sflag:s11] =	ssyncset.done $0x0  }
0x2a: {  	s18 =	simm.s32 $0x6780;
	[sflag:s11] =	ssyncadd.s32 $0xFFFFFE40  }
0x2b: {  	[tilespmem:s18], [sflag:$0x2] =	stream.indirect.gather [hbm4b:s5+s12], $0x40, s29, s12, $0xb8;
	[tilespmem:$0x19380] =	vst v63  }
0x2c: {  	s19 =	simm.s32 $0x1F8;
	s1 =	simm.s32 $0x7400  }
0x2d: {  	[tilespmem:s1], [sflag:$0x2] =	stream.indirect.gather [hbm4b:s5+s12], $0x40, s19, s12, $0xb8;
	[tilespmem:$0x19380] =	vst v63  }
0x2e: {  	s28 =	simm.s32 $0x230;
	s30 =	simm.s32 $0x8080  }
0x2f: {  	[tilespmem:s30], [sflag:$0x2] =	stream.indirect.gather [hbm4b:s5+s12], $0x40, s28, s12, $0xb8;
	[tilespmem:$0x19380] =	vst v63  }
0x30: {  	s9 =	simm.s32 $0x268;
	s13 =	simm.s32 $0x8D00  }
0x31: {  	[tilespmem:s13], [sflag:$0x2] =	stream.indirect.gather [hbm4b:s5+s12], $0x40, s9, s12, $0xb8;
	[tilespmem:$0x19380] =	vst v63  }
0x32: {  	s14 =	simm.s32 $0x2A0;
	s15 =	simm.s32 $0x9980  }
0x33: {  	[tilespmem:s15], [sflag:$0x2] =	stream.indirect.gather [hbm4b:s5+s12], $0x40, s14, s12, $0xb8;
	[tilespmem:$0x19380] =	vst v63  }
0x34: {  	s16 =	simm.s32 $0x2D8;
	s17 =	simm.s32 $0xA600  }
0x35: {  	[tilespmem:s17], [sflag:$0x2] =	stream.indirect.gather [hbm4b:s5+s12], $0x40, s16, s12, $0xb8;
	[tilespmem:$0x19380] =	vst v63  }
0x36: {  	s18 =	simm.s32 $0x310;
	s19 =	simm.s32 $0xB280  }
0x37: {  	[tilespmem:s19], [sflag:$0x2] =	stream.indirect.gather [hbm4b:s5+s12], $0x40, s18, s12, $0xb8;
	[tilespmem:$0x19380] =	vst v63  }
0x38: {  	s28 =	simm.s32 $0x348;
	s30 =	simm.s32 $0xBF00  }
0x39: {  	[tilespmem:s30], [sflag:$0x2] =	stream.indirect.gather [hbm4b:s5+s12], $0x40, s28, s12, $0xb8;
	[tilespmem:$0x19380] =	vst v63  }
0x3a: {  	_ =	swait.ge [sflag:s22], $0x6400  }
0x3b: {  	p0 =	seq.s32 s21, $0x0;
	[sflag:s22] =	ssyncset.done $0x0  }
0x3c: {  	s0 =	simm.s32 @!p0 $0x3;
	[sflag:s22] =	ssyncadd.s32 $0xFFFF9C00  }
0x3d: {  	_ =	swait.ge @!p0 [sflag:s0], $0x6400  }
0x3e: {  	[sflag:s0] =	ssyncset.done @!p0 $0x0  }
0x3f: {  	s15 =	simm.s32 $0x3C0;
	[sflag:s0] =	ssyncadd.s32 @!p0 $0xFFFF9C00  }
0x40: {  	v0 =	vld [tilespmem:s15+$0x0];
	_ =	sdelay $0x3  }
0x41: {  	v1 =	vld [tilespmem:s15+$0xFFFFFFC0]  }
0x42: {  	v0 =	vmul.f32 $8.000000000e+00, v0  }
0x43: {  	s9 =	simm.s32 $0xCBC0;
	s0 =	simm.s32 $0x440  }
0x44: {  	[tilespmem:s9+$0x0] =	vst v0;
	v0 =	vld [tilespmem:s0+$0x0]  }
0x45: {  	v2 =	vld [tilespmem:s15+$0x10]  }
0x46: {  	v1 =	vmul.f32 $8.000000000e+00, v1;
	_ =	sdelay $0x1  }
0x47: {  	[tilespmem:s9+$0xFFFFFFC0] =	vst v1;
	v1 =	vld [tilespmem:s0+$0xFFFFFFC0]  }
0x48: {  	v3 =	vld [tilespmem:s15+$0xFFFFFFD0];
	v0 =	vmul.f32 $8.000000000e+00, v0  }
0x49: {  	s31 =	simm.s32 $0xCC40;
	s1 =	simm.s32 $0x4C0;
	v2 =	vmul.f32 $8.000000000e+00, v2  }
0x4a: {  	[tilespmem:s31+$0x0] =	vst v0;
	v0 =	vld [tilespmem:s1+$0x0]  }
0x4b: {  	[tilespmem:s9+$0x10] =	vst v2;
	v2 =	vld [tilespmem:s0+$0x10]  }
0x4c: {  	v1 =	vmul.f32 $8.000000000e+00, v1;
	v4 =	vld [tilespmem:s15+$0x20]  }
0x4d: {  	v3 =	vmul.f32 $8.000000000e+00, v3  }
0x4e: {  	[tilespmem:s31+$0xFFFFFFC0] =	vst v1;
	v1 =	vld [tilespmem:s1+$0xFFFFFFC0]  }
0x4f: {  	[tilespmem:s9+$0xFFFFFFD0] =	vst v3;
	v3 =	vld [tilespmem:s0+$0xFFFFFFD0];
	v0 =	vmul.f32 $8.000000000e+00, v0  }
0x50: {  	s13 =	simm.s32 $0xCCC0;
	s14 =	simm.s32 $0x540;
	v5 =	vld [tilespmem:s15+$0xFFFFFFE0];
	v2 =	vmul.f32 $8.000000000e+00, v2  }
0x51: {  	[tilespmem:s13+$0x0] =	vst v0;
	v0 =	vmul.f32 $8.000000000e+00, v4;
	v4 =	vld [tilespmem:s14+$0x0]  }
0x52: {  	[tilespmem:s31+$0x10] =	vst v2;
	v6 =	vld [tilespmem:s1+$0x10]  }
0x53: {  	v1 =	vmul.f32 $8.000000000e+00, v1;
	[tilespmem:s9+$0x20] =	vst v0;
	v7 =	vld [tilespmem:s0+$0x20]  }
0x54: {  	v2 =	vmul.f32 $8.000000000e+00, v3;
	v0 =	vld [tilespmem:s15+$0x30]  }
0x55: {  	[tilespmem:s13+$0xFFFFFFC0] =	vst v1;
	v1 =	vmul.f32 $8.000000000e+00, v5;
	v3 =	vld [tilespmem:s14+$0xFFFFFFC0]  }
0x56: {  	[tilespmem:s31+$0xFFFFFFD0] =	vst v2;
	v5 =	vmul.f32 $8.000000000e+00, v4;
	v4 =	vld [tilespmem:s1+$0xFFFFFFD0]  }
0x57: {  	s16 =	simm.s32 $0xCD40;
	[tilespmem:s9+$0xFFFFFFE0] =	vst v1;
	v2 =	vld [tilespmem:s0+$0xFFFFFFE0];
	v6 =	vmul.f32 $8.000000000e+00, v6  }
0x58: {  	s17 =	simm.s32 $0x6;
	s18 =	simm.s32 $0x5C0;
	v1 =	vld [tilespmem:s15+$0xFFFFFFF0];
	s15 =	simm.s32 $0xCD40;
	[tilespmem:s16+$0x0] =	vst v5;
	v5 =	vmul.f32 $8.000000000e+00, v7  }
.LBB2_3:
0x59: {  	v7 =	vld [tilespmem:s18+$0x0];
	[tilespmem:s13+$0x10] =	vst v6;
	v0 =	vmul.f32 $8.000000000e+00, v0;
	s19 =	smov.u32 s0;
	s0 =	smov.u32 s1;
	s1 =	smov.u32 s14  }
0x5a: {  	s14 =	smov.u32 s18;
	s17 =	sadd.s32 $0x2, s17;
	v3 =	vmul.f32 $8.000000000e+00, v3;
	v6 =	vld [tilespmem:s1+$0x10];
	[tilespmem:s31+$0x20] =	vst v5  }
0x5b: {  	s30 =	simm.s32 $0x1070;
	s28 =	simm.s32 $0xD870;
	p1 =	slt.u32 s17, $0x30;
	v4 =	vmul.f32 $8.000000000e+00, v4;
	v5 =	vld [tilespmem:s0+$0x20];
	[tilespmem:s9+$0x30] =	vst v0  }
.Ltmp0:
0x5c: {  	[tilespmem:s16+$0xFFFFFFC0] =	vst v3;
	v2 =	vmul.f32 $8.000000000e+00, v2;
	v0 =	vld [tilespmem:s19+$0x30];
	(pc) =	sbr.rel @p1 .LBB2_3-.Ltmp0, $4  }
0x5d: {  	v3 =	vld [tilespmem:s18+$0xFFFFFFC0];
	[tilespmem:s13+$0xFFFFFFD0] =	vst v4;
	v1 =	vmul.f32 $8.000000000e+00, v1  }
0x5e: {  	v7 =	vmul.f32 $8.000000000e+00, v7;
	v4 =	vld [tilespmem:s1+$0xFFFFFFD0];
	[tilespmem:s31+$0xFFFFFFE0] =	vst v2  }
0x5f: {  	s16 =	sadd.s32 $0x80, s16;
	v6 =	vmul.f32 $8.000000000e+00, v6;
	v2 =	vld [tilespmem:s0+$0xFFFFFFE0];
	[tilespmem:s9+$0xFFFFFFF0] =	vst v1;
	s9 =	smov.u32 s31;
	s31 =	smov.u32 s13  }
0x60: {  	s18 =	sadd.s32 $0x80, s18;
	s13 =	smov.u32 s15;
	s15 =	smov.u32 s16;
	[tilespmem:s16+$0x0] =	vst v7;
	v5 =	vmul.f32 $8.000000000e+00, v5;
	v1 =	vld [tilespmem:s19+$0xFFFFFFF0]  }
0x61: {  	_ = 	snop  }
0x62: {  	v3 =	vmul.f32 $8.000000000e+00, v3;
	_ =	sdelay $0x1  }
0x63: {  	v7 =	vld [tilespmem:s14+$0x10];
	[tilespmem:s16+$0xFFFFFFC0] =	vst v3  }
0x64: {  	v3 =	vld [tilespmem:s14+$0xFFFFFFD0];
	_ =	sdelay $0x2  }
0x65: {  	v4 =	vmul.f32 $8.000000000e+00, v4  }
0x66: {  	[tilespmem:s13+$0x10] =	vst v6;
	v6 =	vmul.f32 $8.000000000e+00, v7  }
0x67: {  	[tilespmem:s13+$0xFFFFFFD0] =	vst v4;
	v7 =	vld [tilespmem:s1+$0x20];
	v3 =	vmul.f32 $8.000000000e+00, v3  }
0x68: {  	v4 =	vld [tilespmem:s1+$0xFFFFFFE0];
	[tilespmem:s15+$0x10] =	vst v6  }
0x69: {  	v6 =	vld [tilespmem:s14+$0x20];
	[tilespmem:s15+$0xFFFFFFD0] =	vst v3  }
0x6a: {  	v3 =	vld [tilespmem:s14+$0xFFFFFFE0]  }
0x6b: {  	v2 =	vmul.f32 $8.000000000e+00, v2  }
0x6c: {  	[tilespmem:s31+$0x20] =	vst v5;
	v5 =	vmul.f32 $8.000000000e+00, v7  }
0x6d: {  	[tilespmem:s31+$0xFFFFFFE0] =	vst v2;
	v2 =	vld [tilespmem:s0+$0x30];
	v4 =	vmul.f32 $8.000000000e+00, v4  }
0x6e: {  	[tilespmem:s13+$0x20] =	vst v5;
	v5 =	vld [tilespmem:s0+$0xFFFFFFF0];
	v6 =	vmul.f32 $8.000000000e+00, v6  }
0x6f: {  	[tilespmem:s13+$0xFFFFFFE0] =	vst v4;
	v4 =	vld [tilespmem:s1+$0x30];
	v3 =	vmul.f32 $8.000000000e+00, v3  }
0x70: {  	v0 =	vmul.f32 $8.000000000e+00, v0;
	[tilespmem:s15+$0x20] =	vst v6;
	v6 =	vld [tilespmem:s1+$0xFFFFFFF0]  }
0x71: {  	v1 =	vmul.f32 $8.000000000e+00, v1;
	[tilespmem:s15+$0xFFFFFFE0] =	vst v3;
	v3 =	vld [tilespmem:s14+$0x30]  }
0x72: {  	[tilespmem:s9+$0x30] =	vst v0;
	v0 =	vmul.f32 $8.000000000e+00, v2;
	v2 =	vld [tilespmem:s14+$0xFFFFFFF0]  }
0x73: {  	[tilespmem:s9+$0xFFFFFFF0] =	vst v1;
	v1 =	vmul.f32 $8.000000000e+00, v5  }
0x74: {  	[tilespmem:s31+$0x30] =	vst v0;
	v0 =	vmul.f32 $8.000000000e+00, v4  }
0x75: {  	[tilespmem:s31+$0xFFFFFFF0] =	vst v1;
	v1 =	vmul.f32 $8.000000000e+00, v6  }
0x76: {  	[tilespmem:s13+$0x30] =	vst v0;
	v0 =	vmul.f32 $8.000000000e+00, v3  }
0x77: {  	[tilespmem:s13+$0xFFFFFFF0] =	vst v1;
	v1 =	vmul.f32 $8.000000000e+00, v2  }
0x78: {  	[tilespmem:s15+$0x30] =	vst v0  }
0x79: {  	[tilespmem:s15+$0xFFFFFFF0] =	vst v1  }
0x7a: {  	v0 =	vld [tilespmem:s30+$0xFFFFFFD0];
	_ =	sdelay $0x3  }
0x7b: {  	v1 =	vld [tilespmem:s30+$0xFFFFFF90]  }
0x7c: {  	v0 =	vmul.f32 $8.000000000e+00, v0  }
0x7d: {  	s0 =	simm.s32 $0x10F0  }
0x7e: {  	[tilespmem:s28+$0xFFFFFFD0] =	vst v0;
	v0 =	vld [tilespmem:s0+$0xFFFFFFD0]  }
0x7f: {  	v2 =	vld [tilespmem:s30+$0xFFFFFFE0]  }
0x80: {  	v1 =	vmul.f32 $8.000000000e+00, v1;
	_ =	sdelay $0x1  }
0x81: {  	[tilespmem:s28+$0xFFFFFF90] =	vst v1;
	v1 =	vld [tilespmem:s0+$0xFFFFFF90]  }
0x82: {  	v3 =	vld [tilespmem:s30+$0xFFFFFFA0];
	v0 =	vmul.f32 $8.000000000e+00, v0  }
0x83: {  	s1 =	simm.s32 $0x1170;
	s31 =	simm.s32 $0xD8F0;
	v2 =	vmul.f32 $8.000000000e+00, v2  }
0x84: {  	[tilespmem:s31+$0xFFFFFFD0] =	vst v0;
	v0 =	vld [tilespmem:s1+$0xFFFFFFD0]  }
0x85: {  	[tilespmem:s28+$0xFFFFFFE0] =	vst v2;
	v2 =	vld [tilespmem:s0+$0xFFFFFFE0]  }
0x86: {  	v1 =	vmul.f32 $8.000000000e+00, v1;
	v4 =	vld [tilespmem:s30+$0xFFFFFFF0]  }
0x87: {  	v3 =	vmul.f32 $8.000000000e+00, v3  }
0x88: {  	[tilespmem:s31+$0xFFFFFF90] =	vst v1;
	v1 =	vld [tilespmem:s1+$0xFFFFFF90]  }
0x89: {  	[tilespmem:s28+$0xFFFFFFA0] =	vst v3;
	v3 =	vld [tilespmem:s0+$0xFFFFFFA0];
	v0 =	vmul.f32 $8.000000000e+00, v0  }
0x8a: {  	s14 =	simm.s32 $0x11F0;
	s13 =	simm.s32 $0xD970;
	v5 =	vld [tilespmem:s30+$0xFFFFFFB0];
	v2 =	vmul.f32 $8.000000000e+00, v2  }
0x8b: {  	[tilespmem:s13+$0xFFFFFFD0] =	vst v0;
	v0 =	vmul.f32 $8.000000000e+00, v4;
	v4 =	vld [tilespmem:s14+$0xFFFFFFD0]  }
0x8c: {  	[tilespmem:s31+$0xFFFFFFE0] =	vst v2;
	v6 =	vld [tilespmem:s1+$0xFFFFFFE0]  }
0x8d: {  	v1 =	vmul.f32 $8.000000000e+00, v1;
	[tilespmem:s28+$0xFFFFFFF0] =	vst v0;
	v7 =	vld [tilespmem:s0+$0xFFFFFFF0]  }
0x8e: {  	v2 =	vmul.f32 $8.000000000e+00, v3;
	v0 =	vld [tilespmem:s30+$0x0]  }
0x8f: {  	[tilespmem:s13+$0xFFFFFF90] =	vst v1;
	v1 =	vmul.f32 $8.000000000e+00, v5;
	v3 =	vld [tilespmem:s14+$0xFFFFFF90]  }
0x90: {  	[tilespmem:s31+$0xFFFFFFA0] =	vst v2;
	v5 =	vmul.f32 $8.000000000e+00, v4;
	v4 =	vld [tilespmem:s1+$0xFFFFFFA0]  }
0x91: {  	s16 =	simm.s32 $0xD9F0;
	[tilespmem:s28+$0xFFFFFFB0] =	vst v1;
	v2 =	vld [tilespmem:s0+$0xFFFFFFB0];
	v6 =	vmul.f32 $8.000000000e+00, v6  }
0x92: {  	s17 =	simm.s32 $0x6;
	s18 =	simm.s32 $0x1270;
	s15 =	simm.s32 $0xD9F0;
	v1 =	vld [tilespmem:s30+$0xFFFFFFC0];
	[tilespmem:s16+$0xFFFFFFD0] =	vst v5;
	v5 =	vmul.f32 $8.000000000e+00, v7  }
.LBB2_5:
0x93: {  	v7 =	vld [tilespmem:s18+$0xFFFFFFD0];
	[tilespmem:s13+$0xFFFFFFE0] =	vst v6;
	v0 =	vmul.f32 $8.000000000e+00, v0;
	s19 =	smov.u32 s0;
	s0 =	smov.u32 s1;
	s1 =	smov.u32 s14  }
0x94: {  	s14 =	smov.u32 s18;
	s17 =	sadd.s32 $0x2, s17;
	v3 =	vmul.f32 $8.000000000e+00, v3;
	v6 =	vld [tilespmem:s1+$0xFFFFFFE0];
	[tilespmem:s31+$0xFFFFFFF0] =	vst v5  }
0x95: {  	s30 =	simm.s32 $0x1CF0;
	s9 =	simm.s32 $0xE4F0;
	p1 =	slt.u32 s17, $0x30;
	v4 =	vmul.f32 $8.000000000e+00, v4;
	v5 =	vld [tilespmem:s0+$0xFFFFFFF0];
	[tilespmem:s28+$0x0] =	vst v0  }
.Ltmp1:
0x96: {  	[tilespmem:s16+$0xFFFFFF90] =	vst v3;
	v2 =	vmul.f32 $8.000000000e+00, v2;
	v0 =	vld [tilespmem:s19+$0x0];
	(pc) =	sbr.rel @p1 .LBB2_5-.Ltmp1, $4  }
0x97: {  	v3 =	vld [tilespmem:s18+$0xFFFFFF90];
	[tilespmem:s13+$0xFFFFFFA0] =	vst v4;
	v1 =	vmul.f32 $8.000000000e+00, v1  }
0x98: {  	v7 =	vmul.f32 $8.000000000e+00, v7;
	v4 =	vld [tilespmem:s1+$0xFFFFFFA0];
	[tilespmem:s31+$0xFFFFFFB0] =	vst v2  }
0x99: {  	s16 =	sadd.s32 $0x80, s16;
	v6 =	vmul.f32 $8.000000000e+00, v6;
	v2 =	vld [tilespmem:s0+$0xFFFFFFB0];
	[tilespmem:s28+$0xFFFFFFC0] =	vst v1;
	s28 =	smov.u32 s31;
	s31 =	smov.u32 s13  }
0x9a: {  	s18 =	sadd.s32 $0x80, s18;
	s13 =	smov.u32 s15;
	s15 =	smov.u32 s16;
	[tilespmem:s16+$0xFFFFFFD0] =	vst v7;
	v5 =	vmul.f32 $8.000000000e+00, v5;
	v1 =	vld [tilespmem:s19+$0xFFFFFFC0]  }
0x9b: {  	_ = 	snop  }
0x9c: {  	v3 =	vmul.f32 $8.000000000e+00, v3;
	_ =	sdelay $0x1  }
0x9d: {  	v7 =	vld [tilespmem:s14+$0xFFFFFFE0];
	[tilespmem:s16+$0xFFFFFF90] =	vst v3  }
0x9e: {  	v3 =	vld [tilespmem:s14+$0xFFFFFFA0];
	_ =	sdelay $0x2  }
0x9f: {  	v4 =	vmul.f32 $8.000000000e+00, v4  }
0xa0: {  	[tilespmem:s13+$0xFFFFFFE0] =	vst v6;
	v6 =	vmul.f32 $8.000000000e+00, v7  }
0xa1: {  	[tilespmem:s13+$0xFFFFFFA0] =	vst v4;
	v7 =	vld [tilespmem:s1+$0xFFFFFFF0];
	v3 =	vmul.f32 $8.000000000e+00, v3  }
0xa2: {  	v4 =	vld [tilespmem:s1+$0xFFFFFFB0];
	[tilespmem:s15+$0xFFFFFFE0] =	vst v6  }
0xa3: {  	v6 =	vld [tilespmem:s14+$0xFFFFFFF0];
	[tilespmem:s15+$0xFFFFFFA0] =	vst v3  }
0xa4: {  	v3 =	vld [tilespmem:s14+$0xFFFFFFB0]  }
0xa5: {  	v2 =	vmul.f32 $8.000000000e+00, v2  }
0xa6: {  	[tilespmem:s31+$0xFFFFFFF0] =	vst v5;
	v5 =	vmul.f32 $8.000000000e+00, v7  }
0xa7: {  	[tilespmem:s31+$0xFFFFFFB0] =	vst v2;
	v2 =	vld [tilespmem:s0+$0x0];
	v4 =	vmul.f32 $8.000000000e+00, v4  }
0xa8: {  	[tilespmem:s13+$0xFFFFFFF0] =	vst v5;
	v5 =	vld [tilespmem:s0+$0xFFFFFFC0];
	v6 =	vmul.f32 $8.000000000e+00, v6  }
0xa9: {  	[tilespmem:s13+$0xFFFFFFB0] =	vst v4;
	v4 =	vld [tilespmem:s1+$0x0];
	v3 =	vmul.f32 $8.000000000e+00, v3  }
0xaa: {  	v0 =	vmul.f32 $8.000000000e+00, v0;
	[tilespmem:s15+$0xFFFFFFF0] =	vst v6;
	v6 =	vld [tilespmem:s1+$0xFFFFFFC0]  }
0xab: {  	v1 =	vmul.f32 $8.000000000e+00, v1;
	[tilespmem:s15+$0xFFFFFFB0] =	vst v3;
	v3 =	vld [tilespmem:s14+$0x0]  }
0xac: {  	[tilespmem:s28+$0x0] =	vst v0;
	v0 =	vmul.f32 $8.000000000e+00, v2;
	v2 =	vld [tilespmem:s14+$0xFFFFFFC0]  }
0xad: {  	[tilespmem:s28+$0xFFFFFFC0] =	vst v1;
	v1 =	vmul.f32 $8.000000000e+00, v5  }
0xae: {  	[tilespmem:s31+$0x0] =	vst v0;
	v0 =	vmul.f32 $8.000000000e+00, v4  }
0xaf: {  	[tilespmem:s31+$0xFFFFFFC0] =	vst v1;
	v1 =	vmul.f32 $8.000000000e+00, v6  }
0xb0: {  	[tilespmem:s13+$0x0] =	vst v0;
	v0 =	vmul.f32 $8.000000000e+00, v3  }
0xb1: {  	[tilespmem:s13+$0xFFFFFFC0] =	vst v1;
	v1 =	vmul.f32 $8.000000000e+00, v2  }
0xb2: {  	[tilespmem:s15+$0x0] =	vst v0  }
0xb3: {  	[tilespmem:s15+$0xFFFFFFC0] =	vst v1  }
0xb4: {  	v0 =	vld [tilespmem:s30+$0xFFFFFFD0];
	_ =	sdelay $0x3  }
0xb5: {  	v1 =	vld [tilespmem:s30+$0xFFFFFF90]  }
0xb6: {  	v0 =	vmul.f32 $8.000000000e+00, v0  }
0xb7: {  	s0 =	simm.s32 $0x1D70  }
0xb8: {  	[tilespmem:s9+$0xFFFFFFD0] =	vst v0;
	v0 =	vld [tilespmem:s0+$0xFFFFFFD0]  }
0xb9: {  	v2 =	vld [tilespmem:s30+$0xFFFFFFE0]  }
0xba: {  	v1 =	vmul.f32 $8.000000000e+00, v1;
	_ =	sdelay $0x1  }
0xbb: {  	[tilespmem:s9+$0xFFFFFF90] =	vst v1;
	v1 =	vld [tilespmem:s0+$0xFFFFFF90]  }
0xbc: {  	v3 =	vld [tilespmem:s30+$0xFFFFFFA0];
	v0 =	vmul.f32 $8.000000000e+00, v0  }
0xbd: {  	s1 =	simm.s32 $0x1DF0;
	s31 =	simm.s32 $0xE570;
	v2 =	vmul.f32 $8.000000000e+00, v2  }
0xbe: {  	[tilespmem:s31+$0xFFFFFFD0] =	vst v0;
	v0 =	vld [tilespmem:s1+$0xFFFFFFD0]  }
0xbf: {  	[tilespmem:s9+$0xFFFFFFE0] =	vst v2;
	v2 =	vld [tilespmem:s0+$0xFFFFFFE0]  }
0xc0: {  	v1 =	vmul.f32 $8.000000000e+00, v1;
	v4 =	vld [tilespmem:s30+$0xFFFFFFF0]  }
0xc1: {  	v3 =	vmul.f32 $8.000000000e+00, v3  }
0xc2: {  	[tilespmem:s31+$0xFFFFFF90] =	vst v1;
	v1 =	vld [tilespmem:s1+$0xFFFFFF90]  }
0xc3: {  	[tilespmem:s9+$0xFFFFFFA0] =	vst v3;
	v3 =	vld [tilespmem:s0+$0xFFFFFFA0];
	v0 =	vmul.f32 $8.000000000e+00, v0  }
0xc4: {  	s14 =	simm.s32 $0x1E70;
	s13 =	simm.s32 $0xE5F0;
	v5 =	vld [tilespmem:s30+$0xFFFFFFB0];
	v2 =	vmul.f32 $8.000000000e+00, v2  }
0xc5: {  	[tilespmem:s13+$0xFFFFFFD0] =	vst v0;
	v0 =	vmul.f32 $8.000000000e+00, v4;
	v4 =	vld [tilespmem:s14+$0xFFFFFFD0]  }
0xc6: {  	[tilespmem:s31+$0xFFFFFFE0] =	vst v2;
	v6 =	vld [tilespmem:s1+$0xFFFFFFE0]  }
0xc7: {  	v1 =	vmul.f32 $8.000000000e+00, v1;
	[tilespmem:s9+$0xFFFFFFF0] =	vst v0;
	v7 =	vld [tilespmem:s0+$0xFFFFFFF0]  }
0xc8: {  	v2 =	vmul.f32 $8.000000000e+00, v3;
	v0 =	vld [tilespmem:s30+$0x0]  }
0xc9: {  	[tilespmem:s13+$0xFFFFFF90] =	vst v1;
	v1 =	vmul.f32 $8.000000000e+00, v5;
	v3 =	vld [tilespmem:s14+$0xFFFFFF90]  }
0xca: {  	[tilespmem:s31+$0xFFFFFFA0] =	vst v2;
	v5 =	vmul.f32 $8.000000000e+00, v4;
	v4 =	vld [tilespmem:s1+$0xFFFFFFA0]  }
0xcb: {  	s16 =	simm.s32 $0xE670;
	[tilespmem:s9+$0xFFFFFFB0] =	vst v1;
	v2 =	vld [tilespmem:s0+$0xFFFFFFB0];
	v6 =	vmul.f32 $8.000000000e+00, v6  }
0xcc: {  	s17 =	simm.s32 $0x6;
	s18 =	simm.s32 $0x1EF0;
	s15 =	simm.s32 $0xE670;
	v1 =	vld [tilespmem:s30+$0xFFFFFFC0];
	[tilespmem:s16+$0xFFFFFFD0] =	vst v5;
	v5 =	vmul.f32 $8.000000000e+00, v7  }
.LBB2_7:
0xcd: {  	v7 =	vld [tilespmem:s18+$0xFFFFFFD0];
	[tilespmem:s13+$0xFFFFFFE0] =	vst v6;
	v0 =	vmul.f32 $8.000000000e+00, v0;
	s19 =	smov.u32 s0;
	s0 =	smov.u32 s1;
	s1 =	smov.u32 s14  }
0xce: {  	s14 =	smov.u32 s18;
	s17 =	sadd.s32 $0x2, s17;
	v3 =	vmul.f32 $8.000000000e+00, v3;
	v6 =	vld [tilespmem:s1+$0xFFFFFFE0];
	[tilespmem:s31+$0xFFFFFFF0] =	vst v5  }
0xcf: {  	s30 =	simm.s32 $0x2970;
	s28 =	simm.s32 $0xF170;
	p1 =	slt.u32 s17, $0x30;
	v4 =	vmul.f32 $8.000000000e+00, v4;
	v5 =	vld [tilespmem:s0+$0xFFFFFFF0];
	[tilespmem:s9+$0x0] =	vst v0  }
.Ltmp2:
0xd0: {  	[tilespmem:s16+$0xFFFFFF90] =	vst v3;
	v2 =	vmul.f32 $8.000000000e+00, v2;
	v0 =	vld [tilespmem:s19+$0x0];
	(pc) =	sbr.rel @p1 .LBB2_7-.Ltmp2, $4  }
0xd1: {  	v3 =	vld [tilespmem:s18+$0xFFFFFF90];
	[tilespmem:s13+$0xFFFFFFA0] =	vst v4;
	v1 =	vmul.f32 $8.000000000e+00, v1  }
0xd2: {  	v7 =	vmul.f32 $8.000000000e+00, v7;
	v4 =	vld [tilespmem:s1+$0xFFFFFFA0];
	[tilespmem:s31+$0xFFFFFFB0] =	vst v2  }
0xd3: {  	s16 =	sadd.s32 $0x80, s16;
	v6 =	vmul.f32 $8.000000000e+00, v6;
	v2 =	vld [tilespmem:s0+$0xFFFFFFB0];
	[tilespmem:s9+$0xFFFFFFC0] =	vst v1;
	s9 =	smov.u32 s31;
	s31 =	smov.u32 s13  }
0xd4: {  	s18 =	sadd.s32 $0x80, s18;
	s13 =	smov.u32 s15;
	s15 =	smov.u32 s16;
	[tilespmem:s16+$0xFFFFFFD0] =	vst v7;
	v5 =	vmul.f32 $8.000000000e+00, v5;
	v1 =	vld [tilespmem:s19+$0xFFFFFFC0]  }
0xd5: {  	_ = 	snop  }
0xd6: {  	v3 =	vmul.f32 $8.000000000e+00, v3;
	_ =	sdelay $0x1  }
0xd7: {  	v7 =	vld [tilespmem:s14+$0xFFFFFFE0];
	[tilespmem:s16+$0xFFFFFF90] =	vst v3  }
0xd8: {  	v3 =	vld [tilespmem:s14+$0xFFFFFFA0];
	_ =	sdelay $0x2  }
0xd9: {  	v4 =	vmul.f32 $8.000000000e+00, v4  }
0xda: {  	[tilespmem:s13+$0xFFFFFFE0] =	vst v6;
	v6 =	vmul.f32 $8.000000000e+00, v7  }
0xdb: {  	[tilespmem:s13+$0xFFFFFFA0] =	vst v4;
	v7 =	vld [tilespmem:s1+$0xFFFFFFF0];
	v3 =	vmul.f32 $8.000000000e+00, v3  }
0xdc: {  	v4 =	vld [tilespmem:s1+$0xFFFFFFB0];
	[tilespmem:s15+$0xFFFFFFE0] =	vst v6  }
0xdd: {  	v6 =	vld [tilespmem:s14+$0xFFFFFFF0];
	[tilespmem:s15+$0xFFFFFFA0] =	vst v3  }
0xde: {  	v3 =	vld [tilespmem:s14+$0xFFFFFFB0]  }
0xdf: {  	v2 =	vmul.f32 $8.000000000e+00, v2  }
0xe0: {  	[tilespmem:s31+$0xFFFFFFF0] =	vst v5;
	v5 =	vmul.f32 $8.000000000e+00, v7  }
0xe1: {  	[tilespmem:s31+$0xFFFFFFB0] =	vst v2;
	v2 =	vld [tilespmem:s0+$0x0];
	v4 =	vmul.f32 $8.000000000e+00, v4  }
0xe2: {  	[tilespmem:s13+$0xFFFFFFF0] =	vst v5;
	v5 =	vld [tilespmem:s0+$0xFFFFFFC0];
	v6 =	vmul.f32 $8.000000000e+00, v6  }
0xe3: {  	[tilespmem:s13+$0xFFFFFFB0] =	vst v4;
	v4 =	vld [tilespmem:s1+$0x0];
	v3 =	vmul.f32 $8.000000000e+00, v3  }
0xe4: {  	v0 =	vmul.f32 $8.000000000e+00, v0;
	[tilespmem:s15+$0xFFFFFFF0] =	vst v6;
	v6 =	vld [tilespmem:s1+$0xFFFFFFC0]  }
0xe5: {  	v1 =	vmul.f32 $8.000000000e+00, v1;
	[tilespmem:s15+$0xFFFFFFB0] =	vst v3;
	v3 =	vld [tilespmem:s14+$0x0]  }
0xe6: {  	[tilespmem:s9+$0x0] =	vst v0;
	v0 =	vmul.f32 $8.000000000e+00, v2;
	v2 =	vld [tilespmem:s14+$0xFFFFFFC0]  }
0xe7: {  	[tilespmem:s9+$0xFFFFFFC0] =	vst v1;
	v1 =	vmul.f32 $8.000000000e+00, v5  }
0xe8: {  	[tilespmem:s31+$0x0] =	vst v0;
	v0 =	vmul.f32 $8.000000000e+00, v4  }
0xe9: {  	[tilespmem:s31+$0xFFFFFFC0] =	vst v1;
	v1 =	vmul.f32 $8.000000000e+00, v6  }
0xea: {  	[tilespmem:s13+$0x0] =	vst v0;
	v0 =	vmul.f32 $8.000000000e+00, v3  }
0xeb: {  	[tilespmem:s13+$0xFFFFFFC0] =	vst v1;
	v1 =	vmul.f32 $8.000000000e+00, v2  }
0xec: {  	[tilespmem:s15+$0x0] =	vst v0  }
0xed: {  	[tilespmem:s15+$0xFFFFFFC0] =	vst v1  }
0xee: {  	v0 =	vld [tilespmem:s30+$0xFFFFFFD0];
	_ =	sdelay $0x3  }
0xef: {  	v1 =	vld [tilespmem:s30+$0xFFFFFF90]  }
0xf0: {  	v0 =	vmul.f32 $8.000000000e+00, v0  }
0xf1: {  	s0 =	simm.s32 $0x29F0  }
0xf2: {  	[tilespmem:s28+$0xFFFFFFD0] =	vst v0;
	v0 =	vld [tilespmem:s0+$0xFFFFFFD0]  }
0xf3: {  	v2 =	vld [tilespmem:s30+$0xFFFFFFE0]  }
0xf4: {  	v1 =	vmul.f32 $8.000000000e+00, v1;
	_ =	sdelay $0x1  }
0xf5: {  	[tilespmem:s28+$0xFFFFFF90] =	vst v1;
	v1 =	vld [tilespmem:s0+$0xFFFFFF90]  }
0xf6: {  	v3 =	vld [tilespmem:s30+$0xFFFFFFA0];
	v0 =	vmul.f32 $8.000000000e+00, v0  }
0xf7: {  	s1 =	simm.s32 $0x2A70;
	s31 =	simm.s32 $0xF1F0;
	v2 =	vmul.f32 $8.000000000e+00, v2  }
0xf8: {  	[tilespmem:s31+$0xFFFFFFD0] =	vst v0;
	v0 =	vld [tilespmem:s1+$0xFFFFFFD0]  }
0xf9: {  	[tilespmem:s28+$0xFFFFFFE0] =	vst v2;
	v2 =	vld [tilespmem:s0+$0xFFFFFFE0]  }
0xfa: {  	v1 =	vmul.f32 $8.000000000e+00, v1;
	v4 =	vld [tilespmem:s30+$0xFFFFFFF0]  }
0xfb: {  	v3 =	vmul.f32 $8.000000000e+00, v3  }
0xfc: {  	[tilespmem:s31+$0xFFFFFF90] =	vst v1;
	v1 =	vld [tilespmem:s1+$0xFFFFFF90]  }
0xfd: {  	[tilespmem:s28+$0xFFFFFFA0] =	vst v3;
	v3 =	vld [tilespmem:s0+$0xFFFFFFA0];
	v0 =	vmul.f32 $8.000000000e+00, v0  }
0xfe: {  	s14 =	simm.s32 $0x2AF0;
	s13 =	simm.s32 $0xF270;
	v5 =	vld [tilespmem:s30+$0xFFFFFFB0];
	v2 =	vmul.f32 $8.000000000e+00, v2  }
0xff: {  	[tilespmem:s13+$0xFFFFFFD0] =	vst v0;
	v0 =	vmul.f32 $8.000000000e+00, v4;
	v4 =	vld [tilespmem:s14+$0xFFFFFFD0]  }
0x100: {  	[tilespmem:s31+$0xFFFFFFE0] =	vst v2;
	v6 =	vld [tilespmem:s1+$0xFFFFFFE0]  }
0x101: {  	v1 =	vmul.f32 $8.000000000e+00, v1;
	[tilespmem:s28+$0xFFFFFFF0] =	vst v0;
	v7 =	vld [tilespmem:s0+$0xFFFFFFF0]  }
0x102: {  	v2 =	vmul.f32 $8.000000000e+00, v3;
	v0 =	vld [tilespmem:s30+$0x0]  }
0x103: {  	[tilespmem:s13+$0xFFFFFF90] =	vst v1;
	v1 =	vmul.f32 $8.000000000e+00, v5;
	v3 =	vld [tilespmem:s14+$0xFFFFFF90]  }
0x104: {  	[tilespmem:s31+$0xFFFFFFA0] =	vst v2;
	v5 =	vmul.f32 $8.000000000e+00, v4;
	v4 =	vld [tilespmem:s1+$0xFFFFFFA0]  }
0x105: {  	s16 =	simm.s32 $0xF2F0;
	[tilespmem:s28+$0xFFFFFFB0] =	vst v1;
	v2 =	vld [tilespmem:s0+$0xFFFFFFB0];
	v6 =	vmul.f32 $8.000000000e+00, v6  }
0x106: {  	s17 =	simm.s32 $0x6;
	s18 =	simm.s32 $0x2B70;
	s15 =	simm.s32 $0xF2F0;
	v1 =	vld [tilespmem:s30+$0xFFFFFFC0];
	[tilespmem:s16+$0xFFFFFFD0] =	vst v5;
	v5 =	vmul.f32 $8.000000000e+00, v7  }
.LBB2_9:
0x107: {  	v7 =	vld [tilespmem:s18+$0xFFFFFFD0];
	[tilespmem:s13+$0xFFFFFFE0] =	vst v6;
	v0 =	vmul.f32 $8.000000000e+00, v0;
	s19 =	smov.u32 s0;
	s0 =	smov.u32 s1;
	s1 =	smov.u32 s14  }
0x108: {  	s14 =	smov.u32 s18;
	s17 =	sadd.s32 $0x2, s17;
	v3 =	vmul.f32 $8.000000000e+00, v3;
	v6 =	vld [tilespmem:s1+$0xFFFFFFE0];
	[tilespmem:s31+$0xFFFFFFF0] =	vst v5  }
0x109: {  	s30 =	simm.s32 $0x35F0;
	s9 =	simm.s32 $0xFDF0;
	p1 =	slt.u32 s17, $0x30;
	v4 =	vmul.f32 $8.000000000e+00, v4;
	v5 =	vld [tilespmem:s0+$0xFFFFFFF0];
	[tilespmem:s28+$0x0] =	vst v0  }
.Ltmp3:
0x10a: {  	[tilespmem:s16+$0xFFFFFF90] =	vst v3;
	v2 =	vmul.f32 $8.000000000e+00, v2;
	v0 =	vld [tilespmem:s19+$0x0];
	(pc) =	sbr.rel @p1 .LBB2_9-.Ltmp3, $4  }
0x10b: {  	v3 =	vld [tilespmem:s18+$0xFFFFFF90];
	[tilespmem:s13+$0xFFFFFFA0] =	vst v4;
	v1 =	vmul.f32 $8.000000000e+00, v1  }
0x10c: {  	v7 =	vmul.f32 $8.000000000e+00, v7;
	v4 =	vld [tilespmem:s1+$0xFFFFFFA0];
	[tilespmem:s31+$0xFFFFFFB0] =	vst v2  }
0x10d: {  	s16 =	sadd.s32 $0x80, s16;
	v6 =	vmul.f32 $8.000000000e+00, v6;
	v2 =	vld [tilespmem:s0+$0xFFFFFFB0];
	[tilespmem:s28+$0xFFFFFFC0] =	vst v1;
	s28 =	smov.u32 s31;
	s31 =	smov.u32 s13  }
0x10e: {  	s18 =	sadd.s32 $0x80, s18;
	s13 =	smov.u32 s15;
	s15 =	smov.u32 s16;
	[tilespmem:s16+$0xFFFFFFD0] =	vst v7;
	v5 =	vmul.f32 $8.000000000e+00, v5;
	v1 =	vld [tilespmem:s19+$0xFFFFFFC0]  }
0x10f: {  	_ = 	snop  }
0x110: {  	v3 =	vmul.f32 $8.000000000e+00, v3;
	_ =	sdelay $0x1  }
0x111: {  	v7 =	vld [tilespmem:s14+$0xFFFFFFE0];
	[tilespmem:s16+$0xFFFFFF90] =	vst v3  }
0x112: {  	v3 =	vld [tilespmem:s14+$0xFFFFFFA0];
	_ =	sdelay $0x2  }
0x113: {  	v4 =	vmul.f32 $8.000000000e+00, v4  }
0x114: {  	[tilespmem:s13+$0xFFFFFFE0] =	vst v6;
	v6 =	vmul.f32 $8.000000000e+00, v7  }
0x115: {  	[tilespmem:s13+$0xFFFFFFA0] =	vst v4;
	v7 =	vld [tilespmem:s1+$0xFFFFFFF0];
	v3 =	vmul.f32 $8.000000000e+00, v3  }
0x116: {  	v4 =	vld [tilespmem:s1+$0xFFFFFFB0];
	[tilespmem:s15+$0xFFFFFFE0] =	vst v6  }
0x117: {  	v6 =	vld [tilespmem:s14+$0xFFFFFFF0];
	[tilespmem:s15+$0xFFFFFFA0] =	vst v3  }
0x118: {  	v3 =	vld [tilespmem:s14+$0xFFFFFFB0]  }
0x119: {  	v2 =	vmul.f32 $8.000000000e+00, v2  }
0x11a: {  	[tilespmem:s31+$0xFFFFFFF0] =	vst v5;
	v5 =	vmul.f32 $8.000000000e+00, v7  }
0x11b: {  	[tilespmem:s31+$0xFFFFFFB0] =	vst v2;
	v2 =	vld [tilespmem:s0+$0x0];
	v4 =	vmul.f32 $8.000000000e+00, v4  }
0x11c: {  	[tilespmem:s13+$0xFFFFFFF0] =	vst v5;
	v5 =	vld [tilespmem:s0+$0xFFFFFFC0];
	v6 =	vmul.f32 $8.000000000e+00, v6  }
0x11d: {  	[tilespmem:s13+$0xFFFFFFB0] =	vst v4;
	v4 =	vld [tilespmem:s1+$0x0];
	v3 =	vmul.f32 $8.000000000e+00, v3  }
0x11e: {  	v0 =	vmul.f32 $8.000000000e+00, v0;
	[tilespmem:s15+$0xFFFFFFF0] =	vst v6;
	v6 =	vld [tilespmem:s1+$0xFFFFFFC0]  }
0x11f: {  	v1 =	vmul.f32 $8.000000000e+00, v1;
	[tilespmem:s15+$0xFFFFFFB0] =	vst v3;
	v3 =	vld [tilespmem:s14+$0x0]  }
0x120: {  	[tilespmem:s28+$0x0] =	vst v0;
	v0 =	vmul.f32 $8.000000000e+00, v2;
	v2 =	vld [tilespmem:s14+$0xFFFFFFC0]  }
0x121: {  	[tilespmem:s28+$0xFFFFFFC0] =	vst v1;
	v1 =	vmul.f32 $8.000000000e+00, v5  }
0x122: {  	[tilespmem:s31+$0x0] =	vst v0;
	v0 =	vmul.f32 $8.000000000e+00, v4  }
0x123: {  	[tilespmem:s31+$0xFFFFFFC0] =	vst v1;
	v1 =	vmul.f32 $8.000000000e+00, v6  }
0x124: {  	[tilespmem:s13+$0x0] =	vst v0;
	v0 =	vmul.f32 $8.000000000e+00, v3  }
0x125: {  	[tilespmem:s13+$0xFFFFFFC0] =	vst v1;
	v1 =	vmul.f32 $8.000000000e+00, v2  }
0x126: {  	[tilespmem:s15+$0x0] =	vst v0  }
0x127: {  	[tilespmem:s15+$0xFFFFFFC0] =	vst v1  }
0x128: {  	v0 =	vld [tilespmem:s30+$0xFFFFFFD0];
	_ =	sdelay $0x3  }
0x129: {  	v1 =	vld [tilespmem:s30+$0xFFFFFF90]  }
0x12a: {  	v0 =	vmul.f32 $8.000000000e+00, v0  }
0x12b: {  	s0 =	simm.s32 $0x3670  }
0x12c: {  	[tilespmem:s9+$0xFFFFFFD0] =	vst v0;
	v0 =	vld [tilespmem:s0+$0xFFFFFFD0]  }
0x12d: {  	v2 =	vld [tilespmem:s30+$0xFFFFFFE0]  }
0x12e: {  	v1 =	vmul.f32 $8.000000000e+00, v1;
	_ =	sdelay $0x1  }
0x12f: {  	[tilespmem:s9+$0xFFFFFF90] =	vst v1;
	v1 =	vld [tilespmem:s0+$0xFFFFFF90]  }
0x130: {  	v3 =	vld [tilespmem:s30+$0xFFFFFFA0];
	v0 =	vmul.f32 $8.000000000e+00, v0  }
0x131: {  	s1 =	simm.s32 $0x36F0;
	s31 =	simm.s32 $0xFE70;
	v2 =	vmul.f32 $8.000000000e+00, v2  }
0x132: {  	[tilespmem:s31+$0xFFFFFFD0] =	vst v0;
	v0 =	vld [tilespmem:s1+$0xFFFFFFD0]  }
0x133: {  	[tilespmem:s9+$0xFFFFFFE0] =	vst v2;
	v2 =	vld [tilespmem:s0+$0xFFFFFFE0]  }
0x134: {  	v1 =	vmul.f32 $8.000000000e+00, v1;
	v4 =	vld [tilespmem:s30+$0xFFFFFFF0]  }
0x135: {  	v3 =	vmul.f32 $8.000000000e+00, v3  }
0x136: {  	[tilespmem:s31+$0xFFFFFF90] =	vst v1;
	v1 =	vld [tilespmem:s1+$0xFFFFFF90]  }
0x137: {  	[tilespmem:s9+$0xFFFFFFA0] =	vst v3;
	v3 =	vld [tilespmem:s0+$0xFFFFFFA0];
	v0 =	vmul.f32 $8.000000000e+00, v0  }
0x138: {  	s14 =	simm.s32 $0x3770;
	s13 =	simm.s32 $0xFEF0;
	v5 =	vld [tilespmem:s30+$0xFFFFFFB0];
	v2 =	vmul.f32 $8.000000000e+00, v2  }
0x139: {  	[tilespmem:s13+$0xFFFFFFD0] =	vst v0;
	v0 =	vmul.f32 $8.000000000e+00, v4;
	v4 =	vld [tilespmem:s14+$0xFFFFFFD0]  }
0x13a: {  	[tilespmem:s31+$0xFFFFFFE0] =	vst v2;
	v6 =	vld [tilespmem:s1+$0xFFFFFFE0]  }
0x13b: {  	v1 =	vmul.f32 $8.000000000e+00, v1;
	[tilespmem:s9+$0xFFFFFFF0] =	vst v0;
	v7 =	vld [tilespmem:s0+$0xFFFFFFF0]  }
0x13c: {  	v2 =	vmul.f32 $8.000000000e+00, v3;
	v0 =	vld [tilespmem:s30+$0x0]  }
0x13d: {  	[tilespmem:s13+$0xFFFFFF90] =	vst v1;
	v1 =	vmul.f32 $8.000000000e+00, v5;
	v3 =	vld [tilespmem:s14+$0xFFFFFF90]  }
0x13e: {  	[tilespmem:s31+$0xFFFFFFA0] =	vst v2;
	v5 =	vmul.f32 $8.000000000e+00, v4;
	v4 =	vld [tilespmem:s1+$0xFFFFFFA0]  }
0x13f: {  	s16 =	simm.s32 $0xFF70;
	[tilespmem:s9+$0xFFFFFFB0] =	vst v1;
	v2 =	vld [tilespmem:s0+$0xFFFFFFB0];
	v6 =	vmul.f32 $8.000000000e+00, v6  }
0x140: {  	s17 =	simm.s32 $0x6;
	s18 =	simm.s32 $0x37F0;
	s15 =	simm.s32 $0xFF70;
	v1 =	vld [tilespmem:s30+$0xFFFFFFC0];
	[tilespmem:s16+$0xFFFFFFD0] =	vst v5;
	v5 =	vmul.f32 $8.000000000e+00, v7  }
.LBB2_11:
0x141: {  	v7 =	vld [tilespmem:s18+$0xFFFFFFD0];
	[tilespmem:s13+$0xFFFFFFE0] =	vst v6;
	v0 =	vmul.f32 $8.000000000e+00, v0;
	s19 =	smov.u32 s0;
	s0 =	smov.u32 s1;
	s1 =	smov.u32 s14  }
0x142: {  	s14 =	smov.u32 s18;
	s17 =	sadd.s32 $0x2, s17;
	v3 =	vmul.f32 $8.000000000e+00, v3;
	v6 =	vld [tilespmem:s1+$0xFFFFFFE0];
	[tilespmem:s31+$0xFFFFFFF0] =	vst v5  }
0x143: {  	s30 =	simm.s32 $0x4270;
	s28 =	simm.s32 $0x10A70;
	p1 =	slt.u32 s17, $0x30;
	v4 =	vmul.f32 $8.000000000e+00, v4;
	v5 =	vld [tilespmem:s0+$0xFFFFFFF0];
	[tilespmem:s9+$0x0] =	vst v0  }
.Ltmp4:
0x144: {  	[tilespmem:s16+$0xFFFFFF90] =	vst v3;
	v2 =	vmul.f32 $8.000000000e+00, v2;
	v0 =	vld [tilespmem:s19+$0x0];
	(pc) =	sbr.rel @p1 .LBB2_11-.Ltmp4, $4  }
0x145: {  	v3 =	vld [tilespmem:s18+$0xFFFFFF90];
	[tilespmem:s13+$0xFFFFFFA0] =	vst v4;
	v1 =	vmul.f32 $8.000000000e+00, v1  }
0x146: {  	v7 =	vmul.f32 $8.000000000e+00, v7;
	v4 =	vld [tilespmem:s1+$0xFFFFFFA0];
	[tilespmem:s31+$0xFFFFFFB0] =	vst v2  }
0x147: {  	s16 =	sadd.s32 $0x80, s16;
	v6 =	vmul.f32 $8.000000000e+00, v6;
	v2 =	vld [tilespmem:s0+$0xFFFFFFB0];
	[tilespmem:s9+$0xFFFFFFC0] =	vst v1;
	s9 =	smov.u32 s31;
	s31 =	smov.u32 s13  }
0x148: {  	s18 =	sadd.s32 $0x80, s18;
	s13 =	smov.u32 s15;
	s15 =	smov.u32 s16;
	[tilespmem:s16+$0xFFFFFFD0] =	vst v7;
	v5 =	vmul.f32 $8.000000000e+00, v5;
	v1 =	vld [tilespmem:s19+$0xFFFFFFC0]  }
0x149: {  	_ = 	snop  }
0x14a: {  	v3 =	vmul.f32 $8.000000000e+00, v3;
	_ =	sdelay $0x1  }
0x14b: {  	v7 =	vld [tilespmem:s14+$0xFFFFFFE0];
	[tilespmem:s16+$0xFFFFFF90] =	vst v3  }
0x14c: {  	v3 =	vld [tilespmem:s14+$0xFFFFFFA0];
	_ =	sdelay $0x2  }
0x14d: {  	v4 =	vmul.f32 $8.000000000e+00, v4  }
0x14e: {  	[tilespmem:s13+$0xFFFFFFE0] =	vst v6;
	v6 =	vmul.f32 $8.000000000e+00, v7  }
0x14f: {  	[tilespmem:s13+$0xFFFFFFA0] =	vst v4;
	v7 =	vld [tilespmem:s1+$0xFFFFFFF0];
	v3 =	vmul.f32 $8.000000000e+00, v3  }
0x150: {  	v4 =	vld [tilespmem:s1+$0xFFFFFFB0];
	[tilespmem:s15+$0xFFFFFFE0] =	vst v6  }
0x151: {  	v6 =	vld [tilespmem:s14+$0xFFFFFFF0];
	[tilespmem:s15+$0xFFFFFFA0] =	vst v3  }
0x152: {  	v3 =	vld [tilespmem:s14+$0xFFFFFFB0]  }
0x153: {  	v2 =	vmul.f32 $8.000000000e+00, v2  }
0x154: {  	[tilespmem:s31+$0xFFFFFFF0] =	vst v5;
	v5 =	vmul.f32 $8.000000000e+00, v7  }
0x155: {  	[tilespmem:s31+$0xFFFFFFB0] =	vst v2;
	v2 =	vld [tilespmem:s0+$0x0];
	v4 =	vmul.f32 $8.000000000e+00, v4  }
0x156: {  	[tilespmem:s13+$0xFFFFFFF0] =	vst v5;
	v5 =	vld [tilespmem:s0+$0xFFFFFFC0];
	v6 =	vmul.f32 $8.000000000e+00, v6  }
0x157: {  	[tilespmem:s13+$0xFFFFFFB0] =	vst v4;
	v4 =	vld [tilespmem:s1+$0x0];
	v3 =	vmul.f32 $8.000000000e+00, v3  }
0x158: {  	v0 =	vmul.f32 $8.000000000e+00, v0;
	[tilespmem:s15+$0xFFFFFFF0] =	vst v6;
	v6 =	vld [tilespmem:s1+$0xFFFFFFC0]  }
0x159: {  	v1 =	vmul.f32 $8.000000000e+00, v1;
	[tilespmem:s15+$0xFFFFFFB0] =	vst v3;
	v3 =	vld [tilespmem:s14+$0x0]  }
0x15a: {  	[tilespmem:s9+$0x0] =	vst v0;
	v0 =	vmul.f32 $8.000000000e+00, v2;
	v2 =	vld [tilespmem:s14+$0xFFFFFFC0]  }
0x15b: {  	[tilespmem:s9+$0xFFFFFFC0] =	vst v1;
	v1 =	vmul.f32 $8.000000000e+00, v5  }
0x15c: {  	[tilespmem:s31+$0x0] =	vst v0;
	v0 =	vmul.f32 $8.000000000e+00, v4  }
0x15d: {  	[tilespmem:s31+$0xFFFFFFC0] =	vst v1;
	v1 =	vmul.f32 $8.000000000e+00, v6  }
0x15e: {  	[tilespmem:s13+$0x0] =	vst v0;
	v0 =	vmul.f32 $8.000000000e+00, v3  }
0x15f: {  	[tilespmem:s13+$0xFFFFFFC0] =	vst v1;
	v1 =	vmul.f32 $8.000000000e+00, v2  }
0x160: {  	[tilespmem:s15+$0x0] =	vst v0  }
0x161: {  	[tilespmem:s15+$0xFFFFFFC0] =	vst v1  }
0x162: {  	v0 =	vld [tilespmem:s30+$0xFFFFFFD0];
	_ =	sdelay $0x3  }
0x163: {  	v1 =	vld [tilespmem:s30+$0xFFFFFF90]  }
0x164: {  	v0 =	vmul.f32 $8.000000000e+00, v0  }
0x165: {  	s0 =	simm.s32 $0x42F0  }
0x166: {  	[tilespmem:s28+$0xFFFFFFD0] =	vst v0;
	v0 =	vld [tilespmem:s0+$0xFFFFFFD0]  }
0x167: {  	v2 =	vld [tilespmem:s30+$0xFFFFFFE0]  }
0x168: {  	v1 =	vmul.f32 $8.000000000e+00, v1;
	_ =	sdelay $0x1  }
0x169: {  	[tilespmem:s28+$0xFFFFFF90] =	vst v1;
	v1 =	vld [tilespmem:s0+$0xFFFFFF90]  }
0x16a: {  	v3 =	vld [tilespmem:s30+$0xFFFFFFA0];
	v0 =	vmul.f32 $8.000000000e+00, v0  }
0x16b: {  	s9 =	simm.s32 $0x10AF0;
	s1 =	simm.s32 $0x4370;
	v2 =	vmul.f32 $8.000000000e+00, v2  }
0x16c: {  	[tilespmem:s9+$0xFFFFFFD0] =	vst v0;
	v0 =	vld [tilespmem:s1+$0xFFFFFFD0]  }
0x16d: {  	[tilespmem:s28+$0xFFFFFFE0] =	vst v2;
	v2 =	vld [tilespmem:s0+$0xFFFFFFE0]  }
0x16e: {  	v1 =	vmul.f32 $8.000000000e+00, v1;
	v4 =	vld [tilespmem:s30+$0xFFFFFFF0]  }
0x16f: {  	v3 =	vmul.f32 $8.000000000e+00, v3  }
0x170: {  	[tilespmem:s9+$0xFFFFFF90] =	vst v1;
	v1 =	vld [tilespmem:s1+$0xFFFFFF90]  }
0x171: {  	[tilespmem:s28+$0xFFFFFFA0] =	vst v3;
	v3 =	vld [tilespmem:s0+$0xFFFFFFA0];
	v0 =	vmul.f32 $8.000000000e+00, v0  }
0x172: {  	s14 =	simm.s32 $0x43F0;
	s13 =	simm.s32 $0x10B70;
	v5 =	vld [tilespmem:s30+$0xFFFFFFB0];
	v2 =	vmul.f32 $8.000000000e+00, v2  }
0x173: {  	[tilespmem:s13+$0xFFFFFFD0] =	vst v0;
	v0 =	vmul.f32 $8.000000000e+00, v4;
	v4 =	vld [tilespmem:s14+$0xFFFFFFD0]  }
0x174: {  	[tilespmem:s9+$0xFFFFFFE0] =	vst v2;
	v6 =	vld [tilespmem:s1+$0xFFFFFFE0]  }
0x175: {  	v1 =	vmul.f32 $8.000000000e+00, v1;
	[tilespmem:s28+$0xFFFFFFF0] =	vst v0;
	v7 =	vld [tilespmem:s0+$0xFFFFFFF0]  }
0x176: {  	v2 =	vmul.f32 $8.000000000e+00, v3;
	v0 =	vld [tilespmem:s30+$0x0]  }
0x177: {  	[tilespmem:s13+$0xFFFFFF90] =	vst v1;
	v1 =	vmul.f32 $8.000000000e+00, v5;
	v3 =	vld [tilespmem:s14+$0xFFFFFF90]  }
0x178: {  	[tilespmem:s9+$0xFFFFFFA0] =	vst v2;
	v5 =	vmul.f32 $8.000000000e+00, v4;
	v4 =	vld [tilespmem:s1+$0xFFFFFFA0]  }
0x179: {  	s16 =	simm.s32 $0x10BF0;
	[tilespmem:s28+$0xFFFFFFB0] =	vst v1;
	v2 =	vld [tilespmem:s0+$0xFFFFFFB0];
	v6 =	vmul.f32 $8.000000000e+00, v6  }
0x17a: {  	s17 =	simm.s32 $0x6;
	s18 =	simm.s32 $0x4470;
	s15 =	simm.s32 $0x10BF0;
	v1 =	vld [tilespmem:s30+$0xFFFFFFC0];
	[tilespmem:s16+$0xFFFFFFD0] =	vst v5;
	v5 =	vmul.f32 $8.000000000e+00, v7  }
.LBB2_13:
0x17b: {  	v7 =	vld [tilespmem:s18+$0xFFFFFFD0];
	[tilespmem:s13+$0xFFFFFFE0] =	vst v6;
	v0 =	vmul.f32 $8.000000000e+00, v0;
	s19 =	smov.u32 s0;
	s0 =	smov.u32 s1;
	s1 =	smov.u32 s14  }
0x17c: {  	s14 =	smov.u32 s18;
	s17 =	sadd.s32 $0x2, s17;
	v3 =	vmul.f32 $8.000000000e+00, v3;
	v6 =	vld [tilespmem:s1+$0xFFFFFFE0];
	[tilespmem:s9+$0xFFFFFFF0] =	vst v5  }
0x17d: {  	p1 =	slt.u32 s17, $0x30;
	v4 =	vmul.f32 $8.000000000e+00, v4;
	v5 =	vld [tilespmem:s0+$0xFFFFFFF0];
	[tilespmem:s28+$0x0] =	vst v0  }
.Ltmp5:
0x17e: {  	[tilespmem:s16+$0xFFFFFF90] =	vst v3;
	v2 =	vmul.f32 $8.000000000e+00, v2;
	v0 =	vld [tilespmem:s19+$0x0];
	(pc) =	sbr.rel @p1 .LBB2_13-.Ltmp5, $4  }
0x17f: {  	v3 =	vld [tilespmem:s18+$0xFFFFFF90];
	[tilespmem:s13+$0xFFFFFFA0] =	vst v4;
	v1 =	vmul.f32 $8.000000000e+00, v1  }
0x180: {  	v7 =	vmul.f32 $8.000000000e+00, v7;
	v4 =	vld [tilespmem:s1+$0xFFFFFFA0];
	[tilespmem:s9+$0xFFFFFFB0] =	vst v2  }
0x181: {  	s16 =	sadd.s32 $0x80, s16;
	v6 =	vmul.f32 $8.000000000e+00, v6;
	v2 =	vld [tilespmem:s0+$0xFFFFFFB0];
	[tilespmem:s28+$0xFFFFFFC0] =	vst v1;
	s28 =	smov.u32 s9;
	s9 =	smov.u32 s13  }
0x182: {  	s18 =	sadd.s32 $0x80, s18;
	s13 =	smov.u32 s15;
	s15 =	smov.u32 s16;
	[tilespmem:s16+$0xFFFFFFD0] =	vst v7;
	v5 =	vmul.f32 $8.000000000e+00, v5;
	v1 =	vld [tilespmem:s19+$0xFFFFFFC0]  }
0x183: {  	_ = 	snop  }
0x184: {  	v3 =	vmul.f32 $8.000000000e+00, v3;
	_ =	sdelay $0x1  }
0x185: {  	v7 =	vld [tilespmem:s14+$0xFFFFFFE0];
	[tilespmem:s16+$0xFFFFFF90] =	vst v3  }
0x186: {  	v3 =	vld [tilespmem:s14+$0xFFFFFFA0];
	_ =	sdelay $0x2  }
0x187: {  	v4 =	vmul.f32 $8.000000000e+00, v4  }
0x188: {  	[tilespmem:s13+$0xFFFFFFE0] =	vst v6;
	v6 =	vmul.f32 $8.000000000e+00, v7  }
0x189: {  	[tilespmem:s13+$0xFFFFFFA0] =	vst v4;
	v7 =	vld [tilespmem:s1+$0xFFFFFFF0];
	v3 =	vmul.f32 $8.000000000e+00, v3  }
0x18a: {  	v4 =	vld [tilespmem:s1+$0xFFFFFFB0];
	[tilespmem:s15+$0xFFFFFFE0] =	vst v6  }
0x18b: {  	v6 =	vld [tilespmem:s14+$0xFFFFFFF0];
	[tilespmem:s15+$0xFFFFFFA0] =	vst v3  }
0x18c: {  	v3 =	vld [tilespmem:s14+$0xFFFFFFB0]  }
0x18d: {  	v2 =	vmul.f32 $8.000000000e+00, v2  }
0x18e: {  	[tilespmem:s9+$0xFFFFFFF0] =	vst v5;
	v5 =	vmul.f32 $8.000000000e+00, v7  }
0x18f: {  	[tilespmem:s9+$0xFFFFFFB0] =	vst v2;
	v2 =	vld [tilespmem:s0+$0x0];
	v4 =	vmul.f32 $8.000000000e+00, v4  }
0x190: {  	[tilespmem:s13+$0xFFFFFFF0] =	vst v5;
	v5 =	vld [tilespmem:s0+$0xFFFFFFC0];
	v6 =	vmul.f32 $8.000000000e+00, v6  }
0x191: {  	[tilespmem:s13+$0xFFFFFFB0] =	vst v4;
	v4 =	vld [tilespmem:s1+$0x0];
	v3 =	vmul.f32 $8.000000000e+00, v3  }
0x192: {  	v0 =	vmul.f32 $8.000000000e+00, v0;
	[tilespmem:s15+$0xFFFFFFF0] =	vst v6;
	v6 =	vld [tilespmem:s1+$0xFFFFFFC0]  }
0x193: {  	v1 =	vmul.f32 $8.000000000e+00, v1;
	[tilespmem:s15+$0xFFFFFFB0] =	vst v3;
	v3 =	vld [tilespmem:s14+$0x0]  }
0x194: {  	[tilespmem:s28+$0x0] =	vst v0;
	v0 =	vmul.f32 $8.000000000e+00, v2;
	v2 =	vld [tilespmem:s14+$0xFFFFFFC0]  }
0x195: {  	[tilespmem:s28+$0xFFFFFFC0] =	vst v1;
	v1 =	vmul.f32 $8.000000000e+00, v5  }
0x196: {  	[tilespmem:s9+$0x0] =	vst v0;
	v0 =	vmul.f32 $8.000000000e+00, v4  }
0x197: {  	[tilespmem:s9+$0xFFFFFFC0] =	vst v1;
	v1 =	vmul.f32 $8.000000000e+00, v6  }
0x198: {  	[tilespmem:s13+$0x0] =	vst v0;
	v0 =	vmul.f32 $8.000000000e+00, v3  }
0x199: {  	[tilespmem:s13+$0xFFFFFFC0] =	vst v1;
	v1 =	vmul.f32 $8.000000000e+00, v2  }
0x19a: {  	[tilespmem:s15+$0x0] =	vst v0  }
0x19b: {  	s9 =	simm.s32 $0x0;
	[tilespmem:s15+$0xFFFFFFC0] =	vst v1  }
0x19c: {  	v3 =	vld [tilespmem:s9+$0x4EF0]  }
0x19d: {  	v5 =	vld [tilespmem:s9+$0x4E80]  }
0x19e: {  	v4 =	vld [tilespmem:s9+$0x4E90]  }
0x19f: {  	v2 =	vld [tilespmem:s9+$0x4EA0]  }
0x1a0: {  	v1 =	vld [tilespmem:s9+$0x4EB0]  }
0x1a1: {  	v0 =	vld [tilespmem:s9+$0x4EC0];
	v6 =	vmul.f32 $8.000000000e+00, v3  }
0x1a2: {  	s0 =	simm.s32 $0x0;
	s1 =	simm.s32 $0x0;
	s13 =	simm.s32 $0x200;
	v5 =	vmul.f32 $8.000000000e+00, v5;
	v3 =	vld [tilespmem:s9+$0x4ED0]  }
.LBB2_15:
0x1a3: {  	s14 =	sshra.s32 s13, $0x2;
	s1 =	sadd.s32 $0x2, s1;
	v4 =	vmul.f32 $8.000000000e+00, v4;
	v7 =	vld [tilespmem:s0+$0x4EE0];
	[tilespmem:s0+$0x116F0] =	vst v6  }
0x1a4: {  	v6 =	vld [tilespmem:s14+$0x4EF0];
	p1 =	slt.u32 s1, $0x30;
	[tilespmem:s0+$0x11680] =	vst v5;
	v2 =	vmul.f32 $8.000000000e+00, v2  }
0x1a5: {  	v5 =	vld [tilespmem:s14+$0x4E80];
	[tilespmem:s0+$0x11690] =	vst v4;
	v1 =	vmul.f32 $8.000000000e+00, v1  }
.Ltmp6:
0x1a6: {  	v4 =	vld [tilespmem:s14+$0x4E90];
	[tilespmem:s0+$0x116A0] =	vst v2;
	v0 =	vmul.f32 $8.000000000e+00, v0;
	(pc) =	sbr.rel @p1 .LBB2_15-.Ltmp6, $4  }
0x1a7: {  	v2 =	vld [tilespmem:s14+$0x4EA0];
	[tilespmem:s0+$0x116B0] =	vst v1;
	v3 =	vmul.f32 $8.000000000e+00, v3  }
0x1a8: {  	v1 =	vld [tilespmem:s14+$0x4EB0];
	[tilespmem:s0+$0x116C0] =	vst v0;
	v7 =	vmul.f32 $8.000000000e+00, v7  }
0x1a9: {  	v0 =	vld [tilespmem:s14+$0x4EC0];
	v6 =	vmul.f32 $8.000000000e+00, v6;
	[tilespmem:s0+$0x116D0] =	vst v3  }
0x1aa: {  	s13 =	sadd.s32 $0x200, s13;
	v5 =	vmul.f32 $8.000000000e+00, v5;
	v3 =	vld [tilespmem:s14+$0x4ED0];
	[tilespmem:s0+$0x116E0] =	vst v7;
	s0 =	smov.u32 s14  }
0x1ab: {  	v7 =	vld [tilespmem:s0+$0x4EE0];
	v4 =	vmul.f32 $8.000000000e+00, v4;
	[tilespmem:s0+$0x116F0] =	vst v6  }
0x1ac: {  	[tilespmem:s0+$0x11680] =	vst v5;
	v2 =	vmul.f32 $8.000000000e+00, v2  }
0x1ad: {  	[tilespmem:s0+$0x11690] =	vst v4;
	v1 =	vmul.f32 $8.000000000e+00, v1  }
0x1ae: {  	[tilespmem:s0+$0x116A0] =	vst v2;
	v0 =	vmul.f32 $8.000000000e+00, v0  }
0x1af: {  	[tilespmem:s0+$0x116B0] =	vst v1;
	v1 =	vmul.f32 $8.000000000e+00, v3  }
0x1b0: {  	[tilespmem:s0+$0x116C0] =	vst v0;
	v0 =	vmul.f32 $8.000000000e+00, v7  }
0x1b1: {  	[tilespmem:s0+$0x116D0] =	vst v1  }
0x1b2: {  	[tilespmem:s0+$0x116E0] =	vst v0  }
0x1b3: {  	v3 =	vld [tilespmem:s9+$0x5B70]  }
0x1b4: {  	v5 =	vld [tilespmem:s9+$0x5B00]  }
0x1b5: {  	v4 =	vld [tilespmem:s9+$0x5B10]  }
0x1b6: {  	v2 =	vld [tilespmem:s9+$0x5B20]  }
0x1b7: {  	v1 =	vld [tilespmem:s9+$0x5B30]  }
0x1b8: {  	v0 =	vld [tilespmem:s9+$0x5B40];
	v6 =	vmul.f32 $8.000000000e+00, v3  }
0x1b9: {  	s1 =	simm.s32 $0x200;
	s0 =	simm.s32 $0x0;
	v5 =	vmul.f32 $8.000000000e+00, v5;
	v3 =	vld [tilespmem:s9+$0x5B50]  }
.LBB2_17:
0x1ba: {  	s13 =	sshra.s32 s1, $0x2;
	s0 =	sadd.s32 $0x2, s0;
	v4 =	vmul.f32 $8.000000000e+00, v4;
	v7 =	vld [tilespmem:s9+$0x5B60];
	[tilespmem:s9+$0x12370] =	vst v6  }
0x1bb: {  	v6 =	vld [tilespmem:s13+$0x5B70];
	p1 =	slt.u32 s0, $0x30;
	[tilespmem:s9+$0x12300] =	vst v5;
	v2 =	vmul.f32 $8.000000000e+00, v2  }
0x1bc: {  	v5 =	vld [tilespmem:s13+$0x5B00];
	[tilespmem:s9+$0x12310] =	vst v4;
	v1 =	vmul.f32 $8.000000000e+00, v1  }
.Ltmp7:
0x1bd: {  	v4 =	vld [tilespmem:s13+$0x5B10];
	[tilespmem:s9+$0x12320] =	vst v2;
	v0 =	vmul.f32 $8.000000000e+00, v0;
	(pc) =	sbr.rel @p1 .LBB2_17-.Ltmp7, $4  }
0x1be: {  	v2 =	vld [tilespmem:s13+$0x5B20];
	[tilespmem:s9+$0x12330] =	vst v1;
	v3 =	vmul.f32 $8.000000000e+00, v3  }
0x1bf: {  	v1 =	vld [tilespmem:s13+$0x5B30];
	[tilespmem:s9+$0x12340] =	vst v0;
	v7 =	vmul.f32 $8.000000000e+00, v7  }
0x1c0: {  	v0 =	vld [tilespmem:s13+$0x5B40];
	v6 =	vmul.f32 $8.000000000e+00, v6;
	[tilespmem:s9+$0x12350] =	vst v3  }
0x1c1: {  	s1 =	sadd.s32 $0x200, s1;
	v5 =	vmul.f32 $8.000000000e+00, v5;
	v3 =	vld [tilespmem:s13+$0x5B50];
	[tilespmem:s9+$0x12360] =	vst v7;
	s9 =	smov.u32 s13  }
0x1c2: {  	v7 =	vld [tilespmem:s9+$0x5B60];
	v4 =	vmul.f32 $8.000000000e+00, v4;
	[tilespmem:s9+$0x12370] =	vst v6  }
0x1c3: {  	[tilespmem:s9+$0x12300] =	vst v5;
	v2 =	vmul.f32 $8.000000000e+00, v2  }
0x1c4: {  	[tilespmem:s9+$0x12310] =	vst v4;
	v1 =	vmul.f32 $8.000000000e+00, v1  }
0x1c5: {  	[tilespmem:s9+$0x12320] =	vst v2;
	v0 =	vmul.f32 $8.000000000e+00, v0  }
0x1c6: {  	s0 =	sadd.s32 s4, s26;
	[tilespmem:s9+$0x12330] =	vst v1;
	v62 =	vmul.f32 $8.000000000e+00, v3  }
0x1c7: {  	s0 =	smul.u32 $0x380, s0;
	[tilespmem:s9+$0x12340] =	vst v0;
	v63 =	vmul.f32 $8.000000000e+00, v7  }
0x1c8: {  	[tilespmem:s9+$0x12350] =	vst v62  }
0x1c9: {  	s1 =	simm.s32 $0xCB80;
	s0 =	sadd.s32 s6, s0;
	[tilespmem:s9+$0x12360] =	vst v63  }
0x1ca: {  	[hbm4b:s0+s23] =	stream.strided.scatter [tilespmem:s1], [sflag:$0x3], $0xC80, s24, s23, $0x38;
	[tilespmem:$0x19380] =	vst v63  }
0x1cb: {  	s31 =	simm.s32 $0xD800;
	s30 =	sadd.s32 $0x380, s0  }
0x1cc: {  	[hbm4b:s30+s23] =	stream.strided.scatter [tilespmem:s31], [sflag:$0x3], $0xC80, s24, s23, $0x38;
	[tilespmem:$0x19380] =	vst v63  }
0x1cd: {  	s13 =	simm.s32 $0xE480;
	s9 =	sadd.s32 $0x700, s0  }
0x1ce: {  	[hbm4b:s9+s23] =	stream.strided.scatter [tilespmem:s13], [sflag:$0x3], $0xC80, s24, s23, $0x38;
	[tilespmem:$0x19380] =	vst v63  }
0x1cf: {  	s15 =	simm.s32 $0xF100;
	s14 =	sadd.s32 $0xA80, s0  }
0x1d0: {  	[hbm4b:s14+s23] =	stream.strided.scatter [tilespmem:s15], [sflag:$0x3], $0xC80, s24, s23, $0x38;
	[tilespmem:$0x19380] =	vst v63  }
0x1d1: {  	s17 =	simm.s32 $0xFD80;
	s16 =	sadd.s32 $0xE00, s0  }
0x1d2: {  	[hbm4b:s16+s23] =	stream.strided.scatter [tilespmem:s17], [sflag:$0x3], $0xC80, s24, s23, $0x38;
	[tilespmem:$0x19380] =	vst v63  }
0x1d3: {  	s19 =	simm.s32 $0x10A00;
	p1 =	sne.s32 s21, $0x1F;
	s18 =	sadd.s32 $0x1180, s0  }
0x1d4: {  	[hbm4b:s18+s23] =	stream.strided.scatter [tilespmem:s19], [sflag:$0x3], $0xC80, s24, s23, $0x38;
	[tilespmem:$0x19380] =	vst v63  }
.Ltmp8:
0x1d5: {  	_ = 	snop;
	(pc) =	sbr.rel @p1 .LBB2_20-.Ltmp8, $4  }
0x1d6: {  	s28 =	sadd.s32 $0x1500, s0;
	s30 =	simm.s32 $0x11680  }
0x1d7: {  	[hbm4b:s28+s23] =	stream.strided.scatter [tilespmem:s30], [sflag:$0x3], $0xC80, s24, s23, $0x38;
	[tilespmem:$0x19380] =	vst v63  }
0x1d8: {  	s0 =	sadd.s32 $0x1880, s0;
	s31 =	simm.s32 $0x12300  }
0x1d9: {  	[hbm4b:s0+s23] =	stream.strided.scatter [tilespmem:s31], [sflag:$0x3], $0xC80, s24, s23, $0x38;
	[tilespmem:$0x19380] =	vst v63  }
.Ltmp9:
0x1da: {  	(pc) =	sbr.rel .LBB2_21-.Ltmp9, $4  }
0x1db: {  	_ = 	snop  }
0x1dc: {  	_ =	swait.ge [sflag:s7], $0x6400  }
0x1dd: {  	[sflag:s7] =	ssyncset.done $0x0  }
0x1de: {  	[sflag:s7] =	ssyncadd.s32 $0xFFFF9C00  }
.LBB2_20:
0x1df: {  	s0 =	rddreg [dreg:$0x4]  }
0x1e0: {  	s0 =	sadd.s32 s26, s0  }
0x1e1: {  	s0 =	smul.u32 $0x7, s0;
	_ =	sdelay $0x1  }
0x1e2: {  	s0 =	sadd.s32 s2, s0  }
0x1e3: {  	[tilespmem:s3], [sflag:$0x5] =	stream.linear.gather [hbm4b:s0+s3], $0x1C0, $0x38;
	[tilespmem:$0x19380] =	vst v63  }
0x1e4: {  	_ =	swait.ge [sflag:s11], $0x1C0  }
0x1e5: {  	[sflag:s11] =	ssyncset.done $0x0  }
0x1e6: {  	s30 =	simm.s32 $0x380;
	[sflag:s11] =	ssyncadd.s32 $0xFFFFFE40  }
0x1e7: {  	[tilespmem:s30], [sflag:$0x1] =	stream.indirect.gather [hbm4b:s5+s12], $0x40, s3, s12, $0xb8;
	[tilespmem:$0x19380] =	vst v63  }
0x1e8: {  	s31 =	simm.s32 $0x38;
	s1 =	simm.s32 $0x1000  }
0x1e9: {  	[tilespmem:s1], [sflag:$0x1] =	stream.indirect.gather [hbm4b:s5+s12], $0x40, s31, s12, $0xb8;
	[tilespmem:$0x19380] =	vst v63  }
0x1ea: {  	s9 =	simm.s32 $0x70;
	s13 =	simm.s32 $0x1C80  }
0x1eb: {  	[tilespmem:s13], [sflag:$0x1] =	stream.indirect.gather [hbm4b:s5+s12], $0x40, s9, s12, $0xb8;
	[tilespmem:$0x19380] =	vst v63  }
0x1ec: {  	s14 =	simm.s32 $0xA8;
	s15 =	simm.s32 $0x2900  }
0x1ed: {  	[tilespmem:s15], [sflag:$0x1] =	stream.indirect.gather [hbm4b:s5+s12], $0x40, s14, s12, $0xb8;
	[tilespmem:$0x19380] =	vst v63  }
0x1ee: {  	s16 =	simm.s32 $0xE0;
	s17 =	simm.s32 $0x3580  }
0x1ef: {  	[tilespmem:s17], [sflag:$0x1] =	stream.indirect.gather [hbm4b:s5+s12], $0x40, s16, s12, $0xb8;
	[tilespmem:$0x19380] =	vst v63  }
0x1f0: {  	s18 =	simm.s32 $0x118;
	s19 =	simm.s32 $0x4200  }
0x1f1: {  	[tilespmem:s19], [sflag:$0x1] =	stream.indirect.gather [hbm4b:s5+s12], $0x40, s18, s12, $0xb8;
	[tilespmem:$0x19380] =	vst v63  }
0x1f2: {  	s28 =	simm.s32 $0x4E80;
	s26 =	simm.s32 $0x150  }
0x1f3: {  	[tilespmem:s28], [sflag:$0x1] =	stream.indirect.gather [hbm4b:s5+s12], $0x40, s26, s12, $0xb8;
	[tilespmem:$0x19380] =	vst v63  }
.Ltmp10:
0x1f4: {  	s30 =	simm.s32 $0x188;
	s31 =	simm.s32 $0x5B00;
	(pc) =	sbr.rel @p0 .LBB2_22-.Ltmp10, $4  }
0x1f5: {  	[tilespmem:s31], [sflag:$0x1] =	stream.indirect.gather [hbm4b:s5+s12], $0x40, s30, s12, $0xb8;
	[tilespmem:$0x19380] =	vst v63  }
0x1f6: {  	_ =	swait.ge [sflag:s7], $0x6400  }
0x1f7: {  	[sflag:s7] =	ssyncset.done $0x0  }
0x1f8: {  	[sflag:s7] =	ssyncadd.s32 $0xFFFF9C00  }
.LBB2_21:
0x1f9: {  	_ =	swait.ge [sflag:s10], $0x6400  }
0x1fa: {  	[sflag:s10] =	ssyncset.done $0x0  }
0x1fb: {  	[sflag:s10] =	ssyncadd.s32 $0xFFFF9C00  }
.LBB2_22:
0x1fc: {  	s9 =	simm.s32 $0x67C0  }
0x1fd: {  	v0 =	vld [tilespmem:s9+$0x0];
	_ =	sdelay $0x3  }
0x1fe: {  	v1 =	vld [tilespmem:s9+$0xFFFFFFC0]  }
0x1ff: {  	v0 =	vmul.f32 $8.000000000e+00, v0  }
0x200: {  	s26 =	simm.s32 $0x12FC0;
	s0 =	simm.s32 $0x6840  }
0x201: {  	[tilespmem:s26+$0x0] =	vst v0;
	v0 =	vld [tilespmem:s0+$0x0]  }
0x202: {  	v2 =	vld [tilespmem:s9+$0x10]  }
0x203: {  	v1 =	vmul.f32 $8.000000000e+00, v1;
	_ =	sdelay $0x1  }
0x204: {  	[tilespmem:s26+$0xFFFFFFC0] =	vst v1;
	v1 =	vld [tilespmem:s0+$0xFFFFFFC0]  }
0x205: {  	v3 =	vld [tilespmem:s9+$0xFFFFFFD0];
	v0 =	vmul.f32 $8.000000000e+00, v0  }
0x206: {  	s30 =	simm.s32 $0x13040;
	s1 =	simm.s32 $0x68C0;
	v2 =	vmul.f32 $8.000000000e+00, v2  }
0x207: {  	[tilespmem:s30+$0x0] =	vst v0;
	v0 =	vld [tilespmem:s1+$0x0]  }
0x208: {  	[tilespmem:s26+$0x10] =	vst v2;
	v2 =	vld [tilespmem:s0+$0x10]  }
0x209: {  	v1 =	vmul.f32 $8.000000000e+00, v1;
	v4 =	vld [tilespmem:s9+$0x20]  }
0x20a: {  	v3 =	vmul.f32 $8.000000000e+00, v3  }
0x20b: {  	[tilespmem:s30+$0xFFFFFFC0] =	vst v1;
	v1 =	vld [tilespmem:s1+$0xFFFFFFC0]  }
0x20c: {  	[tilespmem:s26+$0xFFFFFFD0] =	vst v3;
	v3 =	vld [tilespmem:s0+$0xFFFFFFD0];
	v0 =	vmul.f32 $8.000000000e+00, v0  }
0x20d: {  	s13 =	simm.s32 $0x130C0;
	s14 =	simm.s32 $0x6940;
	v5 =	vld [tilespmem:s9+$0xFFFFFFE0];
	v2 =	vmul.f32 $8.000000000e+00, v2  }
0x20e: {  	[tilespmem:s13+$0x0] =	vst v0;
	v0 =	vmul.f32 $8.000000000e+00, v4;
	v4 =	vld [tilespmem:s14+$0x0]  }
0x20f: {  	[tilespmem:s30+$0x10] =	vst v2;
	v6 =	vld [tilespmem:s1+$0x10]  }
0x210: {  	v1 =	vmul.f32 $8.000000000e+00, v1;
	[tilespmem:s26+$0x20] =	vst v0;
	v7 =	vld [tilespmem:s0+$0x20]  }
0x211: {  	v2 =	vmul.f32 $8.000000000e+00, v3;
	v0 =	vld [tilespmem:s9+$0x30]  }
0x212: {  	[tilespmem:s13+$0xFFFFFFC0] =	vst v1;
	v1 =	vmul.f32 $8.000000000e+00, v5;
	v3 =	vld [tilespmem:s14+$0xFFFFFFC0]  }
0x213: {  	[tilespmem:s30+$0xFFFFFFD0] =	vst v2;
	v5 =	vmul.f32 $8.000000000e+00, v4;
	v4 =	vld [tilespmem:s1+$0xFFFFFFD0]  }
0x214: {  	s16 =	simm.s32 $0x13140;
	[tilespmem:s26+$0xFFFFFFE0] =	vst v1;
	v2 =	vld [tilespmem:s0+$0xFFFFFFE0];
	v6 =	vmul.f32 $8.000000000e+00, v6  }
0x215: {  	s17 =	simm.s32 $0x6;
	s18 =	simm.s32 $0x69C0;
	s15 =	simm.s32 $0x13140;
	v1 =	vld [tilespmem:s9+$0xFFFFFFF0];
	[tilespmem:s16+$0x0] =	vst v5;
	v5 =	vmul.f32 $8.000000000e+00, v7  }
.LBB2_23:
0x216: {  	v7 =	vld [tilespmem:s18+$0x0];
	[tilespmem:s13+$0x10] =	vst v6;
	v0 =	vmul.f32 $8.000000000e+00, v0;
	s19 =	smov.u32 s0;
	s0 =	smov.u32 s1;
	s1 =	smov.u32 s14  }
0x217: {  	s14 =	smov.u32 s18;
	s17 =	sadd.s32 $0x2, s17;
	v3 =	vmul.f32 $8.000000000e+00, v3;
	v6 =	vld [tilespmem:s1+$0x10];
	[tilespmem:s30+$0x20] =	vst v5  }
0x218: {  	s28 =	simm.s32 $0x7470;
	s9 =	simm.s32 $0x13C70;
	p0 =	slt.u32 s17, $0x30;
	v4 =	vmul.f32 $8.000000000e+00, v4;
	v5 =	vld [tilespmem:s0+$0x20];
	[tilespmem:s26+$0x30] =	vst v0  }
.Ltmp11:
0x219: {  	[tilespmem:s16+$0xFFFFFFC0] =	vst v3;
	v2 =	vmul.f32 $8.000000000e+00, v2;
	v0 =	vld [tilespmem:s19+$0x30];
	(pc) =	sbr.rel @p0 .LBB2_23-.Ltmp11, $4  }
0x21a: {  	v3 =	vld [tilespmem:s18+$0xFFFFFFC0];
	[tilespmem:s13+$0xFFFFFFD0] =	vst v4;
	v1 =	vmul.f32 $8.000000000e+00, v1  }
0x21b: {  	v7 =	vmul.f32 $8.000000000e+00, v7;
	v4 =	vld [tilespmem:s1+$0xFFFFFFD0];
	[tilespmem:s30+$0xFFFFFFE0] =	vst v2  }
0x21c: {  	s16 =	sadd.s32 $0x80, s16;
	v6 =	vmul.f32 $8.000000000e+00, v6;
	v2 =	vld [tilespmem:s0+$0xFFFFFFE0];
	[tilespmem:s26+$0xFFFFFFF0] =	vst v1;
	s26 =	smov.u32 s30;
	s30 =	smov.u32 s13  }
0x21d: {  	s18 =	sadd.s32 $0x80, s18;
	s13 =	smov.u32 s15;
	s15 =	smov.u32 s16;
	[tilespmem:s16+$0x0] =	vst v7;
	v5 =	vmul.f32 $8.000000000e+00, v5;
	v1 =	vld [tilespmem:s19+$0xFFFFFFF0]  }
0x21e: {  	_ = 	snop  }
0x21f: {  	v3 =	vmul.f32 $8.000000000e+00, v3;
	_ =	sdelay $0x1  }
0x220: {  	v7 =	vld [tilespmem:s14+$0x10];
	[tilespmem:s16+$0xFFFFFFC0] =	vst v3  }
0x221: {  	v3 =	vld [tilespmem:s14+$0xFFFFFFD0];
	_ =	sdelay $0x2  }
0x222: {  	v4 =	vmul.f32 $8.000000000e+00, v4  }
0x223: {  	[tilespmem:s13+$0x10] =	vst v6;
	v6 =	vmul.f32 $8.000000000e+00, v7  }
0x224: {  	[tilespmem:s13+$0xFFFFFFD0] =	vst v4;
	v7 =	vld [tilespmem:s1+$0x20];
	v3 =	vmul.f32 $8.000000000e+00, v3  }
0x225: {  	v4 =	vld [tilespmem:s1+$0xFFFFFFE0];
	[tilespmem:s15+$0x10] =	vst v6  }
0x226: {  	v6 =	vld [tilespmem:s14+$0x20];
	[tilespmem:s15+$0xFFFFFFD0] =	vst v3  }
0x227: {  	v3 =	vld [tilespmem:s14+$0xFFFFFFE0]  }
0x228: {  	v2 =	vmul.f32 $8.000000000e+00, v2  }
0x229: {  	[tilespmem:s30+$0x20] =	vst v5;
	v5 =	vmul.f32 $8.000000000e+00, v7  }
0x22a: {  	[tilespmem:s30+$0xFFFFFFE0] =	vst v2;
	v2 =	vld [tilespmem:s0+$0x30];
	v4 =	vmul.f32 $8.000000000e+00, v4  }
0x22b: {  	[tilespmem:s13+$0x20] =	vst v5;
	v5 =	vld [tilespmem:s0+$0xFFFFFFF0];
	v6 =	vmul.f32 $8.000000000e+00, v6  }
0x22c: {  	[tilespmem:s13+$0xFFFFFFE0] =	vst v4;
	v4 =	vld [tilespmem:s1+$0x30];
	v3 =	vmul.f32 $8.000000000e+00, v3  }
0x22d: {  	v0 =	vmul.f32 $8.000000000e+00, v0;
	[tilespmem:s15+$0x20] =	vst v6;
	v6 =	vld [tilespmem:s1+$0xFFFFFFF0]  }
0x22e: {  	v1 =	vmul.f32 $8.000000000e+00, v1;
	[tilespmem:s15+$0xFFFFFFE0] =	vst v3;
	v3 =	vld [tilespmem:s14+$0x30]  }
0x22f: {  	[tilespmem:s26+$0x30] =	vst v0;
	v0 =	vmul.f32 $8.000000000e+00, v2;
	v2 =	vld [tilespmem:s14+$0xFFFFFFF0]  }
0x230: {  	[tilespmem:s26+$0xFFFFFFF0] =	vst v1;
	v1 =	vmul.f32 $8.000000000e+00, v5  }
0x231: {  	[tilespmem:s30+$0x30] =	vst v0;
	v0 =	vmul.f32 $8.000000000e+00, v4  }
0x232: {  	[tilespmem:s30+$0xFFFFFFF0] =	vst v1;
	v1 =	vmul.f32 $8.000000000e+00, v6  }
0x233: {  	[tilespmem:s13+$0x30] =	vst v0;
	v0 =	vmul.f32 $8.000000000e+00, v3  }
0x234: {  	[tilespmem:s13+$0xFFFFFFF0] =	vst v1;
	v1 =	vmul.f32 $8.000000000e+00, v2  }
0x235: {  	[tilespmem:s15+$0x30] =	vst v0  }
0x236: {  	[tilespmem:s15+$0xFFFFFFF0] =	vst v1  }
0x237: {  	v0 =	vld [tilespmem:s28+$0xFFFFFFD0];
	_ =	sdelay $0x3  }
0x238: {  	v1 =	vld [tilespmem:s28+$0xFFFFFF90]  }
0x239: {  	v0 =	vmul.f32 $8.000000000e+00, v0  }
0x23a: {  	s0 =	simm.s32 $0x74F0  }
0x23b: {  	[tilespmem:s9+$0xFFFFFFD0] =	vst v0;
	v0 =	vld [tilespmem:s0+$0xFFFFFFD0]  }
0x23c: {  	v2 =	vld [tilespmem:s28+$0xFFFFFFE0]  }
0x23d: {  	v1 =	vmul.f32 $8.000000000e+00, v1;
	_ =	sdelay $0x1  }
0x23e: {  	[tilespmem:s9+$0xFFFFFF90] =	vst v1;
	v1 =	vld [tilespmem:s0+$0xFFFFFF90]  }
0x23f: {  	v3 =	vld [tilespmem:s28+$0xFFFFFFA0];
	v0 =	vmul.f32 $8.000000000e+00, v0  }
0x240: {  	s1 =	simm.s32 $0x7570;
	s30 =	simm.s32 $0x13CF0;
	v2 =	vmul.f32 $8.000000000e+00, v2  }
0x241: {  	[tilespmem:s30+$0xFFFFFFD0] =	vst v0;
	v0 =	vld [tilespmem:s1+$0xFFFFFFD0]  }
0x242: {  	[tilespmem:s9+$0xFFFFFFE0] =	vst v2;
	v2 =	vld [tilespmem:s0+$0xFFFFFFE0]  }
0x243: {  	v1 =	vmul.f32 $8.000000000e+00, v1;
	v4 =	vld [tilespmem:s28+$0xFFFFFFF0]  }
0x244: {  	v3 =	vmul.f32 $8.000000000e+00, v3  }
0x245: {  	[tilespmem:s30+$0xFFFFFF90] =	vst v1;
	v1 =	vld [tilespmem:s1+$0xFFFFFF90]  }
0x246: {  	[tilespmem:s9+$0xFFFFFFA0] =	vst v3;
	v3 =	vld [tilespmem:s0+$0xFFFFFFA0];
	v0 =	vmul.f32 $8.000000000e+00, v0  }
0x247: {  	s14 =	simm.s32 $0x75F0;
	s13 =	simm.s32 $0x13D70;
	v5 =	vld [tilespmem:s28+$0xFFFFFFB0];
	v2 =	vmul.f32 $8.000000000e+00, v2  }
0x248: {  	[tilespmem:s13+$0xFFFFFFD0] =	vst v0;
	v0 =	vmul.f32 $8.000000000e+00, v4;
	v4 =	vld [tilespmem:s14+$0xFFFFFFD0]  }
0x249: {  	[tilespmem:s30+$0xFFFFFFE0] =	vst v2;
	v6 =	vld [tilespmem:s1+$0xFFFFFFE0]  }
0x24a: {  	v1 =	vmul.f32 $8.000000000e+00, v1;
	[tilespmem:s9+$0xFFFFFFF0] =	vst v0;
	v7 =	vld [tilespmem:s0+$0xFFFFFFF0]  }
0x24b: {  	v2 =	vmul.f32 $8.000000000e+00, v3;
	v0 =	vld [tilespmem:s28+$0x0]  }
0x24c: {  	[tilespmem:s13+$0xFFFFFF90] =	vst v1;
	v1 =	vmul.f32 $8.000000000e+00, v5;
	v3 =	vld [tilespmem:s14+$0xFFFFFF90]  }
0x24d: {  	[tilespmem:s30+$0xFFFFFFA0] =	vst v2;
	v5 =	vmul.f32 $8.000000000e+00, v4;
	v4 =	vld [tilespmem:s1+$0xFFFFFFA0]  }
0x24e: {  	s16 =	simm.s32 $0x13DF0;
	[tilespmem:s9+$0xFFFFFFB0] =	vst v1;
	v2 =	vld [tilespmem:s0+$0xFFFFFFB0];
	v6 =	vmul.f32 $8.000000000e+00, v6  }
0x24f: {  	s17 =	simm.s32 $0x6;
	s18 =	simm.s32 $0x7670;
	s15 =	simm.s32 $0x13DF0;
	v1 =	vld [tilespmem:s28+$0xFFFFFFC0];
	[tilespmem:s16+$0xFFFFFFD0] =	vst v5;
	v5 =	vmul.f32 $8.000000000e+00, v7  }
.LBB2_25:
0x250: {  	v7 =	vld [tilespmem:s18+$0xFFFFFFD0];
	[tilespmem:s13+$0xFFFFFFE0] =	vst v6;
	v0 =	vmul.f32 $8.000000000e+00, v0;
	s19 =	smov.u32 s0;
	s0 =	smov.u32 s1;
	s1 =	smov.u32 s14  }
0x251: {  	s14 =	smov.u32 s18;
	s17 =	sadd.s32 $0x2, s17;
	v3 =	vmul.f32 $8.000000000e+00, v3;
	v6 =	vld [tilespmem:s1+$0xFFFFFFE0];
	[tilespmem:s30+$0xFFFFFFF0] =	vst v5  }
0x252: {  	s28 =	simm.s32 $0x80F0;
	s26 =	simm.s32 $0x148F0;
	p0 =	slt.u32 s17, $0x30;
	v4 =	vmul.f32 $8.000000000e+00, v4;
	v5 =	vld [tilespmem:s0+$0xFFFFFFF0];
	[tilespmem:s9+$0x0] =	vst v0  }
.Ltmp12:
0x253: {  	[tilespmem:s16+$0xFFFFFF90] =	vst v3;
	v2 =	vmul.f32 $8.000000000e+00, v2;
	v0 =	vld [tilespmem:s19+$0x0];
	(pc) =	sbr.rel @p0 .LBB2_25-.Ltmp12, $4  }
0x254: {  	v3 =	vld [tilespmem:s18+$0xFFFFFF90];
	[tilespmem:s13+$0xFFFFFFA0] =	vst v4;
	v1 =	vmul.f32 $8.000000000e+00, v1  }
0x255: {  	v7 =	vmul.f32 $8.000000000e+00, v7;
	v4 =	vld [tilespmem:s1+$0xFFFFFFA0];
	[tilespmem:s30+$0xFFFFFFB0] =	vst v2  }
0x256: {  	s16 =	sadd.s32 $0x80, s16;
	v6 =	vmul.f32 $8.000000000e+00, v6;
	v2 =	vld [tilespmem:s0+$0xFFFFFFB0];
	[tilespmem:s9+$0xFFFFFFC0] =	vst v1;
	s9 =	smov.u32 s30;
	s30 =	smov.u32 s13  }
0x257: {  	s18 =	sadd.s32 $0x80, s18;
	s13 =	smov.u32 s15;
	s15 =	smov.u32 s16;
	[tilespmem:s16+$0xFFFFFFD0] =	vst v7;
	v5 =	vmul.f32 $8.000000000e+00, v5;
	v1 =	vld [tilespmem:s19+$0xFFFFFFC0]  }
0x258: {  	_ = 	snop  }
0x259: {  	v3 =	vmul.f32 $8.000000000e+00, v3;
	_ =	sdelay $0x1  }
0x25a: {  	v7 =	vld [tilespmem:s14+$0xFFFFFFE0];
	[tilespmem:s16+$0xFFFFFF90] =	vst v3  }
0x25b: {  	v3 =	vld [tilespmem:s14+$0xFFFFFFA0];
	_ =	sdelay $0x2  }
0x25c: {  	v4 =	vmul.f32 $8.000000000e+00, v4  }
0x25d: {  	[tilespmem:s13+$0xFFFFFFE0] =	vst v6;
	v6 =	vmul.f32 $8.000000000e+00, v7  }
0x25e: {  	[tilespmem:s13+$0xFFFFFFA0] =	vst v4;
	v7 =	vld [tilespmem:s1+$0xFFFFFFF0];
	v3 =	vmul.f32 $8.000000000e+00, v3  }
0x25f: {  	v4 =	vld [tilespmem:s1+$0xFFFFFFB0];
	[tilespmem:s15+$0xFFFFFFE0] =	vst v6  }
0x260: {  	v6 =	vld [tilespmem:s14+$0xFFFFFFF0];
	[tilespmem:s15+$0xFFFFFFA0] =	vst v3  }
0x261: {  	v3 =	vld [tilespmem:s14+$0xFFFFFFB0]  }
0x262: {  	v2 =	vmul.f32 $8.000000000e+00, v2  }
0x263: {  	[tilespmem:s30+$0xFFFFFFF0] =	vst v5;
	v5 =	vmul.f32 $8.000000000e+00, v7  }
0x264: {  	[tilespmem:s30+$0xFFFFFFB0] =	vst v2;
	v2 =	vld [tilespmem:s0+$0x0];
	v4 =	vmul.f32 $8.000000000e+00, v4  }
0x265: {  	[tilespmem:s13+$0xFFFFFFF0] =	vst v5;
	v5 =	vld [tilespmem:s0+$0xFFFFFFC0];
	v6 =	vmul.f32 $8.000000000e+00, v6  }
0x266: {  	[tilespmem:s13+$0xFFFFFFB0] =	vst v4;
	v4 =	vld [tilespmem:s1+$0x0];
	v3 =	vmul.f32 $8.000000000e+00, v3  }
0x267: {  	v0 =	vmul.f32 $8.000000000e+00, v0;
	[tilespmem:s15+$0xFFFFFFF0] =	vst v6;
	v6 =	vld [tilespmem:s1+$0xFFFFFFC0]  }
0x268: {  	v1 =	vmul.f32 $8.000000000e+00, v1;
	[tilespmem:s15+$0xFFFFFFB0] =	vst v3;
	v3 =	vld [tilespmem:s14+$0x0]  }
0x269: {  	[tilespmem:s9+$0x0] =	vst v0;
	v0 =	vmul.f32 $8.000000000e+00, v2;
	v2 =	vld [tilespmem:s14+$0xFFFFFFC0]  }
0x26a: {  	[tilespmem:s9+$0xFFFFFFC0] =	vst v1;
	v1 =	vmul.f32 $8.000000000e+00, v5  }
0x26b: {  	[tilespmem:s30+$0x0] =	vst v0;
	v0 =	vmul.f32 $8.000000000e+00, v4  }
0x26c: {  	[tilespmem:s30+$0xFFFFFFC0] =	vst v1;
	v1 =	vmul.f32 $8.000000000e+00, v6  }
0x26d: {  	[tilespmem:s13+$0x0] =	vst v0;
	v0 =	vmul.f32 $8.000000000e+00, v3  }
0x26e: {  	[tilespmem:s13+$0xFFFFFFC0] =	vst v1;
	v1 =	vmul.f32 $8.000000000e+00, v2  }
0x26f: {  	[tilespmem:s15+$0x0] =	vst v0  }
0x270: {  	[tilespmem:s15+$0xFFFFFFC0] =	vst v1  }
0x271: {  	v0 =	vld [tilespmem:s28+$0xFFFFFFD0];
	_ =	sdelay $0x3  }
0x272: {  	v1 =	vld [tilespmem:s28+$0xFFFFFF90]  }
0x273: {  	v0 =	vmul.f32 $8.000000000e+00, v0  }
0x274: {  	s0 =	simm.s32 $0x8170  }
0x275: {  	[tilespmem:s26+$0xFFFFFFD0] =	vst v0;
	v0 =	vld [tilespmem:s0+$0xFFFFFFD0]  }
0x276: {  	v2 =	vld [tilespmem:s28+$0xFFFFFFE0]  }
0x277: {  	v1 =	vmul.f32 $8.000000000e+00, v1;
	_ =	sdelay $0x1  }
0x278: {  	[tilespmem:s26+$0xFFFFFF90] =	vst v1;
	v1 =	vld [tilespmem:s0+$0xFFFFFF90]  }
0x279: {  	v3 =	vld [tilespmem:s28+$0xFFFFFFA0];
	v0 =	vmul.f32 $8.000000000e+00, v0  }
0x27a: {  	s1 =	simm.s32 $0x81F0;
	s30 =	simm.s32 $0x14970;
	v2 =	vmul.f32 $8.000000000e+00, v2  }
0x27b: {  	[tilespmem:s30+$0xFFFFFFD0] =	vst v0;
	v0 =	vld [tilespmem:s1+$0xFFFFFFD0]  }
0x27c: {  	[tilespmem:s26+$0xFFFFFFE0] =	vst v2;
	v2 =	vld [tilespmem:s0+$0xFFFFFFE0]  }
0x27d: {  	v1 =	vmul.f32 $8.000000000e+00, v1;
	v4 =	vld [tilespmem:s28+$0xFFFFFFF0]  }
0x27e: {  	v3 =	vmul.f32 $8.000000000e+00, v3  }
0x27f: {  	[tilespmem:s30+$0xFFFFFF90] =	vst v1;
	v1 =	vld [tilespmem:s1+$0xFFFFFF90]  }
0x280: {  	[tilespmem:s26+$0xFFFFFFA0] =	vst v3;
	v3 =	vld [tilespmem:s0+$0xFFFFFFA0];
	v0 =	vmul.f32 $8.000000000e+00, v0  }
0x281: {  	s14 =	simm.s32 $0x8270;
	s13 =	simm.s32 $0x149F0;
	v5 =	vld [tilespmem:s28+$0xFFFFFFB0];
	v2 =	vmul.f32 $8.000000000e+00, v2  }
0x282: {  	[tilespmem:s13+$0xFFFFFFD0] =	vst v0;
	v0 =	vmul.f32 $8.000000000e+00, v4;
	v4 =	vld [tilespmem:s14+$0xFFFFFFD0]  }
0x283: {  	[tilespmem:s30+$0xFFFFFFE0] =	vst v2;
	v6 =	vld [tilespmem:s1+$0xFFFFFFE0]  }
0x284: {  	v1 =	vmul.f32 $8.000000000e+00, v1;
	[tilespmem:s26+$0xFFFFFFF0] =	vst v0;
	v7 =	vld [tilespmem:s0+$0xFFFFFFF0]  }
0x285: {  	v2 =	vmul.f32 $8.000000000e+00, v3;
	v0 =	vld [tilespmem:s28+$0x0]  }
0x286: {  	[tilespmem:s13+$0xFFFFFF90] =	vst v1;
	v1 =	vmul.f32 $8.000000000e+00, v5;
	v3 =	vld [tilespmem:s14+$0xFFFFFF90]  }
0x287: {  	[tilespmem:s30+$0xFFFFFFA0] =	vst v2;
	v5 =	vmul.f32 $8.000000000e+00, v4;
	v4 =	vld [tilespmem:s1+$0xFFFFFFA0]  }
0x288: {  	s16 =	simm.s32 $0x14A70;
	[tilespmem:s26+$0xFFFFFFB0] =	vst v1;
	v2 =	vld [tilespmem:s0+$0xFFFFFFB0];
	v6 =	vmul.f32 $8.000000000e+00, v6  }
0x289: {  	s17 =	simm.s32 $0x6;
	s18 =	simm.s32 $0x82F0;
	s15 =	simm.s32 $0x14A70;
	v1 =	vld [tilespmem:s28+$0xFFFFFFC0];
	[tilespmem:s16+$0xFFFFFFD0] =	vst v5;
	v5 =	vmul.f32 $8.000000000e+00, v7  }
.LBB2_27:
0x28a: {  	v7 =	vld [tilespmem:s18+$0xFFFFFFD0];
	[tilespmem:s13+$0xFFFFFFE0] =	vst v6;
	v0 =	vmul.f32 $8.000000000e+00, v0;
	s19 =	smov.u32 s0;
	s0 =	smov.u32 s1;
	s1 =	smov.u32 s14  }
0x28b: {  	s14 =	smov.u32 s18;
	s17 =	sadd.s32 $0x2, s17;
	v3 =	vmul.f32 $8.000000000e+00, v3;
	v6 =	vld [tilespmem:s1+$0xFFFFFFE0];
	[tilespmem:s30+$0xFFFFFFF0] =	vst v5  }
0x28c: {  	s28 =	simm.s32 $0x8D70;
	s9 =	simm.s32 $0x15570;
	p0 =	slt.u32 s17, $0x30;
	v4 =	vmul.f32 $8.000000000e+00, v4;
	v5 =	vld [tilespmem:s0+$0xFFFFFFF0];
	[tilespmem:s26+$0x0] =	vst v0  }
.Ltmp13:
0x28d: {  	[tilespmem:s16+$0xFFFFFF90] =	vst v3;
	v2 =	vmul.f32 $8.000000000e+00, v2;
	v0 =	vld [tilespmem:s19+$0x0];
	(pc) =	sbr.rel @p0 .LBB2_27-.Ltmp13, $4  }
0x28e: {  	v3 =	vld [tilespmem:s18+$0xFFFFFF90];
	[tilespmem:s13+$0xFFFFFFA0] =	vst v4;
	v1 =	vmul.f32 $8.000000000e+00, v1  }
0x28f: {  	v7 =	vmul.f32 $8.000000000e+00, v7;
	v4 =	vld [tilespmem:s1+$0xFFFFFFA0];
	[tilespmem:s30+$0xFFFFFFB0] =	vst v2  }
0x290: {  	s16 =	sadd.s32 $0x80, s16;
	v6 =	vmul.f32 $8.000000000e+00, v6;
	v2 =	vld [tilespmem:s0+$0xFFFFFFB0];
	[tilespmem:s26+$0xFFFFFFC0] =	vst v1;
	s26 =	smov.u32 s30;
	s30 =	smov.u32 s13  }
0x291: {  	s18 =	sadd.s32 $0x80, s18;
	s13 =	smov.u32 s15;
	s15 =	smov.u32 s16;
	[tilespmem:s16+$0xFFFFFFD0] =	vst v7;
	v5 =	vmul.f32 $8.000000000e+00, v5;
	v1 =	vld [tilespmem:s19+$0xFFFFFFC0]  }
0x292: {  	_ = 	snop  }
0x293: {  	v3 =	vmul.f32 $8.000000000e+00, v3;
	_ =	sdelay $0x1  }
0x294: {  	v7 =	vld [tilespmem:s14+$0xFFFFFFE0];
	[tilespmem:s16+$0xFFFFFF90] =	vst v3  }
0x295: {  	v3 =	vld [tilespmem:s14+$0xFFFFFFA0];
	_ =	sdelay $0x2  }
0x296: {  	v4 =	vmul.f32 $8.000000000e+00, v4  }
0x297: {  	[tilespmem:s13+$0xFFFFFFE0] =	vst v6;
	v6 =	vmul.f32 $8.000000000e+00, v7  }
0x298: {  	[tilespmem:s13+$0xFFFFFFA0] =	vst v4;
	v7 =	vld [tilespmem:s1+$0xFFFFFFF0];
	v3 =	vmul.f32 $8.000000000e+00, v3  }
0x299: {  	v4 =	vld [tilespmem:s1+$0xFFFFFFB0];
	[tilespmem:s15+$0xFFFFFFE0] =	vst v6  }
0x29a: {  	v6 =	vld [tilespmem:s14+$0xFFFFFFF0];
	[tilespmem:s15+$0xFFFFFFA0] =	vst v3  }
0x29b: {  	v3 =	vld [tilespmem:s14+$0xFFFFFFB0]  }
0x29c: {  	v2 =	vmul.f32 $8.000000000e+00, v2  }
0x29d: {  	[tilespmem:s30+$0xFFFFFFF0] =	vst v5;
	v5 =	vmul.f32 $8.000000000e+00, v7  }
0x29e: {  	[tilespmem:s30+$0xFFFFFFB0] =	vst v2;
	v2 =	vld [tilespmem:s0+$0x0];
	v4 =	vmul.f32 $8.000000000e+00, v4  }
0x29f: {  	[tilespmem:s13+$0xFFFFFFF0] =	vst v5;
	v5 =	vld [tilespmem:s0+$0xFFFFFFC0];
	v6 =	vmul.f32 $8.000000000e+00, v6  }
0x2a0: {  	[tilespmem:s13+$0xFFFFFFB0] =	vst v4;
	v4 =	vld [tilespmem:s1+$0x0];
	v3 =	vmul.f32 $8.000000000e+00, v3  }
0x2a1: {  	v0 =	vmul.f32 $8.000000000e+00, v0;
	[tilespmem:s15+$0xFFFFFFF0] =	vst v6;
	v6 =	vld [tilespmem:s1+$0xFFFFFFC0]  }
0x2a2: {  	v1 =	vmul.f32 $8.000000000e+00, v1;
	[tilespmem:s15+$0xFFFFFFB0] =	vst v3;
	v3 =	vld [tilespmem:s14+$0x0]  }
0x2a3: {  	[tilespmem:s26+$0x0] =	vst v0;
	v0 =	vmul.f32 $8.000000000e+00, v2;
	v2 =	vld [tilespmem:s14+$0xFFFFFFC0]  }
0x2a4: {  	[tilespmem:s26+$0xFFFFFFC0] =	vst v1;
	v1 =	vmul.f32 $8.000000000e+00, v5  }
0x2a5: {  	[tilespmem:s30+$0x0] =	vst v0;
	v0 =	vmul.f32 $8.000000000e+00, v4  }
0x2a6: {  	[tilespmem:s30+$0xFFFFFFC0] =	vst v1;
	v1 =	vmul.f32 $8.000000000e+00, v6  }
0x2a7: {  	[tilespmem:s13+$0x0] =	vst v0;
	v0 =	vmul.f32 $8.000000000e+00, v3  }
0x2a8: {  	[tilespmem:s13+$0xFFFFFFC0] =	vst v1;
	v1 =	vmul.f32 $8.000000000e+00, v2  }
0x2a9: {  	[tilespmem:s15+$0x0] =	vst v0  }
0x2aa: {  	[tilespmem:s15+$0xFFFFFFC0] =	vst v1  }
0x2ab: {  	v0 =	vld [tilespmem:s28+$0xFFFFFFD0];
	_ =	sdelay $0x3  }
0x2ac: {  	v1 =	vld [tilespmem:s28+$0xFFFFFF90]  }
0x2ad: {  	v0 =	vmul.f32 $8.000000000e+00, v0  }
0x2ae: {  	s0 =	simm.s32 $0x8DF0  }
0x2af: {  	[tilespmem:s9+$0xFFFFFFD0] =	vst v0;
	v0 =	vld [tilespmem:s0+$0xFFFFFFD0]  }
0x2b0: {  	v2 =	vld [tilespmem:s28+$0xFFFFFFE0]  }
0x2b1: {  	v1 =	vmul.f32 $8.000000000e+00, v1;
	_ =	sdelay $0x1  }
0x2b2: {  	[tilespmem:s9+$0xFFFFFF90] =	vst v1;
	v1 =	vld [tilespmem:s0+$0xFFFFFF90]  }
0x2b3: {  	v3 =	vld [tilespmem:s28+$0xFFFFFFA0];
	v0 =	vmul.f32 $8.000000000e+00, v0  }
0x2b4: {  	s1 =	simm.s32 $0x8E70;
	s30 =	simm.s32 $0x155F0;
	v2 =	vmul.f32 $8.000000000e+00, v2  }
0x2b5: {  	[tilespmem:s30+$0xFFFFFFD0] =	vst v0;
	v0 =	vld [tilespmem:s1+$0xFFFFFFD0]  }
0x2b6: {  	[tilespmem:s9+$0xFFFFFFE0] =	vst v2;
	v2 =	vld [tilespmem:s0+$0xFFFFFFE0]  }
0x2b7: {  	v1 =	vmul.f32 $8.000000000e+00, v1;
	v4 =	vld [tilespmem:s28+$0xFFFFFFF0]  }
0x2b8: {  	v3 =	vmul.f32 $8.000000000e+00, v3  }
0x2b9: {  	[tilespmem:s30+$0xFFFFFF90] =	vst v1;
	v1 =	vld [tilespmem:s1+$0xFFFFFF90]  }
0x2ba: {  	[tilespmem:s9+$0xFFFFFFA0] =	vst v3;
	v3 =	vld [tilespmem:s0+$0xFFFFFFA0];
	v0 =	vmul.f32 $8.000000000e+00, v0  }
0x2bb: {  	s14 =	simm.s32 $0x8EF0;
	s13 =	simm.s32 $0x15670;
	v5 =	vld [tilespmem:s28+$0xFFFFFFB0];
	v2 =	vmul.f32 $8.000000000e+00, v2  }
0x2bc: {  	[tilespmem:s13+$0xFFFFFFD0] =	vst v0;
	v0 =	vmul.f32 $8.000000000e+00, v4;
	v4 =	vld [tilespmem:s14+$0xFFFFFFD0]  }
0x2bd: {  	[tilespmem:s30+$0xFFFFFFE0] =	vst v2;
	v6 =	vld [tilespmem:s1+$0xFFFFFFE0]  }
0x2be: {  	v1 =	vmul.f32 $8.000000000e+00, v1;
	[tilespmem:s9+$0xFFFFFFF0] =	vst v0;
	v7 =	vld [tilespmem:s0+$0xFFFFFFF0]  }
0x2bf: {  	v2 =	vmul.f32 $8.000000000e+00, v3;
	v0 =	vld [tilespmem:s28+$0x0]  }
0x2c0: {  	[tilespmem:s13+$0xFFFFFF90] =	vst v1;
	v1 =	vmul.f32 $8.000000000e+00, v5;
	v3 =	vld [tilespmem:s14+$0xFFFFFF90]  }
0x2c1: {  	[tilespmem:s30+$0xFFFFFFA0] =	vst v2;
	v5 =	vmul.f32 $8.000000000e+00, v4;
	v4 =	vld [tilespmem:s1+$0xFFFFFFA0]  }
0x2c2: {  	s16 =	simm.s32 $0x156F0;
	[tilespmem:s9+$0xFFFFFFB0] =	vst v1;
	v2 =	vld [tilespmem:s0+$0xFFFFFFB0];
	v6 =	vmul.f32 $8.000000000e+00, v6  }
0x2c3: {  	s17 =	simm.s32 $0x6;
	s18 =	simm.s32 $0x8F70;
	s15 =	simm.s32 $0x156F0;
	v1 =	vld [tilespmem:s28+$0xFFFFFFC0];
	[tilespmem:s16+$0xFFFFFFD0] =	vst v5;
	v5 =	vmul.f32 $8.000000000e+00, v7  }
.LBB2_29:
0x2c4: {  	v7 =	vld [tilespmem:s18+$0xFFFFFFD0];
	[tilespmem:s13+$0xFFFFFFE0] =	vst v6;
	v0 =	vmul.f32 $8.000000000e+00, v0;
	s19 =	smov.u32 s0;
	s0 =	smov.u32 s1;
	s1 =	smov.u32 s14  }
0x2c5: {  	s14 =	smov.u32 s18;
	s17 =	sadd.s32 $0x2, s17;
	v3 =	vmul.f32 $8.000000000e+00, v3;
	v6 =	vld [tilespmem:s1+$0xFFFFFFE0];
	[tilespmem:s30+$0xFFFFFFF0] =	vst v5  }
0x2c6: {  	s28 =	simm.s32 $0x99F0;
	s26 =	simm.s32 $0x161F0;
	p0 =	slt.u32 s17, $0x30;
	v4 =	vmul.f32 $8.000000000e+00, v4;
	v5 =	vld [tilespmem:s0+$0xFFFFFFF0];
	[tilespmem:s9+$0x0] =	vst v0  }
.Ltmp14:
0x2c7: {  	[tilespmem:s16+$0xFFFFFF90] =	vst v3;
	v2 =	vmul.f32 $8.000000000e+00, v2;
	v0 =	vld [tilespmem:s19+$0x0];
	(pc) =	sbr.rel @p0 .LBB2_29-.Ltmp14, $4  }
0x2c8: {  	v3 =	vld [tilespmem:s18+$0xFFFFFF90];
	[tilespmem:s13+$0xFFFFFFA0] =	vst v4;
	v1 =	vmul.f32 $8.000000000e+00, v1  }
0x2c9: {  	v7 =	vmul.f32 $8.000000000e+00, v7;
	v4 =	vld [tilespmem:s1+$0xFFFFFFA0];
	[tilespmem:s30+$0xFFFFFFB0] =	vst v2  }
0x2ca: {  	s16 =	sadd.s32 $0x80, s16;
	v6 =	vmul.f32 $8.000000000e+00, v6;
	v2 =	vld [tilespmem:s0+$0xFFFFFFB0];
	[tilespmem:s9+$0xFFFFFFC0] =	vst v1;
	s9 =	smov.u32 s30;
	s30 =	smov.u32 s13  }
0x2cb: {  	s18 =	sadd.s32 $0x80, s18;
	s13 =	smov.u32 s15;
	s15 =	smov.u32 s16;
	[tilespmem:s16+$0xFFFFFFD0] =	vst v7;
	v5 =	vmul.f32 $8.000000000e+00, v5;
	v1 =	vld [tilespmem:s19+$0xFFFFFFC0]  }
0x2cc: {  	_ = 	snop  }
0x2cd: {  	v3 =	vmul.f32 $8.000000000e+00, v3;
	_ =	sdelay $0x1  }
0x2ce: {  	v7 =	vld [tilespmem:s14+$0xFFFFFFE0];
	[tilespmem:s16+$0xFFFFFF90] =	vst v3  }
0x2cf: {  	v3 =	vld [tilespmem:s14+$0xFFFFFFA0];
	_ =	sdelay $0x2  }
0x2d0: {  	v4 =	vmul.f32 $8.000000000e+00, v4  }
0x2d1: {  	[tilespmem:s13+$0xFFFFFFE0] =	vst v6;
	v6 =	vmul.f32 $8.000000000e+00, v7  }
0x2d2: {  	[tilespmem:s13+$0xFFFFFFA0] =	vst v4;
	v7 =	vld [tilespmem:s1+$0xFFFFFFF0];
	v3 =	vmul.f32 $8.000000000e+00, v3  }
0x2d3: {  	v4 =	vld [tilespmem:s1+$0xFFFFFFB0];
	[tilespmem:s15+$0xFFFFFFE0] =	vst v6  }
0x2d4: {  	v6 =	vld [tilespmem:s14+$0xFFFFFFF0];
	[tilespmem:s15+$0xFFFFFFA0] =	vst v3  }
0x2d5: {  	v3 =	vld [tilespmem:s14+$0xFFFFFFB0]  }
0x2d6: {  	v2 =	vmul.f32 $8.000000000e+00, v2  }
0x2d7: {  	[tilespmem:s30+$0xFFFFFFF0] =	vst v5;
	v5 =	vmul.f32 $8.000000000e+00, v7  }
0x2d8: {  	[tilespmem:s30+$0xFFFFFFB0] =	vst v2;
	v2 =	vld [tilespmem:s0+$0x0];
	v4 =	vmul.f32 $8.000000000e+00, v4  }
0x2d9: {  	[tilespmem:s13+$0xFFFFFFF0] =	vst v5;
	v5 =	vld [tilespmem:s0+$0xFFFFFFC0];
	v6 =	vmul.f32 $8.000000000e+00, v6  }
0x2da: {  	[tilespmem:s13+$0xFFFFFFB0] =	vst v4;
	v4 =	vld [tilespmem:s1+$0x0];
	v3 =	vmul.f32 $8.000000000e+00, v3  }
0x2db: {  	v0 =	vmul.f32 $8.000000000e+00, v0;
	[tilespmem:s15+$0xFFFFFFF0] =	vst v6;
	v6 =	vld [tilespmem:s1+$0xFFFFFFC0]  }
0x2dc: {  	v1 =	vmul.f32 $8.000000000e+00, v1;
	[tilespmem:s15+$0xFFFFFFB0] =	vst v3;
	v3 =	vld [tilespmem:s14+$0x0]  }
0x2dd: {  	[tilespmem:s9+$0x0] =	vst v0;
	v0 =	vmul.f32 $8.000000000e+00, v2;
	v2 =	vld [tilespmem:s14+$0xFFFFFFC0]  }
0x2de: {  	[tilespmem:s9+$0xFFFFFFC0] =	vst v1;
	v1 =	vmul.f32 $8.000000000e+00, v5  }
0x2df: {  	[tilespmem:s30+$0x0] =	vst v0;
	v0 =	vmul.f32 $8.000000000e+00, v4  }
0x2e0: {  	[tilespmem:s30+$0xFFFFFFC0] =	vst v1;
	v1 =	vmul.f32 $8.000000000e+00, v6  }
0x2e1: {  	[tilespmem:s13+$0x0] =	vst v0;
	v0 =	vmul.f32 $8.000000000e+00, v3  }
0x2e2: {  	[tilespmem:s13+$0xFFFFFFC0] =	vst v1;
	v1 =	vmul.f32 $8.000000000e+00, v2  }
0x2e3: {  	[tilespmem:s15+$0x0] =	vst v0  }
0x2e4: {  	[tilespmem:s15+$0xFFFFFFC0] =	vst v1  }
0x2e5: {  	v0 =	vld [tilespmem:s28+$0xFFFFFFD0];
	_ =	sdelay $0x3  }
0x2e6: {  	v1 =	vld [tilespmem:s28+$0xFFFFFF90]  }
0x2e7: {  	v0 =	vmul.f32 $8.000000000e+00, v0  }
0x2e8: {  	s0 =	simm.s32 $0x9A70  }
0x2e9: {  	[tilespmem:s26+$0xFFFFFFD0] =	vst v0;
	v0 =	vld [tilespmem:s0+$0xFFFFFFD0]  }
0x2ea: {  	v2 =	vld [tilespmem:s28+$0xFFFFFFE0]  }
0x2eb: {  	v1 =	vmul.f32 $8.000000000e+00, v1;
	_ =	sdelay $0x1  }
0x2ec: {  	[tilespmem:s26+$0xFFFFFF90] =	vst v1;
	v1 =	vld [tilespmem:s0+$0xFFFFFF90]  }
0x2ed: {  	v3 =	vld [tilespmem:s28+$0xFFFFFFA0];
	v0 =	vmul.f32 $8.000000000e+00, v0  }
0x2ee: {  	s1 =	simm.s32 $0x9AF0;
	s30 =	simm.s32 $0x16270;
	v2 =	vmul.f32 $8.000000000e+00, v2  }
0x2ef: {  	[tilespmem:s30+$0xFFFFFFD0] =	vst v0;
	v0 =	vld [tilespmem:s1+$0xFFFFFFD0]  }
0x2f0: {  	[tilespmem:s26+$0xFFFFFFE0] =	vst v2;
	v2 =	vld [tilespmem:s0+$0xFFFFFFE0]  }
0x2f1: {  	v1 =	vmul.f32 $8.000000000e+00, v1;
	v4 =	vld [tilespmem:s28+$0xFFFFFFF0]  }
0x2f2: {  	v3 =	vmul.f32 $8.000000000e+00, v3  }
0x2f3: {  	[tilespmem:s30+$0xFFFFFF90] =	vst v1;
	v1 =	vld [tilespmem:s1+$0xFFFFFF90]  }
0x2f4: {  	[tilespmem:s26+$0xFFFFFFA0] =	vst v3;
	v3 =	vld [tilespmem:s0+$0xFFFFFFA0];
	v0 =	vmul.f32 $8.000000000e+00, v0  }
0x2f5: {  	s14 =	simm.s32 $0x9B70;
	s13 =	simm.s32 $0x162F0;
	v5 =	vld [tilespmem:s28+$0xFFFFFFB0];
	v2 =	vmul.f32 $8.000000000e+00, v2  }
0x2f6: {  	[tilespmem:s13+$0xFFFFFFD0] =	vst v0;
	v0 =	vmul.f32 $8.000000000e+00, v4;
	v4 =	vld [tilespmem:s14+$0xFFFFFFD0]  }
0x2f7: {  	[tilespmem:s30+$0xFFFFFFE0] =	vst v2;
	v6 =	vld [tilespmem:s1+$0xFFFFFFE0]  }
0x2f8: {  	v1 =	vmul.f32 $8.000000000e+00, v1;
	[tilespmem:s26+$0xFFFFFFF0] =	vst v0;
	v7 =	vld [tilespmem:s0+$0xFFFFFFF0]  }
0x2f9: {  	v2 =	vmul.f32 $8.000000000e+00, v3;
	v0 =	vld [tilespmem:s28+$0x0]  }
0x2fa: {  	[tilespmem:s13+$0xFFFFFF90] =	vst v1;
	v1 =	vmul.f32 $8.000000000e+00, v5;
	v3 =	vld [tilespmem:s14+$0xFFFFFF90]  }
0x2fb: {  	[tilespmem:s30+$0xFFFFFFA0] =	vst v2;
	v5 =	vmul.f32 $8.000000000e+00, v4;
	v4 =	vld [tilespmem:s1+$0xFFFFFFA0]  }
0x2fc: {  	s16 =	simm.s32 $0x16370;
	[tilespmem:s26+$0xFFFFFFB0] =	vst v1;
	v2 =	vld [tilespmem:s0+$0xFFFFFFB0];
	v6 =	vmul.f32 $8.000000000e+00, v6  }
0x2fd: {  	s17 =	simm.s32 $0x6;
	s18 =	simm.s32 $0x9BF0;
	s15 =	simm.s32 $0x16370;
	v1 =	vld [tilespmem:s28+$0xFFFFFFC0];
	[tilespmem:s16+$0xFFFFFFD0] =	vst v5;
	v5 =	vmul.f32 $8.000000000e+00, v7  }
.LBB2_31:
0x2fe: {  	v7 =	vld [tilespmem:s18+$0xFFFFFFD0];
	[tilespmem:s13+$0xFFFFFFE0] =	vst v6;
	v0 =	vmul.f32 $8.000000000e+00, v0;
	s19 =	smov.u32 s0;
	s0 =	smov.u32 s1;
	s1 =	smov.u32 s14  }
0x2ff: {  	s14 =	smov.u32 s18;
	s17 =	sadd.s32 $0x2, s17;
	v3 =	vmul.f32 $8.000000000e+00, v3;
	v6 =	vld [tilespmem:s1+$0xFFFFFFE0];
	[tilespmem:s30+$0xFFFFFFF0] =	vst v5  }
0x300: {  	s28 =	simm.s32 $0xA670;
	s9 =	simm.s32 $0x16E70;
	p0 =	slt.u32 s17, $0x30;
	v4 =	vmul.f32 $8.000000000e+00, v4;
	v5 =	vld [tilespmem:s0+$0xFFFFFFF0];
	[tilespmem:s26+$0x0] =	vst v0  }
.Ltmp15:
0x301: {  	[tilespmem:s16+$0xFFFFFF90] =	vst v3;
	v2 =	vmul.f32 $8.000000000e+00, v2;
	v0 =	vld [tilespmem:s19+$0x0];
	(pc) =	sbr.rel @p0 .LBB2_31-.Ltmp15, $4  }
0x302: {  	v3 =	vld [tilespmem:s18+$0xFFFFFF90];
	[tilespmem:s13+$0xFFFFFFA0] =	vst v4;
	v1 =	vmul.f32 $8.000000000e+00, v1  }
0x303: {  	v7 =	vmul.f32 $8.000000000e+00, v7;
	v4 =	vld [tilespmem:s1+$0xFFFFFFA0];
	[tilespmem:s30+$0xFFFFFFB0] =	vst v2  }
0x304: {  	s16 =	sadd.s32 $0x80, s16;
	v6 =	vmul.f32 $8.000000000e+00, v6;
	v2 =	vld [tilespmem:s0+$0xFFFFFFB0];
	[tilespmem:s26+$0xFFFFFFC0] =	vst v1;
	s26 =	smov.u32 s30;
	s30 =	smov.u32 s13  }
0x305: {  	s18 =	sadd.s32 $0x80, s18;
	s13 =	smov.u32 s15;
	s15 =	smov.u32 s16;
	[tilespmem:s16+$0xFFFFFFD0] =	vst v7;
	v5 =	vmul.f32 $8.000000000e+00, v5;
	v1 =	vld [tilespmem:s19+$0xFFFFFFC0]  }
0x306: {  	_ = 	snop  }
0x307: {  	v3 =	vmul.f32 $8.000000000e+00, v3;
	_ =	sdelay $0x1  }
0x308: {  	v7 =	vld [tilespmem:s14+$0xFFFFFFE0];
	[tilespmem:s16+$0xFFFFFF90] =	vst v3  }
0x309: {  	v3 =	vld [tilespmem:s14+$0xFFFFFFA0];
	_ =	sdelay $0x2  }
0x30a: {  	v4 =	vmul.f32 $8.000000000e+00, v4  }
0x30b: {  	[tilespmem:s13+$0xFFFFFFE0] =	vst v6;
	v6 =	vmul.f32 $8.000000000e+00, v7  }
0x30c: {  	[tilespmem:s13+$0xFFFFFFA0] =	vst v4;
	v7 =	vld [tilespmem:s1+$0xFFFFFFF0];
	v3 =	vmul.f32 $8.000000000e+00, v3  }
0x30d: {  	v4 =	vld [tilespmem:s1+$0xFFFFFFB0];
	[tilespmem:s15+$0xFFFFFFE0] =	vst v6  }
0x30e: {  	v6 =	vld [tilespmem:s14+$0xFFFFFFF0];
	[tilespmem:s15+$0xFFFFFFA0] =	vst v3  }
0x30f: {  	v3 =	vld [tilespmem:s14+$0xFFFFFFB0]  }
0x310: {  	v2 =	vmul.f32 $8.000000000e+00, v2  }
0x311: {  	[tilespmem:s30+$0xFFFFFFF0] =	vst v5;
	v5 =	vmul.f32 $8.000000000e+00, v7  }
0x312: {  	[tilespmem:s30+$0xFFFFFFB0] =	vst v2;
	v2 =	vld [tilespmem:s0+$0x0];
	v4 =	vmul.f32 $8.000000000e+00, v4  }
0x313: {  	[tilespmem:s13+$0xFFFFFFF0] =	vst v5;
	v5 =	vld [tilespmem:s0+$0xFFFFFFC0];
	v6 =	vmul.f32 $8.000000000e+00, v6  }
0x314: {  	[tilespmem:s13+$0xFFFFFFB0] =	vst v4;
	v4 =	vld [tilespmem:s1+$0x0];
	v3 =	vmul.f32 $8.000000000e+00, v3  }
0x315: {  	v0 =	vmul.f32 $8.000000000e+00, v0;
	[tilespmem:s15+$0xFFFFFFF0] =	vst v6;
	v6 =	vld [tilespmem:s1+$0xFFFFFFC0]  }
0x316: {  	v1 =	vmul.f32 $8.000000000e+00, v1;
	[tilespmem:s15+$0xFFFFFFB0] =	vst v3;
	v3 =	vld [tilespmem:s14+$0x0]  }
0x317: {  	[tilespmem:s26+$0x0] =	vst v0;
	v0 =	vmul.f32 $8.000000000e+00, v2;
	v2 =	vld [tilespmem:s14+$0xFFFFFFC0]  }
0x318: {  	[tilespmem:s26+$0xFFFFFFC0] =	vst v1;
	v1 =	vmul.f32 $8.000000000e+00, v5  }
0x319: {  	[tilespmem:s30+$0x0] =	vst v0;
	v0 =	vmul.f32 $8.000000000e+00, v4  }
0x31a: {  	[tilespmem:s30+$0xFFFFFFC0] =	vst v1;
	v1 =	vmul.f32 $8.000000000e+00, v6  }
0x31b: {  	[tilespmem:s13+$0x0] =	vst v0;
	v0 =	vmul.f32 $8.000000000e+00, v3  }
0x31c: {  	[tilespmem:s13+$0xFFFFFFC0] =	vst v1;
	v1 =	vmul.f32 $8.000000000e+00, v2  }
0x31d: {  	[tilespmem:s15+$0x0] =	vst v0  }
0x31e: {  	[tilespmem:s15+$0xFFFFFFC0] =	vst v1  }
0x31f: {  	v0 =	vld [tilespmem:s28+$0xFFFFFFD0];
	_ =	sdelay $0x3  }
0x320: {  	v1 =	vld [tilespmem:s28+$0xFFFFFF90]  }
0x321: {  	v0 =	vmul.f32 $8.000000000e+00, v0  }
0x322: {  	s0 =	simm.s32 $0xA6F0  }
0x323: {  	[tilespmem:s9+$0xFFFFFFD0] =	vst v0;
	v0 =	vld [tilespmem:s0+$0xFFFFFFD0]  }
0x324: {  	v2 =	vld [tilespmem:s28+$0xFFFFFFE0]  }
0x325: {  	v1 =	vmul.f32 $8.000000000e+00, v1;
	_ =	sdelay $0x1  }
0x326: {  	[tilespmem:s9+$0xFFFFFF90] =	vst v1;
	v1 =	vld [tilespmem:s0+$0xFFFFFF90]  }
0x327: {  	v3 =	vld [tilespmem:s28+$0xFFFFFFA0];
	v0 =	vmul.f32 $8.000000000e+00, v0  }
0x328: {  	s26 =	simm.s32 $0x16EF0;
	s1 =	simm.s32 $0xA770;
	v2 =	vmul.f32 $8.000000000e+00, v2  }
0x329: {  	[tilespmem:s26+$0xFFFFFFD0] =	vst v0;
	v0 =	vld [tilespmem:s1+$0xFFFFFFD0]  }
0x32a: {  	[tilespmem:s9+$0xFFFFFFE0] =	vst v2;
	v2 =	vld [tilespmem:s0+$0xFFFFFFE0]  }
0x32b: {  	v1 =	vmul.f32 $8.000000000e+00, v1;
	v4 =	vld [tilespmem:s28+$0xFFFFFFF0]  }
0x32c: {  	v3 =	vmul.f32 $8.000000000e+00, v3  }
0x32d: {  	[tilespmem:s26+$0xFFFFFF90] =	vst v1;
	v1 =	vld [tilespmem:s1+$0xFFFFFF90]  }
0x32e: {  	[tilespmem:s9+$0xFFFFFFA0] =	vst v3;
	v3 =	vld [tilespmem:s0+$0xFFFFFFA0];
	v0 =	vmul.f32 $8.000000000e+00, v0  }
0x32f: {  	s14 =	simm.s32 $0xA7F0;
	s13 =	simm.s32 $0x16F70;
	v5 =	vld [tilespmem:s28+$0xFFFFFFB0];
	v2 =	vmul.f32 $8.000000000e+00, v2  }
0x330: {  	[tilespmem:s13+$0xFFFFFFD0] =	vst v0;
	v0 =	vmul.f32 $8.000000000e+00, v4;
	v4 =	vld [tilespmem:s14+$0xFFFFFFD0]  }
0x331: {  	[tilespmem:s26+$0xFFFFFFE0] =	vst v2;
	v6 =	vld [tilespmem:s1+$0xFFFFFFE0]  }
0x332: {  	v1 =	vmul.f32 $8.000000000e+00, v1;
	[tilespmem:s9+$0xFFFFFFF0] =	vst v0;
	v7 =	vld [tilespmem:s0+$0xFFFFFFF0]  }
0x333: {  	v2 =	vmul.f32 $8.000000000e+00, v3;
	v0 =	vld [tilespmem:s28+$0x0]  }
0x334: {  	[tilespmem:s13+$0xFFFFFF90] =	vst v1;
	v1 =	vmul.f32 $8.000000000e+00, v5;
	v3 =	vld [tilespmem:s14+$0xFFFFFF90]  }
0x335: {  	[tilespmem:s26+$0xFFFFFFA0] =	vst v2;
	v5 =	vmul.f32 $8.000000000e+00, v4;
	v4 =	vld [tilespmem:s1+$0xFFFFFFA0]  }
0x336: {  	s16 =	simm.s32 $0x16FF0;
	[tilespmem:s9+$0xFFFFFFB0] =	vst v1;
	v2 =	vld [tilespmem:s0+$0xFFFFFFB0];
	v6 =	vmul.f32 $8.000000000e+00, v6  }
0x337: {  	s17 =	simm.s32 $0x6;
	s18 =	simm.s32 $0xA870;
	s15 =	simm.s32 $0x16FF0;
	v1 =	vld [tilespmem:s28+$0xFFFFFFC0];
	[tilespmem:s16+$0xFFFFFFD0] =	vst v5;
	v5 =	vmul.f32 $8.000000000e+00, v7  }
.LBB2_33:
0x338: {  	v7 =	vld [tilespmem:s18+$0xFFFFFFD0];
	[tilespmem:s13+$0xFFFFFFE0] =	vst v6;
	v0 =	vmul.f32 $8.000000000e+00, v0;
	s19 =	smov.u32 s0;
	s0 =	smov.u32 s1;
	s1 =	smov.u32 s14  }
0x339: {  	s14 =	smov.u32 s18;
	s17 =	sadd.s32 $0x2, s17;
	v3 =	vmul.f32 $8.000000000e+00, v3;
	v6 =	vld [tilespmem:s1+$0xFFFFFFE0];
	[tilespmem:s26+$0xFFFFFFF0] =	vst v5  }
0x33a: {  	p0 =	slt.u32 s17, $0x30;
	v4 =	vmul.f32 $8.000000000e+00, v4;
	v5 =	vld [tilespmem:s0+$0xFFFFFFF0];
	[tilespmem:s9+$0x0] =	vst v0  }
.Ltmp16:
0x33b: {  	[tilespmem:s16+$0xFFFFFF90] =	vst v3;
	v2 =	vmul.f32 $8.000000000e+00, v2;
	v0 =	vld [tilespmem:s19+$0x0];
	(pc) =	sbr.rel @p0 .LBB2_33-.Ltmp16, $4  }
0x33c: {  	v3 =	vld [tilespmem:s18+$0xFFFFFF90];
	[tilespmem:s13+$0xFFFFFFA0] =	vst v4;
	v1 =	vmul.f32 $8.000000000e+00, v1  }
0x33d: {  	v7 =	vmul.f32 $8.000000000e+00, v7;
	v4 =	vld [tilespmem:s1+$0xFFFFFFA0];
	[tilespmem:s26+$0xFFFFFFB0] =	vst v2  }
0x33e: {  	s16 =	sadd.s32 $0x80, s16;
	v6 =	vmul.f32 $8.000000000e+00, v6;
	v2 =	vld [tilespmem:s0+$0xFFFFFFB0];
	[tilespmem:s9+$0xFFFFFFC0] =	vst v1;
	s9 =	smov.u32 s26;
	s26 =	smov.u32 s13  }
0x33f: {  	s18 =	sadd.s32 $0x80, s18;
	s13 =	smov.u32 s15;
	s15 =	smov.u32 s16;
	[tilespmem:s16+$0xFFFFFFD0] =	vst v7;
	v5 =	vmul.f32 $8.000000000e+00, v5;
	v1 =	vld [tilespmem:s19+$0xFFFFFFC0]  }
0x340: {  	_ = 	snop  }
0x341: {  	v3 =	vmul.f32 $8.000000000e+00, v3;
	_ =	sdelay $0x1  }
0x342: {  	v7 =	vld [tilespmem:s14+$0xFFFFFFE0];
	[tilespmem:s16+$0xFFFFFF90] =	vst v3  }
0x343: {  	v3 =	vld [tilespmem:s14+$0xFFFFFFA0];
	_ =	sdelay $0x2  }
0x344: {  	v4 =	vmul.f32 $8.000000000e+00, v4  }
0x345: {  	[tilespmem:s13+$0xFFFFFFE0] =	vst v6;
	v6 =	vmul.f32 $8.000000000e+00, v7  }
0x346: {  	[tilespmem:s13+$0xFFFFFFA0] =	vst v4;
	v7 =	vld [tilespmem:s1+$0xFFFFFFF0];
	v3 =	vmul.f32 $8.000000000e+00, v3  }
0x347: {  	v4 =	vld [tilespmem:s1+$0xFFFFFFB0];
	[tilespmem:s15+$0xFFFFFFE0] =	vst v6  }
0x348: {  	v6 =	vld [tilespmem:s14+$0xFFFFFFF0];
	[tilespmem:s15+$0xFFFFFFA0] =	vst v3  }
0x349: {  	v3 =	vld [tilespmem:s14+$0xFFFFFFB0]  }
0x34a: {  	v2 =	vmul.f32 $8.000000000e+00, v2  }
0x34b: {  	[tilespmem:s26+$0xFFFFFFF0] =	vst v5;
	v5 =	vmul.f32 $8.000000000e+00, v7  }
0x34c: {  	[tilespmem:s26+$0xFFFFFFB0] =	vst v2;
	v2 =	vld [tilespmem:s0+$0x0];
	v4 =	vmul.f32 $8.000000000e+00, v4  }
0x34d: {  	[tilespmem:s13+$0xFFFFFFF0] =	vst v5;
	v5 =	vld [tilespmem:s0+$0xFFFFFFC0];
	v6 =	vmul.f32 $8.000000000e+00, v6  }
0x34e: {  	[tilespmem:s13+$0xFFFFFFB0] =	vst v4;
	v4 =	vld [tilespmem:s1+$0x0];
	v3 =	vmul.f32 $8.000000000e+00, v3  }
0x34f: {  	v0 =	vmul.f32 $8.000000000e+00, v0;
	[tilespmem:s15+$0xFFFFFFF0] =	vst v6;
	v6 =	vld [tilespmem:s1+$0xFFFFFFC0]  }
0x350: {  	v1 =	vmul.f32 $8.000000000e+00, v1;
	[tilespmem:s15+$0xFFFFFFB0] =	vst v3;
	v3 =	vld [tilespmem:s14+$0x0]  }
0x351: {  	[tilespmem:s9+$0x0] =	vst v0;
	v0 =	vmul.f32 $8.000000000e+00, v2;
	v2 =	vld [tilespmem:s14+$0xFFFFFFC0]  }
0x352: {  	[tilespmem:s9+$0xFFFFFFC0] =	vst v1;
	v1 =	vmul.f32 $8.000000000e+00, v5  }
0x353: {  	[tilespmem:s26+$0x0] =	vst v0;
	v0 =	vmul.f32 $8.000000000e+00, v4  }
0x354: {  	[tilespmem:s26+$0xFFFFFFC0] =	vst v1;
	v1 =	vmul.f32 $8.000000000e+00, v6  }
0x355: {  	[tilespmem:s13+$0x0] =	vst v0;
	v0 =	vmul.f32 $8.000000000e+00, v3  }
0x356: {  	[tilespmem:s13+$0xFFFFFFC0] =	vst v1;
	v1 =	vmul.f32 $8.000000000e+00, v2  }
0x357: {  	[tilespmem:s15+$0x0] =	vst v0  }
0x358: {  	s9 =	simm.s32 $0x0;
	[tilespmem:s15+$0xFFFFFFC0] =	vst v1  }
0x359: {  	v3 =	vld [tilespmem:s9+$0xB2F0]  }
0x35a: {  	v5 =	vld [tilespmem:s9+$0xB280]  }
0x35b: {  	v4 =	vld [tilespmem:s9+$0xB290]  }
0x35c: {  	v2 =	vld [tilespmem:s9+$0xB2A0]  }
0x35d: {  	v1 =	vld [tilespmem:s9+$0xB2B0]  }
0x35e: {  	v0 =	vld [tilespmem:s9+$0xB2C0];
	v6 =	vmul.f32 $8.000000000e+00, v3  }
0x35f: {  	s0 =	simm.s32 $0x0;
	s1 =	simm.s32 $0x0;
	s13 =	simm.s32 $0x200;
	v5 =	vmul.f32 $8.000000000e+00, v5;
	v3 =	vld [tilespmem:s9+$0xB2D0]  }
.LBB2_35:
0x360: {  	s14 =	sshra.s32 s13, $0x2;
	s1 =	sadd.s32 $0x2, s1;
	v4 =	vmul.f32 $8.000000000e+00, v4;
	v7 =	vld [tilespmem:s0+$0xB2E0];
	[tilespmem:s0+$0x17AF0] =	vst v6  }
0x361: {  	v6 =	vld [tilespmem:s14+$0xB2F0];
	p0 =	slt.u32 s1, $0x30;
	[tilespmem:s0+$0x17A80] =	vst v5;
	v2 =	vmul.f32 $8.000000000e+00, v2  }
0x362: {  	v5 =	vld [tilespmem:s14+$0xB280];
	[tilespmem:s0+$0x17A90] =	vst v4;
	v1 =	vmul.f32 $8.000000000e+00, v1  }
.Ltmp17:
0x363: {  	v4 =	vld [tilespmem:s14+$0xB290];
	[tilespmem:s0+$0x17AA0] =	vst v2;
	v0 =	vmul.f32 $8.000000000e+00, v0;
	(pc) =	sbr.rel @p0 .LBB2_35-.Ltmp17, $4  }
0x364: {  	v2 =	vld [tilespmem:s14+$0xB2A0];
	[tilespmem:s0+$0x17AB0] =	vst v1;
	v3 =	vmul.f32 $8.000000000e+00, v3  }
0x365: {  	v1 =	vld [tilespmem:s14+$0xB2B0];
	[tilespmem:s0+$0x17AC0] =	vst v0;
	v7 =	vmul.f32 $8.000000000e+00, v7  }
0x366: {  	v0 =	vld [tilespmem:s14+$0xB2C0];
	v6 =	vmul.f32 $8.000000000e+00, v6;
	[tilespmem:s0+$0x17AD0] =	vst v3  }
0x367: {  	s13 =	sadd.s32 $0x200, s13;
	v5 =	vmul.f32 $8.000000000e+00, v5;
	v3 =	vld [tilespmem:s14+$0xB2D0];
	[tilespmem:s0+$0x17AE0] =	vst v7;
	s0 =	smov.u32 s14  }
0x368: {  	v7 =	vld [tilespmem:s0+$0xB2E0];
	v4 =	vmul.f32 $8.000000000e+00, v4;
	[tilespmem:s0+$0x17AF0] =	vst v6  }
0x369: {  	[tilespmem:s0+$0x17A80] =	vst v5;
	v2 =	vmul.f32 $8.000000000e+00, v2  }
0x36a: {  	[tilespmem:s0+$0x17A90] =	vst v4;
	v1 =	vmul.f32 $8.000000000e+00, v1  }
0x36b: {  	[tilespmem:s0+$0x17AA0] =	vst v2;
	v0 =	vmul.f32 $8.000000000e+00, v0  }
0x36c: {  	[tilespmem:s0+$0x17AB0] =	vst v1;
	v1 =	vmul.f32 $8.000000000e+00, v3  }
0x36d: {  	[tilespmem:s0+$0x17AC0] =	vst v0;
	v0 =	vmul.f32 $8.000000000e+00, v7  }
0x36e: {  	[tilespmem:s0+$0x17AD0] =	vst v1  }
0x36f: {  	[tilespmem:s0+$0x17AE0] =	vst v0  }
0x370: {  	v3 =	vld [tilespmem:s9+$0xBF70]  }
0x371: {  	v5 =	vld [tilespmem:s9+$0xBF00]  }
0x372: {  	v4 =	vld [tilespmem:s9+$0xBF10]  }
0x373: {  	v2 =	vld [tilespmem:s9+$0xBF20]  }
0x374: {  	v1 =	vld [tilespmem:s9+$0xBF30]  }
0x375: {  	v0 =	vld [tilespmem:s9+$0xBF40];
	v6 =	vmul.f32 $8.000000000e+00, v3  }
0x376: {  	s1 =	simm.s32 $0x200;
	s0 =	simm.s32 $0x0;
	v5 =	vmul.f32 $8.000000000e+00, v5;
	v3 =	vld [tilespmem:s9+$0xBF50]  }
.LBB2_37:
0x377: {  	s13 =	sshra.s32 s1, $0x2;
	s0 =	sadd.s32 $0x2, s0;
	v4 =	vmul.f32 $8.000000000e+00, v4;
	v7 =	vld [tilespmem:s9+$0xBF60];
	[tilespmem:s9+$0x18770] =	vst v6  }
0x378: {  	v6 =	vld [tilespmem:s13+$0xBF70];
	p0 =	slt.u32 s0, $0x30;
	[tilespmem:s9+$0x18700] =	vst v5;
	v2 =	vmul.f32 $8.000000000e+00, v2  }
0x379: {  	v5 =	vld [tilespmem:s13+$0xBF00];
	[tilespmem:s9+$0x18710] =	vst v4;
	v1 =	vmul.f32 $8.000000000e+00, v1  }
.Ltmp18:
0x37a: {  	v4 =	vld [tilespmem:s13+$0xBF10];
	[tilespmem:s9+$0x18720] =	vst v2;
	v0 =	vmul.f32 $8.000000000e+00, v0;
	(pc) =	sbr.rel @p0 .LBB2_37-.Ltmp18, $4  }
0x37b: {  	v2 =	vld [tilespmem:s13+$0xBF20];
	[tilespmem:s9+$0x18730] =	vst v1;
	v3 =	vmul.f32 $8.000000000e+00, v3  }
0x37c: {  	v1 =	vld [tilespmem:s13+$0xBF30];
	[tilespmem:s9+$0x18740] =	vst v0;
	v7 =	vmul.f32 $8.000000000e+00, v7  }
0x37d: {  	v0 =	vld [tilespmem:s13+$0xBF40];
	v6 =	vmul.f32 $8.000000000e+00, v6;
	[tilespmem:s9+$0x18750] =	vst v3  }
0x37e: {  	s1 =	sadd.s32 $0x200, s1;
	v5 =	vmul.f32 $8.000000000e+00, v5;
	v3 =	vld [tilespmem:s13+$0xBF50];
	[tilespmem:s9+$0x18760] =	vst v7;
	s9 =	smov.u32 s13  }
0x37f: {  	v7 =	vld [tilespmem:s9+$0xBF60];
	v4 =	vmul.f32 $8.000000000e+00, v4;
	[tilespmem:s9+$0x18770] =	vst v6  }
0x380: {  	[tilespmem:s9+$0x18700] =	vst v5;
	v2 =	vmul.f32 $8.000000000e+00, v2  }
0x381: {  	[tilespmem:s9+$0x18710] =	vst v4;
	v1 =	vmul.f32 $8.000000000e+00, v1  }
0x382: {  	[tilespmem:s9+$0x18720] =	vst v2;
	v0 =	vmul.f32 $8.000000000e+00, v0  }
0x383: {  	[tilespmem:s9+$0x18730] =	vst v1;
	v62 =	vmul.f32 $8.000000000e+00, v3  }
0x384: {  	s0 =	smul.u32 $0x380, s25;
	[tilespmem:s9+$0x18740] =	vst v0;
	v63 =	vmul.f32 $8.000000000e+00, v7  }
0x385: {  	[tilespmem:s9+$0x18750] =	vst v62  }
0x386: {  	s1 =	simm.s32 $0x12F80;
	s0 =	sadd.s32 s6, s0;
	[tilespmem:s9+$0x18760] =	vst v63  }
0x387: {  	[hbm4b:s0+s23] =	stream.strided.scatter [tilespmem:s1], [sflag:$0x4], $0xC80, s24, s23, $0x38;
	[tilespmem:$0x19380] =	vst v63  }
0x388: {  	s14 =	simm.s32 $0x13C00;
	s13 =	sadd.s32 $0x380, s0  }
0x389: {  	[hbm4b:s13+s23] =	stream.strided.scatter [tilespmem:s14], [sflag:$0x4], $0xC80, s24, s23, $0x38;
	[tilespmem:$0x19380] =	vst v63  }
0x38a: {  	s16 =	simm.s32 $0x14880;
	s15 =	sadd.s32 $0x700, s0  }
0x38b: {  	[hbm4b:s15+s23] =	stream.strided.scatter [tilespmem:s16], [sflag:$0x4], $0xC80, s24, s23, $0x38;
	[tilespmem:$0x19380] =	vst v63  }
0x38c: {  	s18 =	simm.s32 $0x15500;
	s17 =	sadd.s32 $0xA80, s0  }
0x38d: {  	[hbm4b:s17+s23] =	stream.strided.scatter [tilespmem:s18], [sflag:$0x4], $0xC80, s24, s23, $0x38;
	[tilespmem:$0x19380] =	vst v63  }
0x38e: {  	s25 =	simm.s32 $0x16180;
	s21 =	sadd.s32 $0x1, s21;
	s19 =	sadd.s32 $0xE00, s0  }
0x38f: {  	[hbm4b:s19+s23] =	stream.strided.scatter [tilespmem:s25], [sflag:$0x4], $0xC80, s24, s23, $0x38;
	[tilespmem:$0x19380] =	vst v63  }
0x390: {  	s28 =	simm.s32 $0x16E00;
	p0 =	sne.s32 s21, $0x20;
	s26 =	sadd.s32 $0x1180, s0  }
0x391: {  	[hbm4b:s26+s23] =	stream.strided.scatter [tilespmem:s28], [sflag:$0x4], $0xC80, s24, s23, $0x38;
	[tilespmem:$0x19380] =	vst v63  }
.Ltmp19:
0x392: {  	_ = 	snop;
	(pc) =	sbr.rel @p0 .LBB2_2-.Ltmp19, $4  }
0x393: {  	s31 =	simm.s32 $0x17A80;
	s30 =	sadd.s32 $0x1500, s0  }
0x394: {  	[hbm4b:s30+s23] =	stream.strided.scatter [tilespmem:s31], [sflag:$0x4], $0xC80, s24, s23, $0x38;
	[tilespmem:$0x19380] =	vst v63  }
0x395: {  	s0 =	sadd.s32 $0x1880, s0  }
0x396: {  	[hbm4b:s0+s23] =	stream.strided.scatter [tilespmem:s20], [sflag:$0x4], $0xC80, s24, s23, $0x38;
	[tilespmem:$0x19380] =	vst v63  }
0x397: {  	s0 =	simm.s32 $0x3  }
0x398: {  	_ =	swait.ge [sflag:s0], $0x6400  }
0x399: {  	[sflag:s0] =	ssyncset.done $0x0  }
0x39a: {  	[sflag:s0] =	ssyncadd.s32 $0xFFFF9C00  }
0x39b: {  	_ =	swait.ge [sflag:s10], $0x6400  }
0x39c: {  	s1 =	rddreg [dreg:$0x6]  }
0x39d: {  	s31 =	rddreg [dreg:$0x5];
	s1 =	sadd.s32 $0x1, s1  }
0x39e: {  	p0 =	sne.s32 s1, s31  }
.Ltmp20:
0x39f: {  	_ = 	snop;
	(pc) =	sbr.rel @p0 .LBB2_1-.Ltmp20, $3  }
0x3a0: {  	_ =	sdelay $0x1  }
0x3a1: {  	[sflag:s10] =	ssyncset.done $0x0  }
0x3a2: {  	[sflag:s10] =	ssyncadd.s32 $0xFFFF9C00  }
0x3a3: {  	_ =	sfence.sel $0x180000  }
0x3a4: {  	[bflag:$0x0] =	sbarrier.arrive $0xFFFF  }
0x3a5: {  	_ =	strace $0x9000004A  }
0x3a6: {  	s0 =	stileid.u32;
	[bflag:$0x2] =	sbarrier.arrive $0xFFFF  }
0x3a7: {  	p0 =	sne.s32 s0, $0x0;
	s0 =	rddreg [dreg:$0x2]  }
0x3a8: {  	s0 =	sadd.s32 @!p0 $0x100000, s0  }
0x3a9: {  	[sflag:s0] =	ssyncadd.tile.s32 @!p0 $0x1;
	_ =	shalt  }
.Lfunc_end2:
_tile_overlayer_lowered:
.L_overlay_start_2:
0x3aa: {  	(tag) =	ssettag $0x2  }
0x3ab: {  	s0 =	rddreg [dreg:$0x0];
	s2 =	stileid.u32  }
0x3ac: {  	s1 =	rddreg [dreg:$0x1];
	p0 =	sne.s32 s2, $0x0  }
0x3ad: {  	s3 =	rddreg [dreg:$0x2];
	[bflag:$0x3] =	sbarrier.arrive $0xFFFF;
	s2 =	simm.s32 @!p0 $0x1C05  }
0x3ae: {  	[timem:s3], [sflag:s2] =	dma.local @!p0 [hbm:s0], s1  }
0x3af: {  	s0 =	simm.s32 @!p0 $0x5  }
0x3b0: {  	_ =	swait.ge @!p0 [sflag:s0], s1  }
0x3b1: {  	s1 =	ssub.s32 @!p0 $0x0, s1;
	[sflag:s0] =	ssyncset.done @!p0 $0x0  }
0x3b2: {  	[sflag:s0] =	ssyncadd.s32 @!p0 s1  }
0x3b3: {  	[bflag:$0x3] =	sbarrier.arrive $0xFFFF  }
0x3b4: {  	_ =	shalt  }

// kernel: sparse-core-data-format-call.1.cloned.1.call-start
scs
called_computation.1_lowered:
.L_overlay_start_0:
0x0: {  	s2 =	sld [smem:$0x3FD9]  }
0x1: {  	s3 =	sld [smem:$0x3FFE];
	_ =	sdelay $0x1  }
0x2: {  	s1 =	srdreg.scid  }
0x3: {  	s0 =	sand.u32 $0x1, s1  }
0x4: {  	s18 =	sshll.u32 s0, $0xA;
	s2 =	sadd.s32 s3, s2  }
0x5: {  	s2 =	sadd.s32 s2, s18  }
0x6: {  	[smem:$0x3FC6] =	sst s2  }
0x7: {  	_ = 	snop  }
0x8: {  	s2 =	sld [smem:$0x3FC8];
	(tm) =	ssettm $0x1  }
0x9: {  	s19 =	sld [smem:$0x3FFB];
	_ =	sdelay $0x3  }
0xa: {  	_ =	strace s19  }
0xb: {  	s3 =	sld [smem:$0x3FFC];
	_ =	sdelay $0x3  }
0xc: {  	_ =	strace s3  }
0xd: {  	s3 =	sld [smem:$0x3FFD];
	_ =	sdelay $0x3  }
0xe: {  	_ =	strace s3  }
0xf: {  	_ =	strace $0x8FFFFFFF  }
0x10: {  	s20 =	sld [smem:$0x3FDB];
	_ =	sdelay $0x1  }
0x11: {  	s4 =	simm.s32 $_scs_section_size  }
0x12: {  	s5 =	simm.s32 $_size__tile_overlayer_lowered;
	s6 =	simm.s32 $_tile_overlayer_lowered  }
0x13: {  	s23 =	simm.s32 $0x1BFF;
	s22 =	sshll.u32 s6, $0x1;
	s3 =	sadd.s32 s4, s20  }
0x14: {  	s7 =	simm.s32 $0x0;
	s21 =	sshll.u32 s5, $0x1;
	s5 =	sadd.s32 s22, s3  }
0x15: {  	[timem:s7], [sflag:s23] =	dma.local [hbm:s5], s21  }
0x16: {  	_ =	swait.ge [sflag:s23], s21  }
0x17: {  	s4 =	ssub.s32 $0x0, s21;
	[sflag:s23] =	ssyncset.done $0x0  }
0x18: {  	[sflag:s23] =	ssyncadd.s32 s4;
	_ =	sdelay $0x1  }
0x19: {  	s24 =	simm.s32 $0x1B8B  }
0x1a: {  	_ =	swait.ge [sflag:s24], $0x1  }
0x1b: {  	[sflag:s24] =	ssyncset.done $0x0  }
0x1c: {  	s26 =	simm.s32 $0x1B8E;
	s25 =	sld [smem:$0x3FFE];
	[sflag:s24] =	ssyncadd.s32 $0xFFFFFFFF  }
0x1d: {  	s27 =	simm.s32 $execute0_lowered;
	[smem:$0x3FD2] =	sst s26  }
0x1e: {  	s5 =	sshll.u32 s27, $0x1;
	_ =	strace $0x80000046;
	[dreg:$0x1] =	wrdreg $0xFFFFFFFF  }
0x1f: {  	s28 =	simm.s32 $_size_execute0_lowered;
	s3 =	sadd.s32 s3, s5;
	[dreg:$0x0] =	wrdreg $0x0  }
0x20: {  	s5 =	sshll.u32 s28, $0x1;
	[dreg:$0x2] =	wrdreg s3  }
0x21: {  	[dreg:$0x3] =	wrdreg s5  }
0x22: {  	[dreg:$0x4] =	wrdreg $0xC0  }
0x23: {  	_ =	task [dreg:s7], $0x5FFFF  }
0x24: {  	[dreg:$0x1] =	wrdreg $0xFFFFFFFF  }
0x25: {  	[dreg:$0x0] =	wrdreg $0x60  }
0x26: {  	[dreg:$0x2] =	wrdreg s2  }
0x27: {  	[dreg:$0x3] =	wrdreg s25  }
0x28: {  	[dreg:$0x4] =	wrdreg $0x9  }
0x29: {  	_ =	task.clear_ibuf [dreg:s7], $0x5FFFF;
	_ =	strace $0x90000046  }
0x2a: {  	s29 =	simm.s32 $0x9;
	_ =	strace $0x80000048  }
0x2b: {  	_ =	swait.ge [sflag:s29], $0x1  }
0x2c: {  	[sflag:s29] =	ssyncadd.s32 $0xFFFFFFFF  }
0x2d: {  	_ =	strace $0x90000048  }
0x2e: {  	_ =	sfence  }
0x2f: {  	s30 =	sld [smem:$0x0];
	_ =	sdelay $0x2  }
0x30: {  	s31 =	sshll.u32 s1, $0xD;
	s1 =	sshrl.u32 s1, $0x2  }
0x31: {  	s3 =	sand.u32 $0x4000, s31;
	s1 =	sadd.s32 s1, s30  }
0x32: {  	s0 =	sor.u32 s3, s0;
	s1 =	sshll.u32 s1, $0x11  }
0x33: {  	s0 =	sor.u32 s1, s0  }
0x34: {  	s0 =	sadd.s32 $0x8F2B, s0  }
0x35: {  	[sflag:s0] =	ssyncadd.remote.s32 $0x1  }
0x36: {  	_ =	sfence.sel $0xFFFF  }
0x37: {  	[dreg:$0x0] =	wrdreg $0xFFFFFFFF;
	(pc) =	sbr.abs _section_cstart, $3  }
0x38: {  	[dreg:$0x1] =	wrdreg $0xFFFFFFFF  }
0x39: {  	_ =	task.clear_ibuf [dreg:s7], $0x2FFFF;
	_ =	strace $0x9FFFFFFF  }
0x3a: {  	(tm) =	ssettm $0x7FFFFFFF  }
0x3b: {  	_ =	shalt  }
tec
execute0_lowered:
.L_overlay_start_1:
0x0: {  	(tag) =	ssettag $0x1  }
0x1: {  	s0 =	srdreg.scid;
	s2 =	rddreg [dreg:$0x0]  }
0x2: {  	s5 =	rddreg [dreg:$0x1];
	s1 =	stileid.u32  }
0x3: {  	s4 =	simm.s32 $0x1;
	s6 =	simm.s32 $0x2;
	s15 =	simm.s32 $0x0  }
0x4: {  	p0 =	por $0x0, $0x0;
	s8 =	simm.s32 $0x80;
	s0 =	sshll.u32 s0, $0x4  }
0x5: {  	s14 =	simm.s32 $0x0;
	s9 =	simm.s32 $0x0;
	s3 =	sand.u32 $0x10, s0  }
.Ltmp0:
0x6: {  	s10 =	simm.s32 $0x0;
	s3 =	sor.u32 s1, s3;
	(pc) =	sbr.rel .LBB1_1-.Ltmp0, $4  }
0x7: {  	s0 =	rddreg [dreg:$0x2];
	_ =	strace $0x80000047;
	s3 =	sshll.u32 s3, $0x7  }
0x8: {  	s12 =	simm.s32 $0x0;
	[sflag:s4] =	ssyncpa.u1 $0x0;
	s7 =	ssub.s32 $0xF4200, s3  }
0x9: {  	s13 =	simm.s32 $0x0;
	[sflag:s6] =	ssyncpa.u1 $0x0;
	s6 =	sshrl.u32 s7, $0xC  }
0xa: {  	s5 =	sadd.s32 $0xE00, s5;
	s11 =	smov.u32 s3;
	s7 =	sadd.s32 $0x2, s6  }
.LBB1_5:
0xb: {  	p1 =	slt.u32 s13, $0x2  }
0xc: {  	s17 =	smov.u32 s15;
	p2 =	sgt.s32 @!p1 s15, $0xF41C0;
	s16 =	sshra.s32 @!p1 s15, $0x1F  }
0xd: {  	p3 =	sgt.s32 @!p1 s14, $0x40;
	s18 =	sshra.s32 @!p1 s14, $0x1F;
	p2 =	por !p2, p1  }
0xe: {  	s15 =	sand.u32 @!p1 s16, s15;
	p3 =	por !p3, p1;
	s16 =	smov.u32 s14  }
0xf: {  	s14 =	sand.u32 @!p1 s18, s14;
	s17 =	simm.s32 @p2 $0xF41C0;
	s16 =	simm.s32 @p3 $0x40  }
0x10: {  	s15 =	ssub.s32 @!p1 s17, s15;
	s14 =	ssub.s32 @!p1 s16, s14  }
0x11: {  	s18 =	smov.u32 s12;
	s16 =	sadd.s32 @!p1 $0xFFF0BE40, s15;
	s17 =	sadd.s32 @!p1 $0xFFFFFFC0, s14  }
0x12: {  	s15 =	ssub.s32 @!p1 $0xF4240, s15;
	p2 =	sgt.s32 @!p1 s16, $0x7F;
	p3 =	sgt.s32 @!p1 s17, $0x3F  }
0x13: {  	s14 =	ssub.s32 @!p1 $0x80, s14;
	p2 =	por !p2, p1;
	p3 =	por !p3, p1  }
0x14: {  	s16 =	sadd.s32 $0x1000, s11;
	s15 =	simm.s32 @!p2 $0x0;
	s14 =	simm.s32 @!p3 $0x0  }
0x15: {  	p2 =	sgt.s32 s16, $0xF423F;
	s14 =	smul.u32 @!p1 s14, s15;
	s15 =	sadd.s32 $0x40, s12  }
0x16: {  	s18 =	smov.u32 @p2 s15  }
0x17: {  	s16 =	smov.u32 @p2 s3;
	p2 =	sgt.s32 s18, $0x3F  }
0x18: {  	s18 =	simm.s32 @p2 $0x0;
	p2 =	sne.s32 s13, s7  }
.Ltmp1:
0x19: {  	p0 =	por !p0, !p0;
	s17 =	simm.s32 @!p1 $0x2;
	(pc) =	sbr.rel @!p2 .LBB1_6-.Ltmp1, $4  }
0x1a: {  	s15 =	smov.u32 s9;
	s9 =	smov.u32 s11;
	s14 =	sand.u32 @!p1 $0x3FFFFFFF, s14  }
0x1b: {  	s11 =	smov.u32 s16;
	_ =	swait.ge @!p1 [sflag:s17], s14;
	s19 =	ssub.s32 @!p1 $0x0, s14  }
0x1c: {  	s14 =	smov.u32 s10;
	s13 =	sadd.s32 $0x1, s13;
	[sflag:s17] =	ssyncset.done @!p1 $0x0  }
0x1d: {  	s10 =	smov.u32 s12;
	s12 =	smov.u32 s18;
	[sflag:s17] =	ssyncadd.s32 @!p1 s19  }
.LBB1_1:
0x1e: {  	p1 =	sgt.u32 s13, s6  }
0x1f: {  	s16 =	sshrl.u32 @!p1 s12, $0x3  }
0x20: {  	s17 =	sshll.u32 @!p1 s11, $0x3;
	s16 =	smul.u32 @!p1 $0x7A1400, s16  }
0x21: {  	s18 =	sshll.u32 @!p1 s12, $0x7;
	s17 =	sand.u32 @!p1 $0xFFFFFC00, s17  }
0x22: {  	s16 =	sadd.s32 @!p1 s16, s17;
	s17 =	sand.u32 @!p1 $0x380, s18  }
0x23: {  	s18 =	sand.u32 @!p1 $0x7F, s11;
	s16 =	sor.u32 @!p1 s17, s16  }
0x24: {  	s17 =	sor.u32 @!p1 s18, s16  }
0x25: {  	s18 =	smulhi.u32 @!p1 $0x218D6287, s17;
	_ =	sdelay $0x1  }
0x26: {  	s16 =	smulhi.u32 @!p1 $0x218D6287, s16;
	s18 =	sshrl.u32 @!p1 s18, $0x11  }
0x27: {  	s18 =	smul.u32 @!p1 $0xF4280, s18  }
0x28: {  	s19 =	sxor.u32 @!p1 $0xFFFFFFFF, s13;
	s16 =	sshrl.u32 @!p1 s16, $0x11  }
0x29: {  	s19 =	sshll.u32 @!p1 s19, $0xD;
	s16 =	sand.u32 @!p1 $0x3F, s16;
	s17 =	ssub.s32 @!p1 s17, s18  }
0x2a: {  	s16 =	smul.u32 @!p1 $0x1E850, s16;
	s18 =	sshrl.u32 @!p1 s17, $0x3;
	s17 =	sand.u32 @!p1 $0x7, s17  }
0x2b: {  	s19 =	sand.u32 @!p1 $0x2000, s19;
	s18 =	sadd.s32 @!p1 s2, s18;
	s17 =	sshll.u32 @!p1 s17, $0x12  }
0x2c: {  	s16 =	sadd.s32 @!p1 s16, s18;
	s17 =	sor.u32 @!p1 $0x400, s17;
	s18 =	simm.s32 @!p1 $0x7A1400  }
0x2d: {  	[tilespmem:s19], [sflag:$0x1] =	stream.strided.gather @!p1 [hbm4b:s16+s17], $0x2000, s18, s17, $0x38;
	[tilespmem:$0x8100] =	vst v63  }
0x2e: {  	p1 =	seq.s32 s13, $0x0  }
0x2f: {  	p2 =	sge.u32 @!p1 s13, s7  }
0x30: {  	p1 =	por p1, p2  }
.Ltmp2:
0x31: {  	_ = 	snop;
	(pc) =	sbr.rel @p1 .LBB1_5-.Ltmp2, $1  }
0x32: {  	_ =	sdelay $0x3  }
0x33: {  	s16 =	simm.s32 $0x1  }
0x34: {  	_ =	swait.ge [sflag:s4], $0x2000;
	s16 =	simm.s32 @!p0 $0x0  }
0x35: {  	[sflag:s4] =	ssyncset.done $0x0;
	s17 =	sshll.u32 s16, $0xD  }
0x36: {  	[sflag:s4] =	ssyncadd.s32 $0xFFFFE000;
	s17 =	sor.u32 $0x40, s17  }
0x37: {  	s16 =	smul.u32 $0x8200, s16;
	v0 =	vld [tilespmem:s17+$0x30]  }
0x38: {  	v1 =	vld [tilespmem:s17+$0xFFFFFFD0]  }
0x39: {  	s16 =	sshrl.u32 s16, $0x2;
	v5 =	vld [tilespmem:s17+$0xFFFFFFE0]  }
0x3a: {  	v6 =	vld [tilespmem:s17+$0xFFFFFFF0];
	s19 =	sor.u32 $0x4000, s16  }
0x3b: {  	s31 =	sand.u32 $0x1, s13;
	v4 =	vld [tilespmem:s17+$0x0];
	s18 =	sadd.s32 $0x0, s19  }
0x3c: {  	v3 =	vld [tilespmem:s17+$0x10];
	s16 =	smul.u32 $0x8200, s31;
	[tilespmem:s18+$0x1C70 ss:$0x41] =	vst.msk $0xffff, v0  }
0x3d: {  	v2 =	vld [tilespmem:s17+$0x20];
	[tilespmem:s18+$0x410 ss:$0x41] =	vst.msk $0xffff, v1  }
0x3e: {  	s16 =	sshrl.u32 s16, $0x2;
	v1 =	vld [tilespmem:s17+$0xFFFFFFC0];
	[tilespmem:s18+$0x820 ss:$0x41] =	vst.msk $0xffff, v5;
	s17 =	sadd.s32 $0x80, s17  }
0x3f: {  	s20 =	simm.s32 $0x4;
	s21 =	simm.s32 $0x8;
	s16 =	sor.u32 $0x4000, s16;
	[tilespmem:s18+$0xC30 ss:$0x41] =	vst.msk $0xffff, v6;
	v0 =	vld [tilespmem:s17+$0x30]  }
.LBB1_3:
0x40: {  	p1 =	sne.s32 s21, $0xFC;
	v5 =	vld [tilespmem:s17+$0xFFFFFFD0];
	[tilespmem:s18+$0x1040 ss:$0x41] =	vst.msk $0xffff, v4  }
0x41: {  	v6 =	vld [tilespmem:s17+$0xFFFFFFE0];
	[tilespmem:s18+$0x1450 ss:$0x41] =	vst.msk $0xffff, v3  }
0x42: {  	s22 =	sshra.s32 s20, $0x2;
	s20 =	smov.u32 s21;
	v7 =	vld [tilespmem:s17+$0xFFFFFFF0];
	[tilespmem:s18+$0x1860 ss:$0x41] =	vst.msk $0xffff, v2  }
.Ltmp3:
0x43: {  	v4 =	vld [tilespmem:s17+$0x0];
	[tilespmem:s18+$0x0 ss:$0x41] =	vst.msk $0xffff, v1;
	s18 =	sadd.s32 s22, s19;
	(pc) =	sbr.rel @p1 .LBB1_3-.Ltmp3, $4  }
0x44: {  	v3 =	vld [tilespmem:s17+$0x10];
	[tilespmem:s18+$0x1C70 ss:$0x41] =	vst.msk $0xffff, v0  }
0x45: {  	[tilespmem:s18+$0x410 ss:$0x41] =	vst.msk $0xffff, v5;
	v2 =	vld [tilespmem:s17+$0x20]  }
0x46: {  	v1 =	vld [tilespmem:s17+$0xFFFFFFC0];
	[tilespmem:s18+$0x820 ss:$0x41] =	vst.msk $0xffff, v6;
	s17 =	sadd.s32 $0x80, s17  }
0x47: {  	s21 =	sadd.s32 $0x4, s21;
	v0 =	vld [tilespmem:s17+$0x30];
	[tilespmem:s18+$0xC30 ss:$0x41] =	vst.msk $0xffff, v7  }
0x48: {  	s21 =	sshll.u32 s9, $0x7;
	s22 =	sshll.u32 s10, $0x3;
	s20 =	sshra.s32 s20, $0x2  }
0x49: {  	p1 =	sgt.s32 s9, $0xF41C0;
	s30 =	sshra.s32 s9, $0x1F;
	s25 =	sshra.s32 s10, $0x1F  }
0x4a: {  	v5 =	vld [tilespmem:s17+$0xFFFFFFD0];
	s28 =	sshrl.u32 s10, $0x3;
	s23 =	sand.u32 $0xFFFFFC00, s21;
	s22 =	sand.u32 $0xFFFFFC00, s22  }
0x4b: {  	[tilespmem:s18+$0x1040 ss:$0x41] =	vst.msk $0xffff, v4;
	v58 =	vld [tilespmem:s17+$0xFFFFFFE0];
	s21 =	sand.u32 $0x380, s21;
	s19 =	sadd.s32 s20, s19;
	s22 =	sadd.s32 s22, s23  }
0x4c: {  	v59 =	vld [tilespmem:s17+$0xFFFFFFF0];
	[tilespmem:s18+$0x1450 ss:$0x41] =	vst.msk $0xffff, v3;
	s29 =	sor.u32 s21, s22;
	s21 =	smov.u32 s9;
	s22 =	sand.u32 s30, s9  }
0x4d: {  	v60 =	vld [tilespmem:s17+$0x0];
	[tilespmem:s18+$0x1860 ss:$0x41] =	vst.msk $0xffff, v2;
	s30 =	sand.u32 $0x7, s10;
	s20 =	sshrl.u32 s29, $0x7;
	s21 =	simm.s32 @!p1 $0xF41C0  }
0x4e: {  	v61 =	vld [tilespmem:s17+$0x10];
	[tilespmem:s18+$0x0 ss:$0x41] =	vst.msk $0xffff, v1;
	p1 =	sgt.s32 s10, $0x40;
	s24 =	ssub.s32 s21, s22;
	s21 =	smov.u32 s10  }
0x4f: {  	v62 =	vld [tilespmem:s17+$0x20];
	[tilespmem:s19+$0x1C70 ss:$0x41] =	vst.msk $0xffff, v0;
	s31 =	smulhi.u32 $0x218DEF5, s20;
	s22 =	sand.u32 s25, s10;
	s21 =	simm.s32 @!p1 $0x40  }
0x50: {  	v63 =	vld [tilespmem:s17+$0xFFFFFFC0];
	[tilespmem:s19+$0x410 ss:$0x41] =	vst.msk $0xffff, v5;
	s26 =	sadd.s32 $0xFFF0BE40, s24;
	s17 =	ssub.s32 $0xF4240, s24;
	s21 =	ssub.s32 s21, s22  }
0x51: {  	[tilespmem:s19+$0x820 ss:$0x41] =	vst.msk $0xffff, v58;
	s23 =	sshrl.u32 s31, $0xD;
	p1 =	sgt.s32 s26, $0x7F;
	s27 =	sadd.s32 $0xFFFFFFC0, s21  }
0x52: {  	[tilespmem:s19+$0xC30 ss:$0x41] =	vst.msk $0xffff, v59;
	s23 =	smul.u32 $0xF4240, s23;
	s18 =	ssub.s32 $0x80, s21;
	p2 =	sgt.s32 s27, $0x3F  }
.Ltmp4:
0x53: {  	[tilespmem:s19+$0x1040 ss:$0x41] =	vst.msk $0xffff, v60;
	s17 =	simm.s32 @p1 $0x0;
	s18 =	simm.s32 @p2 $0x0;
	(pc) =	sbr.rel .LBB1_5-.Ltmp4, $4  }
0x54: {  	s29 =	sand.u32 $0xF, s28;
	[tilespmem:s19+$0x1450 ss:$0x41] =	vst.msk $0xffff, v61;
	s20 =	ssub.s32 s20, s23;
	s17 =	smul.u32 s18, s17  }
0x55: {  	[tilespmem:s19+$0x1860 ss:$0x41] =	vst.msk $0xffff, v62;
	s21 =	sshll.u32 s30, $0x12;
	s20 =	sshll.u32 s20, $0x4;
	s18 =	sadd.s32 s5, s29  }
0x56: {  	[tilespmem:s19+$0x0 ss:$0x41] =	vst.msk $0xffff, v63;
	s31 =	sor.u32 $0x40, s21;
	s18 =	sadd.s32 s20, s18;
	s17 =	sand.u32 $0x3FFFFFFF, s17  }
0x57: {  	[hbm4b:s18+s31] =	stream.strided.scatter [tilespmem:s16], [sflag:$0x2], s17, s8, s31, $0x18;
	[tilespmem:$0x8100] =	vst v63  }
.LBB1_6:
0x58: {  	_ =	sfence.sel $0x180000  }
0x59: {  	s2 =	simm.s32 $0x1;
	[bflag:$0x0] =	sbarrier.arrive $0xFFFF  }
0x5a: {  	s31 =	simm.s32 $0x2;
	[sflag:s2] =	ssyncpa.u1 $0x1  }
0x5b: {  	[sflag:s31] =	ssyncpa.u1 $0x1  }
0x5c: {  	p0 =	sne.s32 s1, $0x0;
	_ =	strace $0x90000047  }
0x5d: {  	s0 =	sadd.s32 @!p0 $0x100000, s0;
	[bflag:$0x2] =	sbarrier.arrive $0xFFFF  }
0x5e: {  	[sflag:s0] =	ssyncadd.tile.s32 @!p0 $0x1;
	_ =	shalt  }
.Lfunc_end1:
_tile_overlayer_lowered:
.L_overlay_start_2:
0x5f: {  	(tag) =	ssettag $0x2  }
0x60: {  	s0 =	rddreg [dreg:$0x0];
	s2 =	stileid.u32  }
0x61: {  	s1 =	rddreg [dreg:$0x1];
	p0 =	sne.s32 s2, $0x0  }
0x62: {  	s3 =	rddreg [dreg:$0x2];
	[bflag:$0x3] =	sbarrier.arrive $0xFFFF;
	s2 =	simm.s32 @!p0 $0x1C01  }
0x63: {  	[timem:s3], [sflag:s2] =	dma.local @!p0 [hbm:s0], s1  }
0x64: {  	s0 =	simm.s32 @!p0 $0x1  }
0x65: {  	_ =	swait.ge @!p0 [sflag:s0], s1  }
0x66: {  	s1 =	ssub.s32 @!p0 $0x0, s1;
	[sflag:s0] =	ssyncset.done @!p0 $0x0  }
0x67: {  	[sflag:s0] =	ssyncadd.s32 @!p0 s1  }
0x68: {  	[bflag:$0x3] =	sbarrier.arrive $0xFFFF  }
0x69: {  	_ =	shalt  }

// kernel: sparse-core-data-format-call.cloned.1.call-start
scs
called_computation_lowered:
.L_overlay_start_0:
0x0: {  	s2 =	sld [smem:$0x3FD9]  }
0x1: {  	s3 =	sld [smem:$0x3FFE];
	_ =	sdelay $0x1  }
0x2: {  	s1 =	srdreg.scid  }
0x3: {  	s0 =	sand.u32 $0x1, s1  }
0x4: {  	s18 =	sshll.u32 s0, $0xA;
	s2 =	sadd.s32 s3, s2  }
0x5: {  	s2 =	sadd.s32 s2, s18  }
0x6: {  	[smem:$0x3FC6] =	sst s2  }
0x7: {  	_ = 	snop  }
0x8: {  	s2 =	sld [smem:$0x3FD0];
	(tm) =	ssettm $0x1  }
0x9: {  	s19 =	sld [smem:$0x3FFB];
	_ =	sdelay $0x3  }
0xa: {  	_ =	strace s19  }
0xb: {  	s3 =	sld [smem:$0x3FFC];
	_ =	sdelay $0x3  }
0xc: {  	_ =	strace s3  }
0xd: {  	s3 =	sld [smem:$0x3FFD];
	_ =	sdelay $0x3  }
0xe: {  	_ =	strace s3  }
0xf: {  	_ =	strace $0x8FFFFFFF  }
0x10: {  	s20 =	sld [smem:$0x3FDB];
	_ =	sdelay $0x1  }
0x11: {  	s4 =	simm.s32 $_scs_section_size  }
0x12: {  	s5 =	simm.s32 $_size__tile_overlayer_lowered;
	s6 =	simm.s32 $_tile_overlayer_lowered  }
0x13: {  	s23 =	simm.s32 $0x1BFF;
	s22 =	sshll.u32 s6, $0x1;
	s3 =	sadd.s32 s4, s20  }
0x14: {  	s7 =	simm.s32 $0x0;
	s21 =	sshll.u32 s5, $0x1;
	s5 =	sadd.s32 s22, s3  }
0x15: {  	[timem:s7], [sflag:s23] =	dma.local [hbm:s5], s21  }
0x16: {  	_ =	swait.ge [sflag:s23], s21  }
0x17: {  	s4 =	ssub.s32 $0x0, s21;
	[sflag:s23] =	ssyncset.done $0x0  }
0x18: {  	[sflag:s23] =	ssyncadd.s32 s4;
	_ =	sdelay $0x1  }
0x19: {  	s24 =	simm.s32 $0x1B8B  }
0x1a: {  	_ =	swait.ge [sflag:s24], $0x1  }
0x1b: {  	[sflag:s24] =	ssyncset.done $0x0  }
0x1c: {  	s26 =	simm.s32 $0x1B8E;
	s25 =	sld [smem:$0x3FFE];
	[sflag:s24] =	ssyncadd.s32 $0xFFFFFFFF  }
0x1d: {  	s27 =	simm.s32 $execute0_lowered;
	[smem:$0x3FD2] =	sst s26  }
0x1e: {  	s5 =	sshll.u32 s27, $0x1;
	_ =	strace $0x8000004C;
	[dreg:$0x1] =	wrdreg $0xFFFFFFFF  }
0x1f: {  	s28 =	simm.s32 $_size_execute0_lowered;
	s3 =	sadd.s32 s3, s5;
	[dreg:$0x0] =	wrdreg $0x0  }
0x20: {  	s5 =	sshll.u32 s28, $0x1;
	[dreg:$0x2] =	wrdreg s3  }
0x21: {  	[dreg:$0x3] =	wrdreg s5  }
0x22: {  	[dreg:$0x4] =	wrdreg $0xC0  }
0x23: {  	_ =	task [dreg:s7], $0x5FFFF  }
0x24: {  	[dreg:$0x1] =	wrdreg $0xFFFFFFFF  }
0x25: {  	[dreg:$0x0] =	wrdreg $0x60  }
0x26: {  	[dreg:$0x2] =	wrdreg s25  }
0x27: {  	[dreg:$0x3] =	wrdreg s2  }
0x28: {  	[dreg:$0x4] =	wrdreg $0x9  }
0x29: {  	_ =	task.clear_ibuf [dreg:s7], $0x5FFFF;
	_ =	strace $0x9000004C  }
0x2a: {  	s29 =	simm.s32 $0x9;
	_ =	strace $0x8000004E  }
0x2b: {  	_ =	swait.ge [sflag:s29], $0x1  }
0x2c: {  	[sflag:s29] =	ssyncadd.s32 $0xFFFFFFFF  }
0x2d: {  	_ =	strace $0x9000004E  }
0x2e: {  	_ =	sfence  }
0x2f: {  	s30 =	sld [smem:$0x0];
	_ =	sdelay $0x2  }
0x30: {  	s31 =	sshll.u32 s1, $0xD;
	s1 =	sshrl.u32 s1, $0x2  }
0x31: {  	s3 =	sand.u32 $0x4000, s31;
	s1 =	sadd.s32 s1, s30  }
0x32: {  	s0 =	sor.u32 s3, s0;
	s1 =	sshll.u32 s1, $0x11  }
0x33: {  	s0 =	sor.u32 s1, s0  }
0x34: {  	s0 =	sadd.s32 $0x8F2B, s0  }
0x35: {  	[sflag:s0] =	ssyncadd.remote.s32 $0x1  }
0x36: {  	_ =	sfence.sel $0xFFFF  }
0x37: {  	[dreg:$0x0] =	wrdreg $0xFFFFFFFF;
	(pc) =	sbr.abs _section_cstart, $3  }
0x38: {  	[dreg:$0x1] =	wrdreg $0xFFFFFFFF  }
0x39: {  	_ =	task.clear_ibuf [dreg:s7], $0x2FFFF;
	_ =	strace $0x9FFFFFFF  }
0x3a: {  	(tm) =	ssettm $0x7FFFFFFF  }
0x3b: {  	_ =	shalt  }
tec
execute0_lowered:
.L_overlay_start_1:
0x0: {  	(tag) =	ssettag $0x1  }
0x1: {  	s0 =	srdreg.scid  }
0x2: {  	s1 =	sshll.u32 s0, $0x4  }
0x3: {  	s0 =	stileid.u32;
	s1 =	sand.u32 $0x10, s1  }
0x4: {  	s1 =	sor.u32 s0, s1  }
0x5: {  	s6 =	rddreg [dreg:$0x0];
	s4 =	simm.s32 $0x1;
	s2 =	sshll.u32 s1, $0x7  }
0x6: {  	s7 =	simm.s32 $0x2;
	s12 =	simm.s32 $0x0;
	s1 =	ssub.s32 $0x4000, s2  }
0x7: {  	s8 =	simm.s32 $0x20000;
	s13 =	simm.s32 $0x0;
	s3 =	sand.u32 $0xF80, s1  }
0x8: {  	s9 =	simm.s32 $0x0;
	s5 =	sshrl.u32 s1, $0xC;
	p0 =	sne.s32 s3, $0x0  }
.Ltmp0:
0x9: {  	s1 =	rddreg [dreg:$0x2];
	s4 =	simm.s32 @!p0 $0x0;
	(pc) =	sbr.rel .LBB1_1-.Ltmp0, $4  }
0xa: {  	s11 =	simm.s32 $0x0;
	s3 =	rddreg [dreg:$0x1];
	s5 =	sadd.s32 s4, s5  }
0xb: {  	_ =	strace $0x8000004D;
	s4 =	simm.s32 $0x1;
	s5 =	smul.u32 $0x32, s5  }
0xc: {  	s6 =	sadd.s32 $0xE00, s6;
	s10 =	smov.u32 s2;
	[sflag:s4] =	ssyncpa.u1 $0x0  }
0xd: {  	p0 =	por $0x0, $0x0;
	[sflag:s7] =	ssyncpa.u1 $0x0;
	s7 =	sor.u32 $0x1, s5  }
.LBB1_4:
0xe: {  	s16 =	sshll.u32 s13, $0x3;
	s17 =	sand.u32 $0x78, s13  }
0xf: {  	s30 =	sand.u32 $0x1F800, s13;
	s12 =	sshll.u32 s12, $0x11;
	s16 =	sand.u32 $0x3C00, s16  }
0x10: {  	[tilespmem:s15+$0x810 ss:$0x81] =	vst.msk $0xffff, v2;
	s31 =	sand.u32 $0x7, s13;
	s16 =	sor.u32 s17, s16;
	s17 =	sadd.s32 s3, s30  }
0x11: {  	[tilespmem:s15+$0x1020 ss:$0x81] =	vst.msk $0xffff, v0;
	s13 =	sshll.u32 s31, $0x12;
	s12 =	sadd.s32 s12, s17;
	s16 =	sshrl.u32 s16, $0x3  }
0x12: {  	[tilespmem:s15+$0x0 ss:$0x81] =	vst.msk $0xffff, v1;
	s13 =	sor.u32 $0x400, s13;
	s12 =	sadd.s32 s16, s12  }
0x13: {  	[hbm4b:s12+s13] =	stream.strided.scatter [tilespmem:s14], [sflag:$0x2], $0x2000, s8, s13, $0x20;
	[tilespmem:$0x8080] =	vst v63  }
.LBB1_5:
0x14: {  	s14 =	sadd.s32 $0x1, s9  }
0x15: {  	s12 =	sadd.s32 $0x1000, s10;
	s16 =	smov.u32 s10;
	p2 =	sgt.s32 s14, $0x31  }
0x16: {  	s16 =	smov.u32 @p2 s12  }
0x17: {  	s14 =	simm.s32 @p2 $0x0;
	p2 =	sgt.s32 s16, $0x3FFF  }
0x18: {  	s16 =	smov.u32 @p2 s2;
	p2 =	sne.s32 s11, s7  }
.Ltmp1:
0x19: {  	p1 =	slt.u32 s11, $0x2;
	(pc) =	sbr.rel @!p2 .LBB1_6-.Ltmp1, $4  }
0x1a: {  	s15 =	simm.s32 @!p1 $0x2  }
0x1b: {  	s13 =	smov.u32 s10;
	p0 =	por !p0, !p0;
	_ =	swait.ge @!p1 [sflag:s15], $0x2000  }
0x1c: {  	s12 =	smov.u32 s9;
	[sflag:s15] =	ssyncset.done @!p1 $0x0;
	s9 =	smov.u32 s14  }
0x1d: {  	s11 =	sadd.s32 $0x1, s11;
	[sflag:s15] =	ssyncadd.s32 @!p1 $0xFFFFE000;
	s10 =	smov.u32 s16  }
.LBB1_1:
0x1e: {  	p1 =	sge.u32 s11, s5  }
0x1f: {  	s14 =	sand.u32 @!p1 $0x1FFFFFF, s9  }
0x20: {  	s15 =	smulhi.u32 @!p1 $0x4924925, s14;
	_ =	sdelay $0x1  }
0x21: {  	s15 =	smul.u32 @!p1 $0x38, s15  }
0x22: {  	s16 =	sxor.u32 @!p1 $0xFFFFFFFF, s11;
	s17 =	smul.u32 @!p1 $0x380, s10  }
0x23: {  	s31 =	sadd.s32 $0xFFFFFFFF, s11;
	s16 =	sshll.u32 @!p1 s16, $0xD;
	s14 =	ssub.s32 @!p1 s14, s15  }
0x24: {  	s15 =	sand.u32 @!p1 $0x2000, s16;
	s16 =	sadd.s32 @!p1 s6, s17;
	s14 =	sshll.u32 @!p1 s14, $0x4  }
0x25: {  	s17 =	simm.s32 @!p1 $0x1C00;
	s14 =	sadd.s32 @!p1 s14, s16;
	s16 =	simm.s32 @!p1 $0x40  }
0x26: {  	[tilespmem:s15], [sflag:$0x1] =	stream.strided.gather @!p1 [hbm4b:s14+s16], $0x2000, s17, s16, $0x38;
	[tilespmem:$0x8080] =	vst v63  }
0x27: {  	p1 =	sge.u32 s31, s5  }
.Ltmp2:
0x28: {  	_ = 	snop;
	(pc) =	sbr.rel @p1 .LBB1_5-.Ltmp2, $1  }
0x29: {  	_ =	sdelay $0x3  }
0x2a: {  	s14 =	simm.s32 $0x1  }
0x2b: {  	_ =	swait.ge [sflag:s4], $0x2000;
	s14 =	simm.s32 @!p0 $0x0  }
0x2c: {  	[sflag:s4] =	ssyncset.done $0x0;
	s15 =	sshll.u32 s14, $0xD  }
0x2d: {  	[sflag:s4] =	ssyncadd.s32 $0xFFFFE000;
	s18 =	sor.u32 $0x20, s15  }
0x2e: {  	s14 =	smul.u32 $0x8100, s14;
	v3 =	vld [tilespmem:s18+$0x10]  }
0x2f: {  	s30 =	sand.u32 $0x1, s11;
	v2 =	vld [tilespmem:s18+$0xFFFFFFF0]  }
0x30: {  	s15 =	smul.u32 $0x8100, s30;
	s14 =	sshrl.u32 s14, $0x2;
	v0 =	vld [tilespmem:s18+$0x0]  }
0x31: {  	v1 =	vld [tilespmem:s18+$0xFFFFFFE0];
	s16 =	sor.u32 $0x4000, s14  }
0x32: {  	s31 =	sshrl.u32 s15, $0x2;
	s15 =	sadd.s32 $0x0, s16  }
0x33: {  	s17 =	simm.s32 $0x4;
	s18 =	sadd.s32 $0x40, s18;
	s14 =	sor.u32 $0x4000, s31;
	[tilespmem:s15+$0x1830 ss:$0x81] =	vst.msk $0xffff, v3  }
.LBB1_3:
0x34: {  	v3 =	vld [tilespmem:s18+$0x10];
	p1 =	sne.s32 s17, $0x1FC;
	[tilespmem:s15+$0x810 ss:$0x81] =	vst.msk $0xffff, v2;
	s19 =	smov.u32 s17;
	s17 =	sadd.s32 $0x4, s17  }
.Ltmp3:
0x35: {  	v2 =	vld [tilespmem:s18+$0xFFFFFFF0];
	[tilespmem:s15+$0x1020 ss:$0x81] =	vst.msk $0xffff, v0;
	(pc) =	sbr.rel @p1 .LBB1_3-.Ltmp3, $4  }
0x36: {  	v0 =	vld [tilespmem:s18+$0x0];
	[tilespmem:s15+$0x0 ss:$0x81] =	vst.msk $0xffff, v1  }
0x37: {  	s15 =	sshra.s32 s19, $0x2;
	v1 =	vld [tilespmem:s18+$0xFFFFFFE0]  }
0x38: {  	s15 =	sadd.s32 s15, s16  }
0x39: {  	s18 =	sadd.s32 $0x40, s18;
	[tilespmem:s15+$0x1830 ss:$0x81] =	vst.msk $0xffff, v3  }
.Ltmp4:
0x3a: {  	_ = 	snop;
	(pc) =	sbr.rel .LBB1_4-.Ltmp4, $1  }
0x3b: {  	_ =	sdelay $0x3  }
.LBB1_6:
0x3c: {  	_ =	sfence.sel $0x180000  }
0x3d: {  	s2 =	simm.s32 $0x1;
	[bflag:$0x0] =	sbarrier.arrive $0xFFFF  }
0x3e: {  	s31 =	simm.s32 $0x2;
	[sflag:s2] =	ssyncpa.u1 $0x1  }
0x3f: {  	[sflag:s31] =	ssyncpa.u1 $0x1  }
0x40: {  	p0 =	sne.s32 s0, $0x0;
	_ =	strace $0x9000004D  }
0x41: {  	s0 =	sadd.s32 @!p0 $0x100000, s1;
	[bflag:$0x2] =	sbarrier.arrive $0xFFFF  }
0x42: {  	[sflag:s0] =	ssyncadd.tile.s32 @!p0 $0x1;
	_ =	shalt  }
.Lfunc_end1:
_tile_overlayer_lowered:
.L_overlay_start_2:
0x43: {  	(tag) =	ssettag $0x2  }
0x44: {  	s0 =	rddreg [dreg:$0x0];
	s2 =	stileid.u32  }
0x45: {  	s1 =	rddreg [dreg:$0x1];
	p0 =	sne.s32 s2, $0x0  }
0x46: {  	s3 =	rddreg [dreg:$0x2];
	[bflag:$0x3] =	sbarrier.arrive $0xFFFF;
	s2 =	simm.s32 @!p0 $0x1C01  }
0x47: {  	[timem:s3], [sflag:s2] =	dma.local @!p0 [hbm:s0], s1  }
0x48: {  	s0 =	simm.s32 @!p0 $0x1  }
0x49: {  	_ =	swait.ge @!p0 [sflag:s0], s1  }
0x4a: {  	s1 =	ssub.s32 @!p0 $0x0, s1;
	[sflag:s0] =	ssyncset.done @!p0 $0x0  }
0x4b: {  	[sflag:s0] =	ssyncadd.s32 @!p0 s1  }
0x4c: {  	[bflag:$0x3] =	sbarrier.arrive $0xFFFF  }
0x4d: {  	_ =	shalt  }

</sc_bundles>
